<compile_context>
chip_gen: v7x
topology: tpu7x:2x2x1
jax: 0.10.2.dev20260603
libtpu: 0.0.44.dev20260713+nightly
codegen_flags: <defaults>
</compile_context>

<pallas_src>
import functools

import jax
import jax.numpy as jnp
from jax import lax
from jax.experimental import pallas as pl
from jax.experimental.pallas import tpu as pltpu
from jax.experimental.pallas import tpu_sc as plsc

N = 10000
E = 320000
F_IN = 128
H1 = 128
H2 = 64

NC = 2
NS = 16
NW = NC * NS
EPW = E // NW
K = 128
NFULL = EPW // K
REM = EPW - NFULL * K
RPS_A = 632
RPS_LAST = N - (NS - 1) * RPS_A
DEGW = 16

_MESH = dict(core_axis_name="c", subcore_axis_name="s")


def _per_rows(s, fn):
    @pl.when(s < NS - 1)
    def _():
        fn(s * RPS_A, RPS_A)

    @pl.when(s == NS - 1)
    def _():
        fn((NS - 1) * RPS_A, RPS_LAST)


KD = 400
NDC = EPW // KD
NDP = NDC // 2


@functools.partial(
    pl.kernel,
    out_type=jax.ShapeDtypeStruct((NC, N, DEGW), jnp.float32),
    mesh=plsc.VectorSubcoreMesh(**_MESH),
    compiler_params=pltpu.CompilerParams(use_tc_tiling_on_sc=False),
    scratch_types=[
        pltpu.VMEM((KD,), jnp.int32),
        pltpu.VMEM((KD,), jnp.int32),
        pltpu.VMEM((KD, DEGW), jnp.float32),
        pltpu.VMEM_SHARED((N, DEGW), jnp.float32),
        pltpu.SemaphoreType.DMA,
        pltpu.SemaphoreType.DMA,
    ],
)
def _deg_kernel(edge_hbm, ones_hbm, seed_hbm, out_hbm, idx_a, idx_b, ones_v,
                accum, sem_a, sem_b):
    c = lax.axis_index("c")
    s = lax.axis_index("s")
    base = (c * NS + s) * EPW
    _per_rows(s, lambda r0, n: pltpu.sync_copy(
        seed_hbm.at[c, pl.ds(0, n)], accum.at[pl.ds(r0, n)]))
    pltpu.sync_copy(ones_hbm, ones_v)
    plsc.subcore_barrier()

    def fire(idx, sem, off):
        pltpu.sync_copy(edge_hbm.at[1, pl.ds(off, KD)], idx)
        pltpu.async_copy(ones_v, accum.at[idx], sem, add=True)

    def drain(idx, sem):
        pltpu.make_async_copy(ones_v, accum.at[idx], sem).wait()

    fire(idx_a, sem_a, base)
    fire(idx_b, sem_b, base + KD)

    def body(j, carry):
        off = base + (2 * j) * KD
        drain(idx_a, sem_a)
        fire(idx_a, sem_a, off)
        drain(idx_b, sem_b)
        fire(idx_b, sem_b, off + KD)
        return carry

    lax.fori_loop(1, NDP, body, 0)
    drain(idx_a, sem_a)
    fire(idx_a, sem_a, base + 2 * NDP * KD)
    drain(idx_b, sem_b)
    drain(idx_a, sem_a)
    plsc.subcore_barrier()
    _per_rows(s, lambda r0, n: pltpu.sync_copy(
        accum.at[pl.ds(r0, n)], out_hbm.at[c, pl.ds(r0, n)]))


KC = 624


def _make_agg(D, feature_split):
    epw = E // NS if feature_split else E // NW
    nfull = epw // KC
    ngrp = nfull // 2
    tail = nfull - 2 * ngrp
    rem = epw - nfull * KC
    assert KC % 8 == 0 and rem % 8 == 0

    scr = []
    for _set in range(2):
        scr += [
            pltpu.VMEM((KC,), jnp.int32),
            pltpu.VMEM((KC,), jnp.int32),
            pltpu.VMEM((KC, D), jnp.float32),
        ]
    scr += [
        pltpu.VMEM((max(rem, 8),), jnp.int32),
        pltpu.VMEM((max(rem, 8),), jnp.int32),
        pltpu.VMEM_SHARED((N, D), jnp.float32),
        pltpu.SemaphoreType.DMA,
        pltpu.SemaphoreType.DMA,
        pltpu.SemaphoreType.DMA,
        pltpu.SemaphoreType.DMA,
    ]

    @functools.partial(
        pl.kernel,
        out_type=jax.ShapeDtypeStruct((NC, N, D), jnp.float32),
        mesh=plsc.VectorSubcoreMesh(**_MESH),
        compiler_params=pltpu.CompilerParams(use_tc_tiling_on_sc=False),
        scratch_types=scr,
    )
    def agg(edge_hbm, table_a, table_b, out_hbm, *scrargs):
        sets = [dict(src=scrargs[3 * k], dst=scrargs[3 * k + 1],
                     rows=scrargs[3 * k + 2],
                     gsem=scrargs[9 + 2 * k], ssem=scrargs[10 + 2 * k])
                for k in range(2)]
        srcr_v, dstr_v, accum = scrargs[6], scrargs[7], scrargs[8]
        c = lax.axis_index("c")
        s = lax.axis_index("s")
        base = s * epw if feature_split else (c * NS + s) * epw

        def seed(table_hbm):
            _per_rows(s, lambda r0, n: pltpu.sync_copy(
                table_hbm.at[pl.ds(r0, n)], accum.at[pl.ds(r0, n)]))

        def run(table_hbm):
            def fire_gather(st, off):
                pltpu.sync_copy(edge_hbm.at[0, pl.ds(off, KC)], st["src"])
                pltpu.sync_copy(edge_hbm.at[1, pl.ds(off, KC)], st["dst"])
                pltpu.async_copy(table_hbm.at[st["src"]], st["rows"],
                                 st["gsem"])

            def drain_gather_fire_scatter(st):
                pltpu.make_async_copy(table_hbm.at[st["src"]], st["rows"],
                                      st["gsem"]).wait()
                pltpu.async_copy(st["rows"], accum.at[st["dst"]],
                                 st["ssem"], add=True)

            def drain_scatter(st):
                pltpu.make_async_copy(st["rows"], accum.at[st["dst"]],
                                      st["ssem"]).wait()

            fire_gather(sets[0], base)
            fire_gather(sets[1], base + KC)
            drain_gather_fire_scatter(sets[0])
            drain_gather_fire_scatter(sets[1])

            def body(m, carry):
                off = base + m * 2 * KC
                drain_scatter(sets[0])
                fire_gather(sets[0], off)
                drain_scatter(sets[1])
                fire_gather(sets[1], off + KC)
                drain_gather_fire_scatter(sets[0])
                drain_gather_fire_scatter(sets[1])
                return carry

            lax.fori_loop(1, ngrp, body, 0)
            drain_scatter(sets[0])
            if tail:
                fire_gather(sets[0], base + 2 * ngrp * KC)
                drain_scatter(sets[1])
                drain_gather_fire_scatter(sets[0])
                drain_scatter(sets[0])
            else:
                drain_scatter(sets[1])
            if rem:
                off = base + nfull * KC
                rrows = sets[0]["rows"].at[pl.ds(0, rem)]
                pltpu.sync_copy(edge_hbm.at[0, pl.ds(off, rem)], srcr_v)
                pltpu.sync_copy(edge_hbm.at[1, pl.ds(off, rem)], dstr_v)
                pltpu.async_copy(table_hbm.at[srcr_v], rrows,
                                 sets[0]["gsem"]).wait()
                pltpu.sync_copy(rrows, accum.at[dstr_v], add=True)

        if feature_split:
            @pl.when(c == 0)
            def _():
                seed(table_a)
                plsc.subcore_barrier()
                run(table_a)

            @pl.when(c != 0)
            def _():
                seed(table_b)
                plsc.subcore_barrier()
                run(table_b)
        else:
            seed(table_a)
            plsc.subcore_barrier()
            run(table_a)

        plsc.subcore_barrier()
        _per_rows(s, lambda r0, n: pltpu.sync_copy(
            accum.at[pl.ds(r0, n)], out_hbm.at[c, pl.ds(r0, n)]))

    return agg


_agg1 = _make_agg(H1 // 2, True)
_agg2 = _make_agg(H2, False)


_BM = 2000


def _prep_body(x_ref, w1_ref, d0_ref, d1_ref, tlo_ref, thi_ref, dinv_ref):
    deg = d0_ref[0, :, 0] + d1_ref[0, :, 0]
    dinv = lax.rsqrt(deg)
    xw = jnp.dot(x_ref[...], w1_ref[...], preferred_element_type=jnp.float32)
    t = xw * dinv[:, None]
    tlo_ref[...] = t[:, :H1 // 2]
    thi_ref[...] = t[:, H1 // 2:]
    dinv_ref[...] = dinv[:, None]


_prep = pl.pallas_call(
    _prep_body,
    grid=(N // _BM,),
    in_specs=[
        pl.BlockSpec((_BM, F_IN), lambda i: (i, 0)),
        pl.BlockSpec((F_IN, H1), lambda i: (0, 0)),
        pl.BlockSpec((1, _BM, DEGW), lambda i: (0, i, 0)),
        pl.BlockSpec((1, _BM, DEGW), lambda i: (1, i, 0)),
    ],
    out_specs=[
        pl.BlockSpec((_BM, H1 // 2), lambda i: (i, 0)),
        pl.BlockSpec((_BM, H1 // 2), lambda i: (i, 0)),
        pl.BlockSpec((_BM, 1), lambda i: (i, 0)),
    ],
    out_shape=[
        jax.ShapeDtypeStruct((N, H1 // 2), jnp.float32),
        jax.ShapeDtypeStruct((N, H1 // 2), jnp.float32),
        jax.ShapeDtypeStruct((N, 1), jnp.float32),
    ],
)


def _mid_body(plo_ref, phi_ref, dinv_ref, b1_ref, w2_ref, t2_ref):
    dinv = dinv_ref[...]
    agg = jnp.concatenate([plo_ref[0], phi_ref[0]], axis=1)
    h = jnp.maximum(agg * dinv + b1_ref[...][None, :], 0.0)
    t2 = jnp.dot(h, w2_ref[...], preferred_element_type=jnp.float32)
    t2_ref[...] = t2 * dinv


_mid = pl.pallas_call(
    _mid_body,
    grid=(N // _BM,),
    in_specs=[
        pl.BlockSpec((1, _BM, H1 // 2), lambda i: (0, i, 0)),
        pl.BlockSpec((1, _BM, H1 // 2), lambda i: (1, i, 0)),
        pl.BlockSpec((_BM, 1), lambda i: (i, 0)),
        pl.BlockSpec((H1,), lambda i: (0,)),
        pl.BlockSpec((H1, H2), lambda i: (0, 0)),
    ],
    out_specs=pl.BlockSpec((_BM, H2), lambda i: (i, 0)),
    out_shape=jax.ShapeDtypeStruct((N, H2), jnp.float32),
)


def _fin_body(q0_ref, q1_ref, t2_ref, dinv_ref, b2_ref, out_ref):
    agg = q0_ref[0] + q1_ref[0] - t2_ref[...]
    out_ref[...] = agg * dinv_ref[...] + b2_ref[...][None, :]


_fin = pl.pallas_call(
    _fin_body,
    grid=(N // _BM,),
    in_specs=[
        pl.BlockSpec((1, _BM, H2), lambda i: (0, i, 0)),
        pl.BlockSpec((1, _BM, H2), lambda i: (1, i, 0)),
        pl.BlockSpec((_BM, H2), lambda i: (i, 0)),
        pl.BlockSpec((_BM, 1), lambda i: (i, 0)),
        pl.BlockSpec((H2,), lambda i: (0,)),
    ],
    out_specs=pl.BlockSpec((_BM, H2), lambda i: (i, 0)),
    out_shape=jax.ShapeDtypeStruct((N, H2), jnp.float32),
)


def kernel(x, edge_index, W1, b1, W2, b2):
    ones_deg = jnp.ones((KD, DEGW), jnp.float32)
    seed_deg = jnp.stack([jnp.ones((RPS_A, DEGW), jnp.float32),
                          jnp.zeros((RPS_A, DEGW), jnp.float32)])

    deg = _deg_kernel(edge_index, ones_deg, seed_deg)
    t1_lo, t1_hi, dinv = _prep(x, W1, deg, deg)
    p = _agg1(edge_index, t1_lo, t1_hi)
    table2 = _mid(p, p, dinv, b1, W2)
    q = _agg2(edge_index, table2, table2)
    return _fin(q, q, table2, dinv, b2)

# --- scband reference (transcript-rebuilt; emitter-appended) ---
"""Pipeline reference for scband-server-gcnv2-74345883894178 (READ-ONLY COPY).

The authoritative reference and input builder live on the scoring server;
editing this copy changes nothing except your own understanding.
"""

import jax, jax.numpy as jnp
import numpy as np

N_NODES = 10000
N_EDGES = 320000
IN_FEAT = 128
HIDDEN_DIMS = [128, 64]


def _glorot(key, shape):
    limit = jnp.sqrt(6.0 / (shape[0] + shape[1]))
    return jax.random.uniform(key, shape, jnp.float32, -limit, limit)


def setup_inputs(seed: int = 0) -> dict:
    key = jax.random.key(seed)
    k_x, k_e, k_w1, k_w2 = jax.random.split(key, 4)
    x = jax.random.normal(k_x, (N_NODES, IN_FEAT), dtype=jnp.float32)
    edge_index = jax.random.randint(k_e, (2, N_EDGES), 0, N_NODES, dtype=jnp.int64 if jax.config.jax_enable_x64 else jnp.int32).astype(jnp.int32)
    W1 = _glorot(k_w1, (IN_FEAT, HIDDEN_DIMS[0]))
    b1 = jnp.zeros((HIDDEN_DIMS[0],), dtype=jnp.float32)
    W2 = _glorot(k_w2, (HIDDEN_DIMS[0], HIDDEN_DIMS[1]))
    b2 = jnp.zeros((HIDDEN_DIMS[1],), dtype=jnp.float32)
    return {"x": x, "edge_index": edge_index, "W1": W1, "b1": b1, "W2": W2, "b2": b2}


def _gcn_conv(x, src, dst, W, b, num_nodes):
    # PyG GCNConv: add self-loops, symmetric normalization D^-1/2 (A+I) D^-1/2 X W + b
    loop = jnp.arange(num_nodes, dtype=src.dtype)
    src_sl = jnp.concatenate([src, loop], axis=0)
    dst_sl = jnp.concatenate([dst, loop], axis=0)
    deg = jnp.zeros((num_nodes,), dtype=x.dtype).at[dst_sl].add(1.0)
    deg_inv_sqrt = jnp.where(deg > 0, deg ** -0.5, 0.0)
    norm = deg_inv_sqrt[src_sl] * deg_inv_sqrt[dst_sl]
    xw = x @ W
    msg = jnp.take(xw, src_sl, axis=0) * norm[:, None]
    out = jnp.zeros((num_nodes, W.shape[1]), dtype=x.dtype).at[dst_sl].add(msg)
    return out + b


def reference(x, edge_index, W1, b1, W2, b2):
    # serverGCNv2 / GCNv2 forward with dropout=0 (eval): relu after all but last layer
    src = edge_index[0]
    dst = edge_index[1]
    h = _gcn_conv(x, src, dst, W1, b1, N_NODES)
    h = jax.nn.relu(h)
    logits = _gcn_conv(h, src, dst, W2, b2, N_NODES)
    return logits

if __name__ == "__main__":
    import jax
    _d = setup_inputs()
    print(jax.jit(kernel)(*tuple(_d.values())))

</pallas_src>

<mosaic_0001>
#map = affine_map<(d0, d1) -> (0, 0)>
#map1 = affine_map<(d0, d1) -> (0, 0, 0)>
module attributes {stable_mosaic.version = 14 : i64} {
  func.func @agg(%arg0: i32, %arg1: i32, %arg2: memref<2x320000xi32, #tpu.memory_space<hbm>>, %arg3: memref<10000x64xf32, #tpu.memory_space<hbm>>, %arg4: memref<10000x64xf32, #tpu.memory_space<hbm>>, %arg5: memref<2x10000x64xf32, #tpu.memory_space<hbm>>, %arg6: memref<624xi32, #tpu.memory_space<vmem>>, %arg7: memref<624xi32, #tpu.memory_space<vmem>>, %arg8: memref<624x64xf32, #tpu.memory_space<vmem>>, %arg9: memref<624xi32, #tpu.memory_space<vmem>>, %arg10: memref<624xi32, #tpu.memory_space<vmem>>, %arg11: memref<624x64xf32, #tpu.memory_space<vmem>>, %arg12: memref<32xi32, #tpu.memory_space<vmem>>, %arg13: memref<32xi32, #tpu.memory_space<vmem>>, %arg14: memref<10000x64xf32, #tpu.memory_space<vmem_shared>>, %arg15: memref<!tpu.dma_semaphore, #tpu.memory_space<semaphore_mem>>, %arg16: memref<!tpu.dma_semaphore, #tpu.memory_space<semaphore_mem>>, %arg17: memref<!tpu.dma_semaphore, #tpu.memory_space<semaphore_mem>>, %arg18: memref<!tpu.dma_semaphore, #tpu.memory_space<semaphore_mem>>) attributes {dimension_semantics = [#tpu.dimension_semantics<core_parallel>, #tpu.dimension_semantics<subcore_parallel>], iteration_bounds = array<i64: 2, 16>, scalar_prefetch = 0 : i64, scratch_operands = 13 : i64, tpu.core_type = #tpu.core_type<sc_vector_subcore>, window_params = [{transform_indices = #map}, {transform_indices = #map}, {transform_indices = #map}, {transform_indices = #map1}]} {
    %mul3A = arith.constant 20000 : i32
    %mul3A_0 = arith.muli %arg1, %mul3A : i32
    %eq3A = arith.constant 0 : i32
    %eq3A_1 = arith.cmpi eq, %arg0, %eq3A : i32
    %convert_element_type3A = arith.extui %eq3A_1 : i1 to i32
    %cond3A = arith.constant 0 : i32
    %cond3A_2 = arith.cmpi ne, %convert_element_type3A, %cond3A : i32
    scf.if %cond3A_2 {
      %lt3A_16 = arith.constant 15 : i32
      %lt3A_17 = arith.cmpi slt, %arg1, %lt3A_16 : i32
      %convert_element_type3A_18 = arith.extui %lt3A_17 : i1 to i32
      %cond3A_19 = arith.constant 0 : i32
      %cond3A_20 = arith.cmpi ne, %convert_element_type3A_18, %cond3A_19 : i32
      scf.if %cond3A_20 {
        %mul3A_74 = arith.constant 632 : i32
        %mul3A_75 = arith.muli %arg1, %mul3A_74 : i32
        "tpu.region"() ({
          %run_scoped3A_76 = tpu.sem_alloc : memref<!tpu.dma_semaphore, #tpu.memory_space<semaphore_mem>>
          %dma_start3A_77 = arith.constant 0 : i32
          %dma_start3A_78 = tpu.memref_slice %arg14[%mul3A_75, %dma_start3A_77] : memref<10000x64xf32, #tpu.memory_space<vmem_shared>> -> memref<632x64xf32, #tpu.memory_space<vmem_shared>>
          %dma_start3A_79 = arith.constant 0 : i32
          %dma_start3A_80 = tpu.memref_slice %arg3[%mul3A_75, %dma_start3A_79] : memref<10000x64xf32, #tpu.memory_space<hbm>> -> memref<632x64xf32, #tpu.memory_space<hbm>>
          tpu.enqueue_dma source(%dma_start3A_80 : memref<632x64xf32, #tpu.memory_space<hbm>>) target(%dma_start3A_78 : memref<632x64xf32, #tpu.memory_space<vmem_shared>>) target_semaphore(%run_scoped3A_76 : memref<!tpu.dma_semaphore, #tpu.memory_space<semaphore_mem>>)
          %dma_wait3A_81 = arith.constant 0 : i32
          %dma_wait3A_82 = tpu.memref_slice %arg14[%mul3A_75, %dma_wait3A_81] : memref<10000x64xf32, #tpu.memory_space<vmem_shared>> -> memref<632x64xf32, #tpu.memory_space<vmem_shared>>
          %dma_wait3A_83 = arith.constant 0 : i32
          %dma_wait3A_84 = tpu.memref_slice %arg3[%mul3A_75, %dma_wait3A_83] : memref<10000x64xf32, #tpu.memory_space<hbm>> -> memref<632x64xf32, #tpu.memory_space<hbm>>
          tpu.wait_dma2 semaphore(%run_scoped3A_76 : memref<!tpu.dma_semaphore, #tpu.memory_space<semaphore_mem>>) src(%dma_wait3A_84 : memref<632x64xf32, #tpu.memory_space<hbm>>) dst(%dma_wait3A_82 : memref<632x64xf32, #tpu.memory_space<vmem_shared>>)
          tpu.yield
        }) : () -> ()
      } else {
      }
      %eq3A_21 = arith.constant 15 : i32
      %eq3A_22 = arith.cmpi eq, %arg1, %eq3A_21 : i32
      %convert_element_type3A_23 = arith.extui %eq3A_22 : i1 to i32
      %cond3A_24 = arith.constant 0 : i32
      %cond3A_25 = arith.cmpi ne, %convert_element_type3A_23, %cond3A_24 : i32
      scf.if %cond3A_25 {
        "tpu.region"() ({
          %run_scoped3A_74 = tpu.sem_alloc : memref<!tpu.dma_semaphore, #tpu.memory_space<semaphore_mem>>
          %dma_start3A_75 = arith.constant 9480 : i32
          %dma_start3A_76 = arith.constant 0 : i32
          %dma_start3A_77 = tpu.memref_slice %arg14[%dma_start3A_75, %dma_start3A_76] : memref<10000x64xf32, #tpu.memory_space<vmem_shared>> -> memref<520x64xf32, #tpu.memory_space<vmem_shared>>
          %dma_start3A_78 = arith.constant 9480 : i32
          %dma_start3A_79 = arith.constant 0 : i32
          %dma_start3A_80 = tpu.memref_slice %arg3[%dma_start3A_78, %dma_start3A_79] : memref<10000x64xf32, #tpu.memory_space<hbm>> -> memref<520x64xf32, #tpu.memory_space<hbm>>
          tpu.enqueue_dma source(%dma_start3A_80 : memref<520x64xf32, #tpu.memory_space<hbm>>) target(%dma_start3A_77 : memref<520x64xf32, #tpu.memory_space<vmem_shared>>) target_semaphore(%run_scoped3A_74 : memref<!tpu.dma_semaphore, #tpu.memory_space<semaphore_mem>>)
          %dma_wait3A_81 = arith.constant 9480 : i32
          %dma_wait3A_82 = arith.constant 0 : i32
          %dma_wait3A_83 = tpu.memref_slice %arg14[%dma_wait3A_81, %dma_wait3A_82] : memref<10000x64xf32, #tpu.memory_space<vmem_shared>> -> memref<520x64xf32, #tpu.memory_space<vmem_shared>>
          %dma_wait3A_84 = arith.constant 9480 : i32
          %dma_wait3A_85 = arith.constant 0 : i32
          %dma_wait3A_86 = tpu.memref_slice %arg3[%dma_wait3A_84, %dma_wait3A_85] : memref<10000x64xf32, #tpu.memory_space<hbm>> -> memref<520x64xf32, #tpu.memory_space<hbm>>
          tpu.wait_dma2 semaphore(%run_scoped3A_74 : memref<!tpu.dma_semaphore, #tpu.memory_space<semaphore_mem>>) src(%dma_wait3A_86 : memref<520x64xf32, #tpu.memory_space<hbm>>) dst(%dma_wait3A_83 : memref<520x64xf32, #tpu.memory_space<vmem_shared>>)
          tpu.yield
        }) : () -> ()
      } else {
      }
      %barrier3A_26 = arith.constant 0 : index
      tpu.barrier barrier_id(%barrier3A_26)
      %run_scoped3A = arith.constant 0 : i32
      "tpu.region"() ({
        %run_scoped3A_74 = tpu.sem_alloc : memref<!tpu.dma_semaphore, #tpu.memory_space<semaphore_mem>>
        %dma_start3A_75 = tpu.memref_slice %arg2[%run_scoped3A, %mul3A_0] : memref<2x320000xi32, #tpu.memory_space<hbm>> -> memref<1x624xi32, #tpu.memory_space<hbm>>
        %dma_start3A_76 = tpu.memref_squeeze %dma_start3A_75 : memref<1x624xi32, #tpu.memory_space<hbm>> -> memref<624xi32, #tpu.memory_space<hbm>>
        %dma_start3A_77 = tpu.memref_slice %arg2[%run_scoped3A, %mul3A_0] : memref<2x320000xi32, #tpu.memory_space<hbm>> -> memref<1x624xi32, #tpu.memory_space<hbm>>
        %dma_start3A_78 = tpu.memref_squeeze %dma_start3A_77 : memref<1x624xi32, #tpu.memory_space<hbm>> -> memref<624xi32, #tpu.memory_space<hbm>>
        tpu.enqueue_dma source(%dma_start3A_78 : memref<624xi32, #tpu.memory_space<hbm>>) target(%arg6 : memref<624xi32, #tpu.memory_space<vmem>>) target_semaphore(%run_scoped3A_74 : memref<!tpu.dma_semaphore, #tpu.memory_space<semaphore_mem>>)
        %dma_wait3A_79 = tpu.memref_slice %arg2[%run_scoped3A, %mul3A_0] : memref<2x320000xi32, #tpu.memory_space<hbm>> -> memref<1x624xi32, #tpu.memory_space<hbm>>
        %dma_wait3A_80 = tpu.memref_squeeze %dma_wait3A_79 : memref<1x624xi32, #tpu.memory_space<hbm>> -> memref<624xi32, #tpu.memory_space<hbm>>
        %dma_wait3A_81 = tpu.memref_slice %arg2[%run_scoped3A, %mul3A_0] : memref<2x320000xi32, #tpu.memory_space<hbm>> -> memref<1x624xi32, #tpu.memory_space<hbm>>
        %dma_wait3A_82 = tpu.memref_squeeze %dma_wait3A_81 : memref<1x624xi32, #tpu.memory_space<hbm>> -> memref<624xi32, #tpu.memory_space<hbm>>
        tpu.wait_dma2 semaphore(%run_scoped3A_74 : memref<!tpu.dma_semaphore, #tpu.memory_space<semaphore_mem>>) src(%dma_wait3A_82 : memref<624xi32, #tpu.memory_space<hbm>>) dst(%arg6 : memref<624xi32, #tpu.memory_space<vmem>>)
        tpu.yield
      }) : () -> ()
      %run_scoped3A_27 = arith.constant 1 : i32
      "tpu.region"() ({
        %run_scoped3A_74 = tpu.sem_alloc : memref<!tpu.dma_semaphore, #tpu.memory_space<semaphore_mem>>
        %dma_start3A_75 = tpu.memref_slice %arg2[%run_scoped3A_27, %mul3A_0] : memref<2x320000xi32, #tpu.memory_space<hbm>> -> memref<1x624xi32, #tpu.memory_space<hbm>>
        %dma_start3A_76 = tpu.memref_squeeze %dma_start3A_75 : memref<1x624xi32, #tpu.memory_space<hbm>> -> memref<624xi32, #tpu.memory_space<hbm>>
        %dma_start3A_77 = tpu.memref_slice %arg2[%run_scoped3A_27, %mul3A_0] : memref<2x320000xi32, #tpu.memory_space<hbm>> -> memref<1x624xi32, #tpu.memory_space<hbm>>
        %dma_start3A_78 = tpu.memref_squeeze %dma_start3A_77 : memref<1x624xi32, #tpu.memory_space<hbm>> -> memref<624xi32, #tpu.memory_space<hbm>>
        tpu.enqueue_dma source(%dma_start3A_78 : memref<624xi32, #tpu.memory_space<hbm>>) target(%arg7 : memref<624xi32, #tpu.memory_space<vmem>>) target_semaphore(%run_scoped3A_74 : memref<!tpu.dma_semaphore, #tpu.memory_space<semaphore_mem>>)
        %dma_wait3A_79 = tpu.memref_slice %arg2[%run_scoped3A_27, %mul3A_0] : memref<2x320000xi32, #tpu.memory_space<hbm>> -> memref<1x624xi32, #tpu.memory_space<hbm>>
        %dma_wait3A_80 = tpu.memref_squeeze %dma_wait3A_79 : memref<1x624xi32, #tpu.memory_space<hbm>> -> memref<624xi32, #tpu.memory_space<hbm>>
        %dma_wait3A_81 = tpu.memref_slice %arg2[%run_scoped3A_27, %mul3A_0] : memref<2x320000xi32, #tpu.memory_space<hbm>> -> memref<1x624xi32, #tpu.memory_space<hbm>>
        %dma_wait3A_82 = tpu.memref_squeeze %dma_wait3A_81 : memref<1x624xi32, #tpu.memory_space<hbm>> -> memref<624xi32, #tpu.memory_space<hbm>>
        tpu.wait_dma2 semaphore(%run_scoped3A_74 : memref<!tpu.dma_semaphore, #tpu.memory_space<semaphore_mem>>) src(%dma_wait3A_82 : memref<624xi32, #tpu.memory_space<hbm>>) dst(%arg7 : memref<624xi32, #tpu.memory_space<vmem>>)
        tpu.yield
      }) : () -> ()
      %dma_start3A = arith.constant 0 : i32
      %dma_start3A_28 = arith.constant 0 : i32
      %dma_start3A_29 = tpu.memref_slice %arg3[%dma_start3A, %dma_start3A_28] : memref<10000x64xf32, #tpu.memory_space<hbm>> -> memref<10000x64xf32, #tpu.memory_space<hbm>>
      tpu.enqueue_indirect_dma source(%dma_start3A_29 : memref<10000x64xf32, #tpu.memory_space<hbm>>) target(%arg8 : memref<624x64xf32, #tpu.memory_space<vmem>>) offsets(%arg6 : memref<624xi32, #tpu.memory_space<vmem>>) semaphore(%arg15 : memref<!tpu.dma_semaphore, #tpu.memory_space<semaphore_mem>>)
      %add3A = arith.constant 624 : i32
      %add3A_30 = arith.addi %mul3A_0, %add3A : i32
      %run_scoped3A_31 = arith.constant 0 : i32
      "tpu.region"() ({
        %run_scoped3A_74 = tpu.sem_alloc : memref<!tpu.dma_semaphore, #tpu.memory_space<semaphore_mem>>
        %dma_start3A_75 = tpu.memref_slice %arg2[%run_scoped3A_31, %add3A_30] : memref<2x320000xi32, #tpu.memory_space<hbm>> -> memref<1x624xi32, #tpu.memory_space<hbm>>
        %dma_start3A_76 = tpu.memref_squeeze %dma_start3A_75 : memref<1x624xi32, #tpu.memory_space<hbm>> -> memref<624xi32, #tpu.memory_space<hbm>>
        %dma_start3A_77 = tpu.memref_slice %arg2[%run_scoped3A_31, %add3A_30] : memref<2x320000xi32, #tpu.memory_space<hbm>> -> memref<1x624xi32, #tpu.memory_space<hbm>>
        %dma_start3A_78 = tpu.memref_squeeze %dma_start3A_77 : memref<1x624xi32, #tpu.memory_space<hbm>> -> memref<624xi32, #tpu.memory_space<hbm>>
        tpu.enqueue_dma source(%dma_start3A_78 : memref<624xi32, #tpu.memory_space<hbm>>) target(%arg9 : memref<624xi32, #tpu.memory_space<vmem>>) target_semaphore(%run_scoped3A_74 : memref<!tpu.dma_semaphore, #tpu.memory_space<semaphore_mem>>)
        %dma_wait3A_79 = tpu.memref_slice %arg2[%run_scoped3A_31, %add3A_30] : memref<2x320000xi32, #tpu.memory_space<hbm>> -> memref<1x624xi32, #tpu.memory_space<hbm>>
        %dma_wait3A_80 = tpu.memref_squeeze %dma_wait3A_79 : memref<1x624xi32, #tpu.memory_space<hbm>> -> memref<624xi32, #tpu.memory_space<hbm>>
        %dma_wait3A_81 = tpu.memref_slice %arg2[%run_scoped3A_31, %add3A_30] : memref<2x320000xi32, #tpu.memory_space<hbm>> -> memref<1x624xi32, #tpu.memory_space<hbm>>
        %dma_wait3A_82 = tpu.memref_squeeze %dma_wait3A_81 : memref<1x624xi32, #tpu.memory_space<hbm>> -> memref<624xi32, #tpu.memory_space<hbm>>
        tpu.wait_dma2 semaphore(%run_scoped3A_74 : memref<!tpu.dma_semaphore, #tpu.memory_space<semaphore_mem>>) src(%dma_wait3A_82 : memref<624xi32, #tpu.memory_space<hbm>>) dst(%arg9 : memref<624xi32, #tpu.memory_space<vmem>>)
        tpu.yield
      }) : () -> ()
      %run_scoped3A_32 = arith.constant 1 : i32
      "tpu.region"() ({
        %run_scoped3A_74 = tpu.sem_alloc : memref<!tpu.dma_semaphore, #tpu.memory_space<semaphore_mem>>
        %dma_start3A_75 = tpu.memref_slice %arg2[%run_scoped3A_32, %add3A_30] : memref<2x320000xi32, #tpu.memory_space<hbm>> -> memref<1x624xi32, #tpu.memory_space<hbm>>
        %dma_start3A_76 = tpu.memref_squeeze %dma_start3A_75 : memref<1x624xi32, #tpu.memory_space<hbm>> -> memref<624xi32, #tpu.memory_space<hbm>>
        %dma_start3A_77 = tpu.memref_slice %arg2[%run_scoped3A_32, %add3A_30] : memref<2x320000xi32, #tpu.memory_space<hbm>> -> memref<1x624xi32, #tpu.memory_space<hbm>>
        %dma_start3A_78 = tpu.memref_squeeze %dma_start3A_77 : memref<1x624xi32, #tpu.memory_space<hbm>> -> memref<624xi32, #tpu.memory_space<hbm>>
        tpu.enqueue_dma source(%dma_start3A_78 : memref<624xi32, #tpu.memory_space<hbm>>) target(%arg10 : memref<624xi32, #tpu.memory_space<vmem>>) target_semaphore(%run_scoped3A_74 : memref<!tpu.dma_semaphore, #tpu.memory_space<semaphore_mem>>)
        %dma_wait3A_79 = tpu.memref_slice %arg2[%run_scoped3A_32, %add3A_30] : memref<2x320000xi32, #tpu.memory_space<hbm>> -> memref<1x624xi32, #tpu.memory_space<hbm>>
        %dma_wait3A_80 = tpu.memref_squeeze %dma_wait3A_79 : memref<1x624xi32, #tpu.memory_space<hbm>> -> memref<624xi32, #tpu.memory_space<hbm>>
        %dma_wait3A_81 = tpu.memref_slice %arg2[%run_scoped3A_32, %add3A_30] : memref<2x320000xi32, #tpu.memory_space<hbm>> -> memref<1x624xi32, #tpu.memory_space<hbm>>
        %dma_wait3A_82 = tpu.memref_squeeze %dma_wait3A_81 : memref<1x624xi32, #tpu.memory_space<hbm>> -> memref<624xi32, #tpu.memory_space<hbm>>
        tpu.wait_dma2 semaphore(%run_scoped3A_74 : memref<!tpu.dma_semaphore, #tpu.memory_space<semaphore_mem>>) src(%dma_wait3A_82 : memref<624xi32, #tpu.memory_space<hbm>>) dst(%arg10 : memref<624xi32, #tpu.memory_space<vmem>>)
        tpu.yield
      }) : () -> ()
      %dma_start3A_33 = arith.constant 0 : i32
      %dma_start3A_34 = arith.constant 0 : i32
      %dma_start3A_35 = tpu.memref_slice %arg3[%dma_start3A_33, %dma_start3A_34] : memref<10000x64xf32, #tpu.memory_space<hbm>> -> memref<10000x64xf32, #tpu.memory_space<hbm>>
      tpu.enqueue_indirect_dma source(%dma_start3A_35 : memref<10000x64xf32, #tpu.memory_space<hbm>>) target(%arg11 : memref<624x64xf32, #tpu.memory_space<vmem>>) offsets(%arg9 : memref<624xi32, #tpu.memory_space<vmem>>) semaphore(%arg17 : memref<!tpu.dma_semaphore, #tpu.memory_space<semaphore_mem>>)
      %dma_wait3A = arith.constant 0 : i32
      %dma_wait3A_36 = arith.constant 0 : i32
      %dma_wait3A_37 = tpu.memref_slice %arg3[%dma_wait3A, %dma_wait3A_36] : memref<10000x64xf32, #tpu.memory_space<hbm>> -> memref<10000x64xf32, #tpu.memory_space<hbm>>
      tpu.wait_indirect_dma semaphore(%arg15 : memref<!tpu.dma_semaphore, #tpu.memory_space<semaphore_mem>>) src(%dma_wait3A_37 : memref<10000x64xf32, #tpu.memory_space<hbm>>) dst(%arg8 : memref<624x64xf32, #tpu.memory_space<vmem>>)
      %dma_start3A_38 = arith.constant 0 : i32
      %dma_start3A_39 = arith.constant 0 : i32
      %dma_start3A_40 = tpu.memref_slice %arg14[%dma_start3A_38, %dma_start3A_39] : memref<10000x64xf32, #tpu.memory_space<vmem_shared>> -> memref<10000x64xf32, #tpu.memory_space<vmem_shared>>
      tpu.enqueue_indirect_dma source(%arg8 : memref<624x64xf32, #tpu.memory_space<vmem>>) target(%dma_start3A_40 : memref<10000x64xf32, #tpu.memory_space<vmem_shared>>) offsets(%arg7 : memref<624xi32, #tpu.memory_space<vmem>>) semaphore(%arg16 : memref<!tpu.dma_semaphore, #tpu.memory_space<semaphore_mem>>) {add = true}
      %dma_wait3A_41 = arith.constant 0 : i32
      %dma_wait3A_42 = arith.constant 0 : i32
      %dma_wait3A_43 = tpu.memref_slice %arg3[%dma_wait3A_41, %dma_wait3A_42] : memref<10000x64xf32, #tpu.memory_space<hbm>> -> memref<10000x64xf32, #tpu.memory_space<hbm>>
      tpu.wait_indirect_dma semaphore(%arg17 : memref<!tpu.dma_semaphore, #tpu.memory_space<semaphore_mem>>) src(%dma_wait3A_43 : memref<10000x64xf32, #tpu.memory_space<hbm>>) dst(%arg11 : memref<624x64xf32, #tpu.memory_space<vmem>>)
      %dma_start3A_44 = arith.constant 0 : i32
      %dma_start3A_45 = arith.constant 0 : i32
      %dma_start3A_46 = tpu.memref_slice %arg14[%dma_start3A_44, %dma_start3A_45] : memref<10000x64xf32, #tpu.memory_space<vmem_shared>> -> memref<10000x64xf32, #tpu.memory_space<vmem_shared>>
      tpu.enqueue_indirect_dma source(%arg11 : memref<624x64xf32, #tpu.memory_space<vmem>>) target(%dma_start3A_46 : memref<10000x64xf32, #tpu.memory_space<vmem_shared>>) offsets(%arg10 : memref<624xi32, #tpu.memory_space<vmem>>) semaphore(%arg18 : memref<!tpu.dma_semaphore, #tpu.memory_space<semaphore_mem>>) {add = true}
      %scan3A = arith.constant 0 : i32
      %scan3A_47 = arith.constant 1 : i32
      %scan3A_48 = arith.constant 15 : i32
      %scan3A_49 = arith.addi %scan3A_47, %scan3A_48 : i32
      %scan3A_50 = arith.constant 1 : i32
      scf.for %scan3A_74 = %scan3A_47 to %scan3A_49 step %scan3A_50  : i32 {
        %mul3A_75 = arith.constant 2 : i32
        %mul3A_76 = arith.muli %scan3A_74, %mul3A_75 : i32
        %mul3A_77 = arith.constant 624 : i32
        %mul3A_78 = arith.muli %mul3A_76, %mul3A_77 : i32
        %add3A_79 = arith.addi %mul3A_0, %mul3A_78 : i32
        %dma_wait3A_80 = arith.constant 0 : i32
        %dma_wait3A_81 = arith.constant 0 : i32
        %dma_wait3A_82 = tpu.memref_slice %arg14[%dma_wait3A_80, %dma_wait3A_81] : memref<10000x64xf32, #tpu.memory_space<vmem_shared>> -> memref<10000x64xf32, #tpu.memory_space<vmem_shared>>
        tpu.wait_indirect_dma semaphore(%arg16 : memref<!tpu.dma_semaphore, #tpu.memory_space<semaphore_mem>>) src(%arg8 : memref<624x64xf32, #tpu.memory_space<vmem>>) dst(%dma_wait3A_82 : memref<10000x64xf32, #tpu.memory_space<vmem_shared>>)
        %run_scoped3A_83 = arith.constant 0 : i32
        "tpu.region"() ({
          %run_scoped3A_110 = tpu.sem_alloc : memref<!tpu.dma_semaphore, #tpu.memory_space<semaphore_mem>>
          %dma_start3A_111 = tpu.memref_slice %arg2[%run_scoped3A_83, %add3A_79] : memref<2x320000xi32, #tpu.memory_space<hbm>> -> memref<1x624xi32, #tpu.memory_space<hbm>>
          %dma_start3A_112 = tpu.memref_squeeze %dma_start3A_111 : memref<1x624xi32, #tpu.memory_space<hbm>> -> memref<624xi32, #tpu.memory_space<hbm>>
          %dma_start3A_113 = tpu.memref_slice %arg2[%run_scoped3A_83, %add3A_79] : memref<2x320000xi32, #tpu.memory_space<hbm>> -> memref<1x624xi32, #tpu.memory_space<hbm>>
          %dma_start3A_114 = tpu.memref_squeeze %dma_start3A_113 : memref<1x624xi32, #tpu.memory_space<hbm>> -> memref<624xi32, #tpu.memory_space<hbm>>
          tpu.enqueue_dma source(%dma_start3A_114 : memref<624xi32, #tpu.memory_space<hbm>>) target(%arg6 : memref<624xi32, #tpu.memory_space<vmem>>) target_semaphore(%run_scoped3A_110 : memref<!tpu.dma_semaphore, #tpu.memory_space<semaphore_mem>>)
          %dma_wait3A_115 = tpu.memref_slice %arg2[%run_scoped3A_83, %add3A_79] : memref<2x320000xi32, #tpu.memory_space<hbm>> -> memref<1x624xi32, #tpu.memory_space<hbm>>
          %dma_wait3A_116 = tpu.memref_squeeze %dma_wait3A_115 : memref<1x624xi32, #tpu.memory_space<hbm>> -> memref<624xi32, #tpu.memory_space<hbm>>
          %dma_wait3A_117 = tpu.memref_slice %arg2[%run_scoped3A_83, %add3A_79] : memref<2x320000xi32, #tpu.memory_space<hbm>> -> memref<1x624xi32, #tpu.memory_space<hbm>>
          %dma_wait3A_118 = tpu.memref_squeeze %dma_wait3A_117 : memref<1x624xi32, #tpu.memory_space<hbm>> -> memref<624xi32, #tpu.memory_space<hbm>>
          tpu.wait_dma2 semaphore(%run_scoped3A_110 : memref<!tpu.dma_semaphore, #tpu.memory_space<semaphore_mem>>) src(%dma_wait3A_118 : memref<624xi32, #tpu.memory_space<hbm>>) dst(%arg6 : memref<624xi32, #tpu.memory_space<vmem>>)
          tpu.yield
        }) : () -> ()
        %run_scoped3A_84 = arith.constant 1 : i32
        "tpu.region"() ({
          %run_scoped3A_110 = tpu.sem_alloc : memref<!tpu.dma_semaphore, #tpu.memory_space<semaphore_mem>>
          %dma_start3A_111 = tpu.memref_slice %arg2[%run_scoped3A_84, %add3A_79] : memref<2x320000xi32, #tpu.memory_space<hbm>> -> memref<1x624xi32, #tpu.memory_space<hbm>>
          %dma_start3A_112 = tpu.memref_squeeze %dma_start3A_111 : memref<1x624xi32, #tpu.memory_space<hbm>> -> memref<624xi32, #tpu.memory_space<hbm>>
          %dma_start3A_113 = tpu.memref_slice %arg2[%run_scoped3A_84, %add3A_79] : memref<2x320000xi32, #tpu.memory_space<hbm>> -> memref<1x624xi32, #tpu.memory_space<hbm>>
          %dma_start3A_114 = tpu.memref_squeeze %dma_start3A_113 : memref<1x624xi32, #tpu.memory_space<hbm>> -> memref<624xi32, #tpu.memory_space<hbm>>
          tpu.enqueue_dma source(%dma_start3A_114 : memref<624xi32, #tpu.memory_space<hbm>>) target(%arg7 : memref<624xi32, #tpu.memory_space<vmem>>) target_semaphore(%run_scoped3A_110 : memref<!tpu.dma_semaphore, #tpu.memory_space<semaphore_mem>>)
          %dma_wait3A_115 = tpu.memref_slice %arg2[%run_scoped3A_84, %add3A_79] : memref<2x320000xi32, #tpu.memory_space<hbm>> -> memref<1x624xi32, #tpu.memory_space<hbm>>
          %dma_wait3A_116 = tpu.memref_squeeze %dma_wait3A_115 : memref<1x624xi32, #tpu.memory_space<hbm>> -> memref<624xi32, #tpu.memory_space<hbm>>
          %dma_wait3A_117 = tpu.memref_slice %arg2[%run_scoped3A_84, %add3A_79] : memref<2x320000xi32, #tpu.memory_space<hbm>> -> memref<1x624xi32, #tpu.memory_space<hbm>>
          %dma_wait3A_118 = tpu.memref_squeeze %dma_wait3A_117 : memref<1x624xi32, #tpu.memory_space<hbm>> -> memref<624xi32, #tpu.memory_space<hbm>>
          tpu.wait_dma2 semaphore(%run_scoped3A_110 : memref<!tpu.dma_semaphore, #tpu.memory_space<semaphore_mem>>) src(%dma_wait3A_118 : memref<624xi32, #tpu.memory_space<hbm>>) dst(%arg7 : memref<624xi32, #tpu.memory_space<vmem>>)
          tpu.yield
        }) : () -> ()
        %dma_start3A_85 = arith.constant 0 : i32
        %dma_start3A_86 = arith.constant 0 : i32
        %dma_start3A_87 = tpu.memref_slice %arg3[%dma_start3A_85, %dma_start3A_86] : memref<10000x64xf32, #tpu.memory_space<hbm>> -> memref<10000x64xf32, #tpu.memory_space<hbm>>
        tpu.enqueue_indirect_dma source(%dma_start3A_87 : memref<10000x64xf32, #tpu.memory_space<hbm>>) target(%arg8 : memref<624x64xf32, #tpu.memory_space<vmem>>) offsets(%arg6 : memref<624xi32, #tpu.memory_space<vmem>>) semaphore(%arg15 : memref<!tpu.dma_semaphore, #tpu.memory_space<semaphore_mem>>)
        %dma_wait3A_88 = arith.constant 0 : i32
        %dma_wait3A_89 = arith.constant 0 : i32
        %dma_wait3A_90 = tpu.memref_slice %arg14[%dma_wait3A_88, %dma_wait3A_89] : memref<10000x64xf32, #tpu.memory_space<vmem_shared>> -> memref<10000x64xf32, #tpu.memory_space<vmem_shared>>
        tpu.wait_indirect_dma semaphore(%arg18 : memref<!tpu.dma_semaphore, #tpu.memory_space<semaphore_mem>>) src(%arg11 : memref<624x64xf32, #tpu.memory_space<vmem>>) dst(%dma_wait3A_90 : memref<10000x64xf32, #tpu.memory_space<vmem_shared>>)
        %add3A_91 = arith.constant 624 : i32
        %add3A_92 = arith.addi %add3A_79, %add3A_91 : i32
        %run_scoped3A_93 = arith.constant 0 : i32
        "tpu.region"() ({
          %run_scoped3A_110 = tpu.sem_alloc : memref<!tpu.dma_semaphore, #tpu.memory_space<semaphore_mem>>
          %dma_start3A_111 = tpu.memref_slice %arg2[%run_scoped3A_93, %add3A_92] : memref<2x320000xi32, #tpu.memory_space<hbm>> -> memref<1x624xi32, #tpu.memory_space<hbm>>
          %dma_start3A_112 = tpu.memref_squeeze %dma_start3A_111 : memref<1x624xi32, #tpu.memory_space<hbm>> -> memref<624xi32, #tpu.memory_space<hbm>>
          %dma_start3A_113 = tpu.memref_slice %arg2[%run_scoped3A_93, %add3A_92] : memref<2x320000xi32, #tpu.memory_space<hbm>> -> memref<1x624xi32, #tpu.memory_space<hbm>>
          %dma_start3A_114 = tpu.memref_squeeze %dma_start3A_113 : memref<1x624xi32, #tpu.memory_space<hbm>> -> memref<624xi32, #tpu.memory_space<hbm>>
          tpu.enqueue_dma source(%dma_start3A_114 : memref<624xi32, #tpu.memory_space<hbm>>) target(%arg9 : memref<624xi32, #tpu.memory_space<vmem>>) target_semaphore(%run_scoped3A_110 : memref<!tpu.dma_semaphore, #tpu.memory_space<semaphore_mem>>)
          %dma_wait3A_115 = tpu.memref_slice %arg2[%run_scoped3A_93, %add3A_92] : memref<2x320000xi32, #tpu.memory_space<hbm>> -> memref<1x624xi32, #tpu.memory_space<hbm>>
          %dma_wait3A_116 = tpu.memref_squeeze %dma_wait3A_115 : memref<1x624xi32, #tpu.memory_space<hbm>> -> memref<624xi32, #tpu.memory_space<hbm>>
          %dma_wait3A_117 = tpu.memref_slice %arg2[%run_scoped3A_93, %add3A_92] : memref<2x320000xi32, #tpu.memory_space<hbm>> -> memref<1x624xi32, #tpu.memory_space<hbm>>
          %dma_wait3A_118 = tpu.memref_squeeze %dma_wait3A_117 : memref<1x624xi32, #tpu.memory_space<hbm>> -> memref<624xi32, #tpu.memory_space<hbm>>
          tpu.wait_dma2 semaphore(%run_scoped3A_110 : memref<!tpu.dma_semaphore, #tpu.memory_space<semaphore_mem>>) src(%dma_wait3A_118 : memref<624xi32, #tpu.memory_space<hbm>>) dst(%arg9 : memref<624xi32, #tpu.memory_space<vmem>>)
          tpu.yield
        }) : () -> ()
        %run_scoped3A_94 = arith.constant 1 : i32
        "tpu.region"() ({
          %run_scoped3A_110 = tpu.sem_alloc : memref<!tpu.dma_semaphore, #tpu.memory_space<semaphore_mem>>
          %dma_start3A_111 = tpu.memref_slice %arg2[%run_scoped3A_94, %add3A_92] : memref<2x320000xi32, #tpu.memory_space<hbm>> -> memref<1x624xi32, #tpu.memory_space<hbm>>
          %dma_start3A_112 = tpu.memref_squeeze %dma_start3A_111 : memref<1x624xi32, #tpu.memory_space<hbm>> -> memref<624xi32, #tpu.memory_space<hbm>>
          %dma_start3A_113 = tpu.memref_slice %arg2[%run_scoped3A_94, %add3A_92] : memref<2x320000xi32, #tpu.memory_space<hbm>> -> memref<1x624xi32, #tpu.memory_space<hbm>>
          %dma_start3A_114 = tpu.memref_squeeze %dma_start3A_113 : memref<1x624xi32, #tpu.memory_space<hbm>> -> memref<624xi32, #tpu.memory_space<hbm>>
          tpu.enqueue_dma source(%dma_start3A_114 : memref<624xi32, #tpu.memory_space<hbm>>) target(%arg10 : memref<624xi32, #tpu.memory_space<vmem>>) target_semaphore(%run_scoped3A_110 : memref<!tpu.dma_semaphore, #tpu.memory_space<semaphore_mem>>)
          %dma_wait3A_115 = tpu.memref_slice %arg2[%run_scoped3A_94, %add3A_92] : memref<2x320000xi32, #tpu.memory_space<hbm>> -> memref<1x624xi32, #tpu.memory_space<hbm>>
          %dma_wait3A_116 = tpu.memref_squeeze %dma_wait3A_115 : memref<1x624xi32, #tpu.memory_space<hbm>> -> memref<624xi32, #tpu.memory_space<hbm>>
          %dma_wait3A_117 = tpu.memref_slice %arg2[%run_scoped3A_94, %add3A_92] : memref<2x320000xi32, #tpu.memory_space<hbm>> -> memref<1x624xi32, #tpu.memory_space<hbm>>
          %dma_wait3A_118 = tpu.memref_squeeze %dma_wait3A_117 : memref<1x624xi32, #tpu.memory_space<hbm>> -> memref<624xi32, #tpu.memory_space<hbm>>
          tpu.wait_dma2 semaphore(%run_scoped3A_110 : memref<!tpu.dma_semaphore, #tpu.memory_space<semaphore_mem>>) src(%dma_wait3A_118 : memref<624xi32, #tpu.memory_space<hbm>>) dst(%arg10 : memref<624xi32, #tpu.memory_space<vmem>>)
          tpu.yield
        }) : () -> ()
        %dma_start3A_95 = arith.constant 0 : i32
        %dma_start3A_96 = arith.constant 0 : i32
        %dma_start3A_97 = tpu.memref_slice %arg3[%dma_start3A_95, %dma_start3A_96] : memref<10000x64xf32, #tpu.memory_space<hbm>> -> memref<10000x64xf32, #tpu.memory_space<hbm>>
        tpu.enqueue_indirect_dma source(%dma_start3A_97 : memref<10000x64xf32, #tpu.memory_space<hbm>>) target(%arg11 : memref<624x64xf32, #tpu.memory_space<vmem>>) offsets(%arg9 : memref<624xi32, #tpu.memory_space<vmem>>) semaphore(%arg17 : memref<!tpu.dma_semaphore, #tpu.memory_space<semaphore_mem>>)
        %dma_wait3A_98 = arith.constant 0 : i32
        %dma_wait3A_99 = arith.constant 0 : i32
        %dma_wait3A_100 = tpu.memref_slice %arg3[%dma_wait3A_98, %dma_wait3A_99] : memref<10000x64xf32, #tpu.memory_space<hbm>> -> memref<10000x64xf32, #tpu.memory_space<hbm>>
        tpu.wait_indirect_dma semaphore(%arg15 : memref<!tpu.dma_semaphore, #tpu.memory_space<semaphore_mem>>) src(%dma_wait3A_100 : memref<10000x64xf32, #tpu.memory_space<hbm>>) dst(%arg8 : memref<624x64xf32, #tpu.memory_space<vmem>>)
        %dma_start3A_101 = arith.constant 0 : i32
        %dma_start3A_102 = arith.constant 0 : i32
        %dma_start3A_103 = tpu.memref_slice %arg14[%dma_start3A_101, %dma_start3A_102] : memref<10000x64xf32, #tpu.memory_space<vmem_shared>> -> memref<10000x64xf32, #tpu.memory_space<vmem_shared>>
        tpu.enqueue_indirect_dma source(%arg8 : memref<624x64xf32, #tpu.memory_space<vmem>>) target(%dma_start3A_103 : memref<10000x64xf32, #tpu.memory_space<vmem_shared>>) offsets(%arg7 : memref<624xi32, #tpu.memory_space<vmem>>) semaphore(%arg16 : memref<!tpu.dma_semaphore, #tpu.memory_space<semaphore_mem>>) {add = true}
        %dma_wait3A_104 = arith.constant 0 : i32
        %dma_wait3A_105 = arith.constant 0 : i32
        %dma_wait3A_106 = tpu.memref_slice %arg3[%dma_wait3A_104, %dma_wait3A_105] : memref<10000x64xf32, #tpu.memory_space<hbm>> -> memref<10000x64xf32, #tpu.memory_space<hbm>>
        tpu.wait_indirect_dma semaphore(%arg17 : memref<!tpu.dma_semaphore, #tpu.memory_space<semaphore_mem>>) src(%dma_wait3A_106 : memref<10000x64xf32, #tpu.memory_space<hbm>>) dst(%arg11 : memref<624x64xf32, #tpu.memory_space<vmem>>)
        %dma_start3A_107 = arith.constant 0 : i32
        %dma_start3A_108 = arith.constant 0 : i32
        %dma_start3A_109 = tpu.memref_slice %arg14[%dma_start3A_107, %dma_start3A_108] : memref<10000x64xf32, #tpu.memory_space<vmem_shared>> -> memref<10000x64xf32, #tpu.memory_space<vmem_shared>>
        tpu.enqueue_indirect_dma source(%arg11 : memref<624x64xf32, #tpu.memory_space<vmem>>) target(%dma_start3A_109 : memref<10000x64xf32, #tpu.memory_space<vmem_shared>>) offsets(%arg10 : memref<624xi32, #tpu.memory_space<vmem>>) semaphore(%arg18 : memref<!tpu.dma_semaphore, #tpu.memory_space<semaphore_mem>>) {add = true}
      }
      %scan3A_51 = arith.constant 15 : i32
      %dma_wait3A_52 = arith.constant 0 : i32
      %dma_wait3A_53 = arith.constant 0 : i32
      %dma_wait3A_54 = tpu.memref_slice %arg14[%dma_wait3A_52, %dma_wait3A_53] : memref<10000x64xf32, #tpu.memory_space<vmem_shared>> -> memref<10000x64xf32, #tpu.memory_space<vmem_shared>>
      tpu.wait_indirect_dma semaphore(%arg16 : memref<!tpu.dma_semaphore, #tpu.memory_space<semaphore_mem>>) src(%arg8 : memref<624x64xf32, #tpu.memory_space<vmem>>) dst(%dma_wait3A_54 : memref<10000x64xf32, #tpu.memory_space<vmem_shared>>)
      %dma_wait3A_55 = arith.constant 0 : i32
      %dma_wait3A_56 = arith.constant 0 : i32
      %dma_wait3A_57 = tpu.memref_slice %arg14[%dma_wait3A_55, %dma_wait3A_56] : memref<10000x64xf32, #tpu.memory_space<vmem_shared>> -> memref<10000x64xf32, #tpu.memory_space<vmem_shared>>
      tpu.wait_indirect_dma semaphore(%arg18 : memref<!tpu.dma_semaphore, #tpu.memory_space<semaphore_mem>>) src(%arg11 : memref<624x64xf32, #tpu.memory_space<vmem>>) dst(%dma_wait3A_57 : memref<10000x64xf32, #tpu.memory_space<vmem_shared>>)
      %add3A_58 = arith.constant 19968 : i32
      %add3A_59 = arith.addi %mul3A_0, %add3A_58 : i32
      %run_scoped3A_60 = arith.constant 0 : i32
      "tpu.region"() ({
        %run_scoped3A_74 = tpu.sem_alloc : memref<!tpu.dma_semaphore, #tpu.memory_space<semaphore_mem>>
        %dma_start3A_75 = tpu.memref_slice %arg2[%run_scoped3A_60, %add3A_59] : memref<2x320000xi32, #tpu.memory_space<hbm>> -> memref<1x32xi32, #tpu.memory_space<hbm>>
        %dma_start3A_76 = tpu.memref_squeeze %dma_start3A_75 : memref<1x32xi32, #tpu.memory_space<hbm>> -> memref<32xi32, #tpu.memory_space<hbm>>
        %dma_start3A_77 = tpu.memref_slice %arg2[%run_scoped3A_60, %add3A_59] : memref<2x320000xi32, #tpu.memory_space<hbm>> -> memref<1x32xi32, #tpu.memory_space<hbm>>
        %dma_start3A_78 = tpu.memref_squeeze %dma_start3A_77 : memref<1x32xi32, #tpu.memory_space<hbm>> -> memref<32xi32, #tpu.memory_space<hbm>>
        tpu.enqueue_dma source(%dma_start3A_78 : memref<32xi32, #tpu.memory_space<hbm>>) target(%arg12 : memref<32xi32, #tpu.memory_space<vmem>>) target_semaphore(%run_scoped3A_74 : memref<!tpu.dma_semaphore, #tpu.memory_space<semaphore_mem>>)
        %dma_wait3A_79 = tpu.memref_slice %arg2[%run_scoped3A_60, %add3A_59] : memref<2x320000xi32, #tpu.memory_space<hbm>> -> memref<1x32xi32, #tpu.memory_space<hbm>>
        %dma_wait3A_80 = tpu.memref_squeeze %dma_wait3A_79 : memref<1x32xi32, #tpu.memory_space<hbm>> -> memref<32xi32, #tpu.memory_space<hbm>>
        %dma_wait3A_81 = tpu.memref_slice %arg2[%run_scoped3A_60, %add3A_59] : memref<2x320000xi32, #tpu.memory_space<hbm>> -> memref<1x32xi32, #tpu.memory_space<hbm>>
        %dma_wait3A_82 = tpu.memref_squeeze %dma_wait3A_81 : memref<1x32xi32, #tpu.memory_space<hbm>> -> memref<32xi32, #tpu.memory_space<hbm>>
        tpu.wait_dma2 semaphore(%run_scoped3A_74 : memref<!tpu.dma_semaphore, #tpu.memory_space<semaphore_mem>>) src(%dma_wait3A_82 : memref<32xi32, #tpu.memory_space<hbm>>) dst(%arg12 : memref<32xi32, #tpu.memory_space<vmem>>)
        tpu.yield
      }) : () -> ()
      %run_scoped3A_61 = arith.constant 1 : i32
      "tpu.region"() ({
        %run_scoped3A_74 = tpu.sem_alloc : memref<!tpu.dma_semaphore, #tpu.memory_space<semaphore_mem>>
        %dma_start3A_75 = tpu.memref_slice %arg2[%run_scoped3A_61, %add3A_59] : memref<2x320000xi32, #tpu.memory_space<hbm>> -> memref<1x32xi32, #tpu.memory_space<hbm>>
        %dma_start3A_76 = tpu.memref_squeeze %dma_start3A_75 : memref<1x32xi32, #tpu.memory_space<hbm>> -> memref<32xi32, #tpu.memory_space<hbm>>
        %dma_start3A_77 = tpu.memref_slice %arg2[%run_scoped3A_61, %add3A_59] : memref<2x320000xi32, #tpu.memory_space<hbm>> -> memref<1x32xi32, #tpu.memory_space<hbm>>
        %dma_start3A_78 = tpu.memref_squeeze %dma_start3A_77 : memref<1x32xi32, #tpu.memory_space<hbm>> -> memref<32xi32, #tpu.memory_space<hbm>>
        tpu.enqueue_dma source(%dma_start3A_78 : memref<32xi32, #tpu.memory_space<hbm>>) target(%arg13 : memref<32xi32, #tpu.memory_space<vmem>>) target_semaphore(%run_scoped3A_74 : memref<!tpu.dma_semaphore, #tpu.memory_space<semaphore_mem>>)
        %dma_wait3A_79 = tpu.memref_slice %arg2[%run_scoped3A_61, %add3A_59] : memref<2x320000xi32, #tpu.memory_space<hbm>> -> memref<1x32xi32, #tpu.memory_space<hbm>>
        %dma_wait3A_80 = tpu.memref_squeeze %dma_wait3A_79 : memref<1x32xi32, #tpu.memory_space<hbm>> -> memref<32xi32, #tpu.memory_space<hbm>>
        %dma_wait3A_81 = tpu.memref_slice %arg2[%run_scoped3A_61, %add3A_59] : memref<2x320000xi32, #tpu.memory_space<hbm>> -> memref<1x32xi32, #tpu.memory_space<hbm>>
        %dma_wait3A_82 = tpu.memref_squeeze %dma_wait3A_81 : memref<1x32xi32, #tpu.memory_space<hbm>> -> memref<32xi32, #tpu.memory_space<hbm>>
        tpu.wait_dma2 semaphore(%run_scoped3A_74 : memref<!tpu.dma_semaphore, #tpu.memory_space<semaphore_mem>>) src(%dma_wait3A_82 : memref<32xi32, #tpu.memory_space<hbm>>) dst(%arg13 : memref<32xi32, #tpu.memory_space<vmem>>)
        tpu.yield
      }) : () -> ()
      %dma_start3A_62 = arith.constant 0 : i32
      %dma_start3A_63 = arith.constant 0 : i32
      %dma_start3A_64 = tpu.memref_slice %arg8[%dma_start3A_62, %dma_start3A_63] : memref<624x64xf32, #tpu.memory_space<vmem>> -> memref<32x64xf32, #tpu.memory_space<vmem>>
      %dma_start3A_65 = arith.constant 0 : i32
      %dma_start3A_66 = arith.constant 0 : i32
      %dma_start3A_67 = tpu.memref_slice %arg3[%dma_start3A_65, %dma_start3A_66] : memref<10000x64xf32, #tpu.memory_space<hbm>> -> memref<10000x64xf32, #tpu.memory_space<hbm>>
      tpu.enqueue_indirect_dma source(%dma_start3A_67 : memref<10000x64xf32, #tpu.memory_space<hbm>>) target(%dma_start3A_64 : memref<32x64xf32, #tpu.memory_space<vmem>>) offsets(%arg12 : memref<32xi32, #tpu.memory_space<vmem>>) semaphore(%arg15 : memref<!tpu.dma_semaphore, #tpu.memory_space<semaphore_mem>>)
      %dma_wait3A_68 = arith.constant 0 : i32
      %dma_wait3A_69 = arith.constant 0 : i32
      %dma_wait3A_70 = tpu.memref_slice %arg8[%dma_wait3A_68, %dma_wait3A_69] : memref<624x64xf32, #tpu.memory_space<vmem>> -> memref<32x64xf32, #tpu.memory_space<vmem>>
      %dma_wait3A_71 = arith.constant 0 : i32
      %dma_wait3A_72 = arith.constant 0 : i32
      %dma_wait3A_73 = tpu.memref_slice %arg3[%dma_wait3A_71, %dma_wait3A_72] : memref<10000x64xf32, #tpu.memory_space<hbm>> -> memref<10000x64xf32, #tpu.memory_space<hbm>>
      tpu.wait_indirect_dma semaphore(%arg15 : memref<!tpu.dma_semaphore, #tpu.memory_space<semaphore_mem>>) src(%dma_wait3A_73 : memref<10000x64xf32, #tpu.memory_space<hbm>>) dst(%dma_wait3A_70 : memref<32x64xf32, #tpu.memory_space<vmem>>)
      "tpu.region"() ({
        %run_scoped3A_74 = tpu.sem_alloc : memref<!tpu.dma_semaphore, #tpu.memory_space<semaphore_mem>>
        %dma_start3A_75 = arith.constant 0 : i32
        %dma_start3A_76 = arith.constant 0 : i32
        %dma_start3A_77 = tpu.memref_slice %arg8[%dma_start3A_75, %dma_start3A_76] : memref<624x64xf32, #tpu.memory_space<vmem>> -> memref<32x64xf32, #tpu.memory_space<vmem>>
        %dma_start3A_78 = arith.constant 0 : i32
        %dma_start3A_79 = arith.constant 0 : i32
        %dma_start3A_80 = tpu.memref_slice %arg14[%dma_start3A_78, %dma_start3A_79] : memref<10000x64xf32, #tpu.memory_space<vmem_shared>> -> memref<10000x64xf32, #tpu.memory_space<vmem_shared>>
        tpu.enqueue_indirect_dma source(%dma_start3A_77 : memref<32x64xf32, #tpu.memory_space<vmem>>) target(%dma_start3A_80 : memref<10000x64xf32, #tpu.memory_space<vmem_shared>>) offsets(%arg13 : memref<32xi32, #tpu.memory_space<vmem>>) semaphore(%run_scoped3A_74 : memref<!tpu.dma_semaphore, #tpu.memory_space<semaphore_mem>>) {add = true}
        %dma_wait3A_81 = arith.constant 0 : i32
        %dma_wait3A_82 = arith.constant 0 : i32
        %dma_wait3A_83 = tpu.memref_slice %arg8[%dma_wait3A_81, %dma_wait3A_82] : memref<624x64xf32, #tpu.memory_space<vmem>> -> memref<32x64xf32, #tpu.memory_space<vmem>>
        %dma_wait3A_84 = arith.constant 0 : i32
        %dma_wait3A_85 = arith.constant 0 : i32
        %dma_wait3A_86 = tpu.memref_slice %arg14[%dma_wait3A_84, %dma_wait3A_85] : memref<10000x64xf32, #tpu.memory_space<vmem_shared>> -> memref<10000x64xf32, #tpu.memory_space<vmem_shared>>
        tpu.wait_indirect_dma semaphore(%run_scoped3A_74 : memref<!tpu.dma_semaphore, #tpu.memory_space<semaphore_mem>>) src(%dma_wait3A_83 : memref<32x64xf32, #tpu.memory_space<vmem>>) dst(%dma_wait3A_86 : memref<10000x64xf32, #tpu.memory_space<vmem_shared>>)
        tpu.yield
      }) : () -> ()
    } else {
    }
    %ne3A = arith.constant 0 : i32
    %ne3A_3 = arith.cmpi ne, %arg0, %ne3A : i32
    %convert_element_type3A_4 = arith.extui %ne3A_3 : i1 to i32
    %cond3A_5 = arith.constant 0 : i32
    %cond3A_6 = arith.cmpi ne, %convert_element_type3A_4, %cond3A_5 : i32
    scf.if %cond3A_6 {
      %lt3A_16 = arith.constant 15 : i32
      %lt3A_17 = arith.cmpi slt, %arg1, %lt3A_16 : i32
      %convert_element_type3A_18 = arith.extui %lt3A_17 : i1 to i32
      %cond3A_19 = arith.constant 0 : i32
      %cond3A_20 = arith.cmpi ne, %convert_element_type3A_18, %cond3A_19 : i32
      scf.if %cond3A_20 {
        %mul3A_74 = arith.constant 632 : i32
        %mul3A_75 = arith.muli %arg1, %mul3A_74 : i32
        "tpu.region"() ({
          %run_scoped3A_76 = tpu.sem_alloc : memref<!tpu.dma_semaphore, #tpu.memory_space<semaphore_mem>>
          %dma_start3A_77 = arith.constant 0 : i32
          %dma_start3A_78 = tpu.memref_slice %arg14[%mul3A_75, %dma_start3A_77] : memref<10000x64xf32, #tpu.memory_space<vmem_shared>> -> memref<632x64xf32, #tpu.memory_space<vmem_shared>>
          %dma_start3A_79 = arith.constant 0 : i32
          %dma_start3A_80 = tpu.memref_slice %arg4[%mul3A_75, %dma_start3A_79] : memref<10000x64xf32, #tpu.memory_space<hbm>> -> memref<632x64xf32, #tpu.memory_space<hbm>>
          tpu.enqueue_dma source(%dma_start3A_80 : memref<632x64xf32, #tpu.memory_space<hbm>>) target(%dma_start3A_78 : memref<632x64xf32, #tpu.memory_space<vmem_shared>>) target_semaphore(%run_scoped3A_76 : memref<!tpu.dma_semaphore, #tpu.memory_space<semaphore_mem>>)
          %dma_wait3A_81 = arith.constant 0 : i32
          %dma_wait3A_82 = tpu.memref_slice %arg14[%mul3A_75, %dma_wait3A_81] : memref<10000x64xf32, #tpu.memory_space<vmem_shared>> -> memref<632x64xf32, #tpu.memory_space<vmem_shared>>
          %dma_wait3A_83 = arith.constant 0 : i32
          %dma_wait3A_84 = tpu.memref_slice %arg4[%mul3A_75, %dma_wait3A_83] : memref<10000x64xf32, #tpu.memory_space<hbm>> -> memref<632x64xf32, #tpu.memory_space<hbm>>
          tpu.wait_dma2 semaphore(%run_scoped3A_76 : memref<!tpu.dma_semaphore, #tpu.memory_space<semaphore_mem>>) src(%dma_wait3A_84 : memref<632x64xf32, #tpu.memory_space<hbm>>) dst(%dma_wait3A_82 : memref<632x64xf32, #tpu.memory_space<vmem_shared>>)
          tpu.yield
        }) : () -> ()
      } else {
      }
      %eq3A_21 = arith.constant 15 : i32
      %eq3A_22 = arith.cmpi eq, %arg1, %eq3A_21 : i32
      %convert_element_type3A_23 = arith.extui %eq3A_22 : i1 to i32
      %cond3A_24 = arith.constant 0 : i32
      %cond3A_25 = arith.cmpi ne, %convert_element_type3A_23, %cond3A_24 : i32
      scf.if %cond3A_25 {
        "tpu.region"() ({
          %run_scoped3A_74 = tpu.sem_alloc : memref<!tpu.dma_semaphore, #tpu.memory_space<semaphore_mem>>
          %dma_start3A_75 = arith.constant 9480 : i32
          %dma_start3A_76 = arith.constant 0 : i32
          %dma_start3A_77 = tpu.memref_slice %arg14[%dma_start3A_75, %dma_start3A_76] : memref<10000x64xf32, #tpu.memory_space<vmem_shared>> -> memref<520x64xf32, #tpu.memory_space<vmem_shared>>
          %dma_start3A_78 = arith.constant 9480 : i32
          %dma_start3A_79 = arith.constant 0 : i32
          %dma_start3A_80 = tpu.memref_slice %arg4[%dma_start3A_78, %dma_start3A_79] : memref<10000x64xf32, #tpu.memory_space<hbm>> -> memref<520x64xf32, #tpu.memory_space<hbm>>
          tpu.enqueue_dma source(%dma_start3A_80 : memref<520x64xf32, #tpu.memory_space<hbm>>) target(%dma_start3A_77 : memref<520x64xf32, #tpu.memory_space<vmem_shared>>) target_semaphore(%run_scoped3A_74 : memref<!tpu.dma_semaphore, #tpu.memory_space<semaphore_mem>>)
          %dma_wait3A_81 = arith.constant 9480 : i32
          %dma_wait3A_82 = arith.constant 0 : i32
          %dma_wait3A_83 = tpu.memref_slice %arg14[%dma_wait3A_81, %dma_wait3A_82] : memref<10000x64xf32, #tpu.memory_space<vmem_shared>> -> memref<520x64xf32, #tpu.memory_space<vmem_shared>>
          %dma_wait3A_84 = arith.constant 9480 : i32
          %dma_wait3A_85 = arith.constant 0 : i32
          %dma_wait3A_86 = tpu.memref_slice %arg4[%dma_wait3A_84, %dma_wait3A_85] : memref<10000x64xf32, #tpu.memory_space<hbm>> -> memref<520x64xf32, #tpu.memory_space<hbm>>
          tpu.wait_dma2 semaphore(%run_scoped3A_74 : memref<!tpu.dma_semaphore, #tpu.memory_space<semaphore_mem>>) src(%dma_wait3A_86 : memref<520x64xf32, #tpu.memory_space<hbm>>) dst(%dma_wait3A_83 : memref<520x64xf32, #tpu.memory_space<vmem_shared>>)
          tpu.yield
        }) : () -> ()
      } else {
      }
      %barrier3A_26 = arith.constant 0 : index
      tpu.barrier barrier_id(%barrier3A_26)
      %run_scoped3A = arith.constant 0 : i32
      "tpu.region"() ({
        %run_scoped3A_74 = tpu.sem_alloc : memref<!tpu.dma_semaphore, #tpu.memory_space<semaphore_mem>>
        %dma_start3A_75 = tpu.memref_slice %arg2[%run_scoped3A, %mul3A_0] : memref<2x320000xi32, #tpu.memory_space<hbm>> -> memref<1x624xi32, #tpu.memory_space<hbm>>
        %dma_start3A_76 = tpu.memref_squeeze %dma_start3A_75 : memref<1x624xi32, #tpu.memory_space<hbm>> -> memref<624xi32, #tpu.memory_space<hbm>>
        %dma_start3A_77 = tpu.memref_slice %arg2[%run_scoped3A, %mul3A_0] : memref<2x320000xi32, #tpu.memory_space<hbm>> -> memref<1x624xi32, #tpu.memory_space<hbm>>
        %dma_start3A_78 = tpu.memref_squeeze %dma_start3A_77 : memref<1x624xi32, #tpu.memory_space<hbm>> -> memref<624xi32, #tpu.memory_space<hbm>>
        tpu.enqueue_dma source(%dma_start3A_78 : memref<624xi32, #tpu.memory_space<hbm>>) target(%arg6 : memref<624xi32, #tpu.memory_space<vmem>>) target_semaphore(%run_scoped3A_74 : memref<!tpu.dma_semaphore, #tpu.memory_space<semaphore_mem>>)
        %dma_wait3A_79 = tpu.memref_slice %arg2[%run_scoped3A, %mul3A_0] : memref<2x320000xi32, #tpu.memory_space<hbm>> -> memref<1x624xi32, #tpu.memory_space<hbm>>
        %dma_wait3A_80 = tpu.memref_squeeze %dma_wait3A_79 : memref<1x624xi32, #tpu.memory_space<hbm>> -> memref<624xi32, #tpu.memory_space<hbm>>
        %dma_wait3A_81 = tpu.memref_slice %arg2[%run_scoped3A, %mul3A_0] : memref<2x320000xi32, #tpu.memory_space<hbm>> -> memref<1x624xi32, #tpu.memory_space<hbm>>
        %dma_wait3A_82 = tpu.memref_squeeze %dma_wait3A_81 : memref<1x624xi32, #tpu.memory_space<hbm>> -> memref<624xi32, #tpu.memory_space<hbm>>
        tpu.wait_dma2 semaphore(%run_scoped3A_74 : memref<!tpu.dma_semaphore, #tpu.memory_space<semaphore_mem>>) src(%dma_wait3A_82 : memref<624xi32, #tpu.memory_space<hbm>>) dst(%arg6 : memref<624xi32, #tpu.memory_space<vmem>>)
        tpu.yield
      }) : () -> ()
      %run_scoped3A_27 = arith.constant 1 : i32
      "tpu.region"() ({
        %run_scoped3A_74 = tpu.sem_alloc : memref<!tpu.dma_semaphore, #tpu.memory_space<semaphore_mem>>
        %dma_start3A_75 = tpu.memref_slice %arg2[%run_scoped3A_27, %mul3A_0] : memref<2x320000xi32, #tpu.memory_space<hbm>> -> memref<1x624xi32, #tpu.memory_space<hbm>>
        %dma_start3A_76 = tpu.memref_squeeze %dma_start3A_75 : memref<1x624xi32, #tpu.memory_space<hbm>> -> memref<624xi32, #tpu.memory_space<hbm>>
        %dma_start3A_77 = tpu.memref_slice %arg2[%run_scoped3A_27, %mul3A_0] : memref<2x320000xi32, #tpu.memory_space<hbm>> -> memref<1x624xi32, #tpu.memory_space<hbm>>
        %dma_start3A_78 = tpu.memref_squeeze %dma_start3A_77 : memref<1x624xi32, #tpu.memory_space<hbm>> -> memref<624xi32, #tpu.memory_space<hbm>>
        tpu.enqueue_dma source(%dma_start3A_78 : memref<624xi32, #tpu.memory_space<hbm>>) target(%arg7 : memref<624xi32, #tpu.memory_space<vmem>>) target_semaphore(%run_scoped3A_74 : memref<!tpu.dma_semaphore, #tpu.memory_space<semaphore_mem>>)
        %dma_wait3A_79 = tpu.memref_slice %arg2[%run_scoped3A_27, %mul3A_0] : memref<2x320000xi32, #tpu.memory_space<hbm>> -> memref<1x624xi32, #tpu.memory_space<hbm>>
        %dma_wait3A_80 = tpu.memref_squeeze %dma_wait3A_79 : memref<1x624xi32, #tpu.memory_space<hbm>> -> memref<624xi32, #tpu.memory_space<hbm>>
        %dma_wait3A_81 = tpu.memref_slice %arg2[%run_scoped3A_27, %mul3A_0] : memref<2x320000xi32, #tpu.memory_space<hbm>> -> memref<1x624xi32, #tpu.memory_space<hbm>>
        %dma_wait3A_82 = tpu.memref_squeeze %dma_wait3A_81 : memref<1x624xi32, #tpu.memory_space<hbm>> -> memref<624xi32, #tpu.memory_space<hbm>>
        tpu.wait_dma2 semaphore(%run_scoped3A_74 : memref<!tpu.dma_semaphore, #tpu.memory_space<semaphore_mem>>) src(%dma_wait3A_82 : memref<624xi32, #tpu.memory_space<hbm>>) dst(%arg7 : memref<624xi32, #tpu.memory_space<vmem>>)
        tpu.yield
      }) : () -> ()
      %dma_start3A = arith.constant 0 : i32
      %dma_start3A_28 = arith.constant 0 : i32
      %dma_start3A_29 = tpu.memref_slice %arg4[%dma_start3A, %dma_start3A_28] : memref<10000x64xf32, #tpu.memory_space<hbm>> -> memref<10000x64xf32, #tpu.memory_space<hbm>>
      tpu.enqueue_indirect_dma source(%dma_start3A_29 : memref<10000x64xf32, #tpu.memory_space<hbm>>) target(%arg8 : memref<624x64xf32, #tpu.memory_space<vmem>>) offsets(%arg6 : memref<624xi32, #tpu.memory_space<vmem>>) semaphore(%arg15 : memref<!tpu.dma_semaphore, #tpu.memory_space<semaphore_mem>>)
      %add3A = arith.constant 624 : i32
      %add3A_30 = arith.addi %mul3A_0, %add3A : i32
      %run_scoped3A_31 = arith.constant 0 : i32
      "tpu.region"() ({
        %run_scoped3A_74 = tpu.sem_alloc : memref<!tpu.dma_semaphore, #tpu.memory_space<semaphore_mem>>
        %dma_start3A_75 = tpu.memref_slice %arg2[%run_scoped3A_31, %add3A_30] : memref<2x320000xi32, #tpu.memory_space<hbm>> -> memref<1x624xi32, #tpu.memory_space<hbm>>
        %dma_start3A_76 = tpu.memref_squeeze %dma_start3A_75 : memref<1x624xi32, #tpu.memory_space<hbm>> -> memref<624xi32, #tpu.memory_space<hbm>>
        %dma_start3A_77 = tpu.memref_slice %arg2[%run_scoped3A_31, %add3A_30] : memref<2x320000xi32, #tpu.memory_space<hbm>> -> memref<1x624xi32, #tpu.memory_space<hbm>>
        %dma_start3A_78 = tpu.memref_squeeze %dma_start3A_77 : memref<1x624xi32, #tpu.memory_space<hbm>> -> memref<624xi32, #tpu.memory_space<hbm>>
        tpu.enqueue_dma source(%dma_start3A_78 : memref<624xi32, #tpu.memory_space<hbm>>) target(%arg9 : memref<624xi32, #tpu.memory_space<vmem>>) target_semaphore(%run_scoped3A_74 : memref<!tpu.dma_semaphore, #tpu.memory_space<semaphore_mem>>)
        %dma_wait3A_79 = tpu.memref_slice %arg2[%run_scoped3A_31, %add3A_30] : memref<2x320000xi32, #tpu.memory_space<hbm>> -> memref<1x624xi32, #tpu.memory_space<hbm>>
        %dma_wait3A_80 = tpu.memref_squeeze %dma_wait3A_79 : memref<1x624xi32, #tpu.memory_space<hbm>> -> memref<624xi32, #tpu.memory_space<hbm>>
        %dma_wait3A_81 = tpu.memref_slice %arg2[%run_scoped3A_31, %add3A_30] : memref<2x320000xi32, #tpu.memory_space<hbm>> -> memref<1x624xi32, #tpu.memory_space<hbm>>
        %dma_wait3A_82 = tpu.memref_squeeze %dma_wait3A_81 : memref<1x624xi32, #tpu.memory_space<hbm>> -> memref<624xi32, #tpu.memory_space<hbm>>
        tpu.wait_dma2 semaphore(%run_scoped3A_74 : memref<!tpu.dma_semaphore, #tpu.memory_space<semaphore_mem>>) src(%dma_wait3A_82 : memref<624xi32, #tpu.memory_space<hbm>>) dst(%arg9 : memref<624xi32, #tpu.memory_space<vmem>>)
        tpu.yield
      }) : () -> ()
      %run_scoped3A_32 = arith.constant 1 : i32
      "tpu.region"() ({
        %run_scoped3A_74 = tpu.sem_alloc : memref<!tpu.dma_semaphore, #tpu.memory_space<semaphore_mem>>
        %dma_start3A_75 = tpu.memref_slice %arg2[%run_scoped3A_32, %add3A_30] : memref<2x320000xi32, #tpu.memory_space<hbm>> -> memref<1x624xi32, #tpu.memory_space<hbm>>
        %dma_start3A_76 = tpu.memref_squeeze %dma_start3A_75 : memref<1x624xi32, #tpu.memory_space<hbm>> -> memref<624xi32, #tpu.memory_space<hbm>>
        %dma_start3A_77 = tpu.memref_slice %arg2[%run_scoped3A_32, %add3A_30] : memref<2x320000xi32, #tpu.memory_space<hbm>> -> memref<1x624xi32, #tpu.memory_space<hbm>>
        %dma_start3A_78 = tpu.memref_squeeze %dma_start3A_77 : memref<1x624xi32, #tpu.memory_space<hbm>> -> memref<624xi32, #tpu.memory_space<hbm>>
        tpu.enqueue_dma source(%dma_start3A_78 : memref<624xi32, #tpu.memory_space<hbm>>) target(%arg10 : memref<624xi32, #tpu.memory_space<vmem>>) target_semaphore(%run_scoped3A_74 : memref<!tpu.dma_semaphore, #tpu.memory_space<semaphore_mem>>)
        %dma_wait3A_79 = tpu.memref_slice %arg2[%run_scoped3A_32, %add3A_30] : memref<2x320000xi32, #tpu.memory_space<hbm>> -> memref<1x624xi32, #tpu.memory_space<hbm>>
        %dma_wait3A_80 = tpu.memref_squeeze %dma_wait3A_79 : memref<1x624xi32, #tpu.memory_space<hbm>> -> memref<624xi32, #tpu.memory_space<hbm>>
        %dma_wait3A_81 = tpu.memref_slice %arg2[%run_scoped3A_32, %add3A_30] : memref<2x320000xi32, #tpu.memory_space<hbm>> -> memref<1x624xi32, #tpu.memory_space<hbm>>
        %dma_wait3A_82 = tpu.memref_squeeze %dma_wait3A_81 : memref<1x624xi32, #tpu.memory_space<hbm>> -> memref<624xi32, #tpu.memory_space<hbm>>
        tpu.wait_dma2 semaphore(%run_scoped3A_74 : memref<!tpu.dma_semaphore, #tpu.memory_space<semaphore_mem>>) src(%dma_wait3A_82 : memref<624xi32, #tpu.memory_space<hbm>>) dst(%arg10 : memref<624xi32, #tpu.memory_space<vmem>>)
        tpu.yield
      }) : () -> ()
      %dma_start3A_33 = arith.constant 0 : i32
      %dma_start3A_34 = arith.constant 0 : i32
      %dma_start3A_35 = tpu.memref_slice %arg4[%dma_start3A_33, %dma_start3A_34] : memref<10000x64xf32, #tpu.memory_space<hbm>> -> memref<10000x64xf32, #tpu.memory_space<hbm>>
      tpu.enqueue_indirect_dma source(%dma_start3A_35 : memref<10000x64xf32, #tpu.memory_space<hbm>>) target(%arg11 : memref<624x64xf32, #tpu.memory_space<vmem>>) offsets(%arg9 : memref<624xi32, #tpu.memory_space<vmem>>) semaphore(%arg17 : memref<!tpu.dma_semaphore, #tpu.memory_space<semaphore_mem>>)
      %dma_wait3A = arith.constant 0 : i32
      %dma_wait3A_36 = arith.constant 0 : i32
      %dma_wait3A_37 = tpu.memref_slice %arg4[%dma_wait3A, %dma_wait3A_36] : memref<10000x64xf32, #tpu.memory_space<hbm>> -> memref<10000x64xf32, #tpu.memory_space<hbm>>
      tpu.wait_indirect_dma semaphore(%arg15 : memref<!tpu.dma_semaphore, #tpu.memory_space<semaphore_mem>>) src(%dma_wait3A_37 : memref<10000x64xf32, #tpu.memory_space<hbm>>) dst(%arg8 : memref<624x64xf32, #tpu.memory_space<vmem>>)
      %dma_start3A_38 = arith.constant 0 : i32
      %dma_start3A_39 = arith.constant 0 : i32
      %dma_start3A_40 = tpu.memref_slice %arg14[%dma_start3A_38, %dma_start3A_39] : memref<10000x64xf32, #tpu.memory_space<vmem_shared>> -> memref<10000x64xf32, #tpu.memory_space<vmem_shared>>
      tpu.enqueue_indirect_dma source(%arg8 : memref<624x64xf32, #tpu.memory_space<vmem>>) target(%dma_start3A_40 : memref<10000x64xf32, #tpu.memory_space<vmem_shared>>) offsets(%arg7 : memref<624xi32, #tpu.memory_space<vmem>>) semaphore(%arg16 : memref<!tpu.dma_semaphore, #tpu.memory_space<semaphore_mem>>) {add = true}
      %dma_wait3A_41 = arith.constant 0 : i32
      %dma_wait3A_42 = arith.constant 0 : i32
      %dma_wait3A_43 = tpu.memref_slice %arg4[%dma_wait3A_41, %dma_wait3A_42] : memref<10000x64xf32, #tpu.memory_space<hbm>> -> memref<10000x64xf32, #tpu.memory_space<hbm>>
      tpu.wait_indirect_dma semaphore(%arg17 : memref<!tpu.dma_semaphore, #tpu.memory_space<semaphore_mem>>) src(%dma_wait3A_43 : memref<10000x64xf32, #tpu.memory_space<hbm>>) dst(%arg11 : memref<624x64xf32, #tpu.memory_space<vmem>>)
      %dma_start3A_44 = arith.constant 0 : i32
      %dma_start3A_45 = arith.constant 0 : i32
      %dma_start3A_46 = tpu.memref_slice %arg14[%dma_start3A_44, %dma_start3A_45] : memref<10000x64xf32, #tpu.memory_space<vmem_shared>> -> memref<10000x64xf32, #tpu.memory_space<vmem_shared>>
      tpu.enqueue_indirect_dma source(%arg11 : memref<624x64xf32, #tpu.memory_space<vmem>>) target(%dma_start3A_46 : memref<10000x64xf32, #tpu.memory_space<vmem_shared>>) offsets(%arg10 : memref<624xi32, #tpu.memory_space<vmem>>) semaphore(%arg18 : memref<!tpu.dma_semaphore, #tpu.memory_space<semaphore_mem>>) {add = true}
      %scan3A = arith.constant 0 : i32
      %scan3A_47 = arith.constant 1 : i32
      %scan3A_48 = arith.constant 15 : i32
      %scan3A_49 = arith.addi %scan3A_47, %scan3A_48 : i32
      %scan3A_50 = arith.constant 1 : i32
      scf.for %scan3A_74 = %scan3A_47 to %scan3A_49 step %scan3A_50  : i32 {
        %mul3A_75 = arith.constant 2 : i32
        %mul3A_76 = arith.muli %scan3A_74, %mul3A_75 : i32
        %mul3A_77 = arith.constant 624 : i32
        %mul3A_78 = arith.muli %mul3A_76, %mul3A_77 : i32
        %add3A_79 = arith.addi %mul3A_0, %mul3A_78 : i32
        %dma_wait3A_80 = arith.constant 0 : i32
        %dma_wait3A_81 = arith.constant 0 : i32
        %dma_wait3A_82 = tpu.memref_slice %arg14[%dma_wait3A_80, %dma_wait3A_81] : memref<10000x64xf32, #tpu.memory_space<vmem_shared>> -> memref<10000x64xf32, #tpu.memory_space<vmem_shared>>
        tpu.wait_indirect_dma semaphore(%arg16 : memref<!tpu.dma_semaphore, #tpu.memory_space<semaphore_mem>>) src(%arg8 : memref<624x64xf32, #tpu.memory_space<vmem>>) dst(%dma_wait3A_82 : memref<10000x64xf32, #tpu.memory_space<vmem_shared>>)
        %run_scoped3A_83 = arith.constant 0 : i32
        "tpu.region"() ({
          %run_scoped3A_110 = tpu.sem_alloc : memref<!tpu.dma_semaphore, #tpu.memory_space<semaphore_mem>>
          %dma_start3A_111 = tpu.memref_slice %arg2[%run_scoped3A_83, %add3A_79] : memref<2x320000xi32, #tpu.memory_space<hbm>> -> memref<1x624xi32, #tpu.memory_space<hbm>>
          %dma_start3A_112 = tpu.memref_squeeze %dma_start3A_111 : memref<1x624xi32, #tpu.memory_space<hbm>> -> memref<624xi32, #tpu.memory_space<hbm>>
          %dma_start3A_113 = tpu.memref_slice %arg2[%run_scoped3A_83, %add3A_79] : memref<2x320000xi32, #tpu.memory_space<hbm>> -> memref<1x624xi32, #tpu.memory_space<hbm>>
          %dma_start3A_114 = tpu.memref_squeeze %dma_start3A_113 : memref<1x624xi32, #tpu.memory_space<hbm>> -> memref<624xi32, #tpu.memory_space<hbm>>
          tpu.enqueue_dma source(%dma_start3A_114 : memref<624xi32, #tpu.memory_space<hbm>>) target(%arg6 : memref<624xi32, #tpu.memory_space<vmem>>) target_semaphore(%run_scoped3A_110 : memref<!tpu.dma_semaphore, #tpu.memory_space<semaphore_mem>>)
          %dma_wait3A_115 = tpu.memref_slice %arg2[%run_scoped3A_83, %add3A_79] : memref<2x320000xi32, #tpu.memory_space<hbm>> -> memref<1x624xi32, #tpu.memory_space<hbm>>
          %dma_wait3A_116 = tpu.memref_squeeze %dma_wait3A_115 : memref<1x624xi32, #tpu.memory_space<hbm>> -> memref<624xi32, #tpu.memory_space<hbm>>
          %dma_wait3A_117 = tpu.memref_slice %arg2[%run_scoped3A_83, %add3A_79] : memref<2x320000xi32, #tpu.memory_space<hbm>> -> memref<1x624xi32, #tpu.memory_space<hbm>>
          %dma_wait3A_118 = tpu.memref_squeeze %dma_wait3A_117 : memref<1x624xi32, #tpu.memory_space<hbm>> -> memref<624xi32, #tpu.memory_space<hbm>>
          tpu.wait_dma2 semaphore(%run_scoped3A_110 : memref<!tpu.dma_semaphore, #tpu.memory_space<semaphore_mem>>) src(%dma_wait3A_118 : memref<624xi32, #tpu.memory_space<hbm>>) dst(%arg6 : memref<624xi32, #tpu.memory_space<vmem>>)
          tpu.yield
        }) : () -> ()
        %run_scoped3A_84 = arith.constant 1 : i32
        "tpu.region"() ({
          %run_scoped3A_110 = tpu.sem_alloc : memref<!tpu.dma_semaphore, #tpu.memory_space<semaphore_mem>>
          %dma_start3A_111 = tpu.memref_slice %arg2[%run_scoped3A_84, %add3A_79] : memref<2x320000xi32, #tpu.memory_space<hbm>> -> memref<1x624xi32, #tpu.memory_space<hbm>>
          %dma_start3A_112 = tpu.memref_squeeze %dma_start3A_111 : memref<1x624xi32, #tpu.memory_space<hbm>> -> memref<624xi32, #tpu.memory_space<hbm>>
          %dma_start3A_113 = tpu.memref_slice %arg2[%run_scoped3A_84, %add3A_79] : memref<2x320000xi32, #tpu.memory_space<hbm>> -> memref<1x624xi32, #tpu.memory_space<hbm>>
          %dma_start3A_114 = tpu.memref_squeeze %dma_start3A_113 : memref<1x624xi32, #tpu.memory_space<hbm>> -> memref<624xi32, #tpu.memory_space<hbm>>
          tpu.enqueue_dma source(%dma_start3A_114 : memref<624xi32, #tpu.memory_space<hbm>>) target(%arg7 : memref<624xi32, #tpu.memory_space<vmem>>) target_semaphore(%run_scoped3A_110 : memref<!tpu.dma_semaphore, #tpu.memory_space<semaphore_mem>>)
          %dma_wait3A_115 = tpu.memref_slice %arg2[%run_scoped3A_84, %add3A_79] : memref<2x320000xi32, #tpu.memory_space<hbm>> -> memref<1x624xi32, #tpu.memory_space<hbm>>
          %dma_wait3A_116 = tpu.memref_squeeze %dma_wait3A_115 : memref<1x624xi32, #tpu.memory_space<hbm>> -> memref<624xi32, #tpu.memory_space<hbm>>
          %dma_wait3A_117 = tpu.memref_slice %arg2[%run_scoped3A_84, %add3A_79] : memref<2x320000xi32, #tpu.memory_space<hbm>> -> memref<1x624xi32, #tpu.memory_space<hbm>>
          %dma_wait3A_118 = tpu.memref_squeeze %dma_wait3A_117 : memref<1x624xi32, #tpu.memory_space<hbm>> -> memref<624xi32, #tpu.memory_space<hbm>>
          tpu.wait_dma2 semaphore(%run_scoped3A_110 : memref<!tpu.dma_semaphore, #tpu.memory_space<semaphore_mem>>) src(%dma_wait3A_118 : memref<624xi32, #tpu.memory_space<hbm>>) dst(%arg7 : memref<624xi32, #tpu.memory_space<vmem>>)
          tpu.yield
        }) : () -> ()
        %dma_start3A_85 = arith.constant 0 : i32
        %dma_start3A_86 = arith.constant 0 : i32
        %dma_start3A_87 = tpu.memref_slice %arg4[%dma_start3A_85, %dma_start3A_86] : memref<10000x64xf32, #tpu.memory_space<hbm>> -> memref<10000x64xf32, #tpu.memory_space<hbm>>
        tpu.enqueue_indirect_dma source(%dma_start3A_87 : memref<10000x64xf32, #tpu.memory_space<hbm>>) target(%arg8 : memref<624x64xf32, #tpu.memory_space<vmem>>) offsets(%arg6 : memref<624xi32, #tpu.memory_space<vmem>>) semaphore(%arg15 : memref<!tpu.dma_semaphore, #tpu.memory_space<semaphore_mem>>)
        %dma_wait3A_88 = arith.constant 0 : i32
        %dma_wait3A_89 = arith.constant 0 : i32
        %dma_wait3A_90 = tpu.memref_slice %arg14[%dma_wait3A_88, %dma_wait3A_89] : memref<10000x64xf32, #tpu.memory_space<vmem_shared>> -> memref<10000x64xf32, #tpu.memory_space<vmem_shared>>
        tpu.wait_indirect_dma semaphore(%arg18 : memref<!tpu.dma_semaphore, #tpu.memory_space<semaphore_mem>>) src(%arg11 : memref<624x64xf32, #tpu.memory_space<vmem>>) dst(%dma_wait3A_90 : memref<10000x64xf32, #tpu.memory_space<vmem_shared>>)
        %add3A_91 = arith.constant 624 : i32
        %add3A_92 = arith.addi %add3A_79, %add3A_91 : i32
        %run_scoped3A_93 = arith.constant 0 : i32
        "tpu.region"() ({
          %run_scoped3A_110 = tpu.sem_alloc : memref<!tpu.dma_semaphore, #tpu.memory_space<semaphore_mem>>
          %dma_start3A_111 = tpu.memref_slice %arg2[%run_scoped3A_93, %add3A_92] : memref<2x320000xi32, #tpu.memory_space<hbm>> -> memref<1x624xi32, #tpu.memory_space<hbm>>
          %dma_start3A_112 = tpu.memref_squeeze %dma_start3A_111 : memref<1x624xi32, #tpu.memory_space<hbm>> -> memref<624xi32, #tpu.memory_space<hbm>>
          %dma_start3A_113 = tpu.memref_slice %arg2[%run_scoped3A_93, %add3A_92] : memref<2x320000xi32, #tpu.memory_space<hbm>> -> memref<1x624xi32, #tpu.memory_space<hbm>>
          %dma_start3A_114 = tpu.memref_squeeze %dma_start3A_113 : memref<1x624xi32, #tpu.memory_space<hbm>> -> memref<624xi32, #tpu.memory_space<hbm>>
          tpu.enqueue_dma source(%dma_start3A_114 : memref<624xi32, #tpu.memory_space<hbm>>) target(%arg9 : memref<624xi32, #tpu.memory_space<vmem>>) target_semaphore(%run_scoped3A_110 : memref<!tpu.dma_semaphore, #tpu.memory_space<semaphore_mem>>)
          %dma_wait3A_115 = tpu.memref_slice %arg2[%run_scoped3A_93, %add3A_92] : memref<2x320000xi32, #tpu.memory_space<hbm>> -> memref<1x624xi32, #tpu.memory_space<hbm>>
          %dma_wait3A_116 = tpu.memref_squeeze %dma_wait3A_115 : memref<1x624xi32, #tpu.memory_space<hbm>> -> memref<624xi32, #tpu.memory_space<hbm>>
          %dma_wait3A_117 = tpu.memref_slice %arg2[%run_scoped3A_93, %add3A_92] : memref<2x320000xi32, #tpu.memory_space<hbm>> -> memref<1x624xi32, #tpu.memory_space<hbm>>
          %dma_wait3A_118 = tpu.memref_squeeze %dma_wait3A_117 : memref<1x624xi32, #tpu.memory_space<hbm>> -> memref<624xi32, #tpu.memory_space<hbm>>
          tpu.wait_dma2 semaphore(%run_scoped3A_110 : memref<!tpu.dma_semaphore, #tpu.memory_space<semaphore_mem>>) src(%dma_wait3A_118 : memref<624xi32, #tpu.memory_space<hbm>>) dst(%arg9 : memref<624xi32, #tpu.memory_space<vmem>>)
          tpu.yield
        }) : () -> ()
        %run_scoped3A_94 = arith.constant 1 : i32
        "tpu.region"() ({
          %run_scoped3A_110 = tpu.sem_alloc : memref<!tpu.dma_semaphore, #tpu.memory_space<semaphore_mem>>
          %dma_start3A_111 = tpu.memref_slice %arg2[%run_scoped3A_94, %add3A_92] : memref<2x320000xi32, #tpu.memory_space<hbm>> -> memref<1x624xi32, #tpu.memory_space<hbm>>
          %dma_start3A_112 = tpu.memref_squeeze %dma_start3A_111 : memref<1x624xi32, #tpu.memory_space<hbm>> -> memref<624xi32, #tpu.memory_space<hbm>>
          %dma_start3A_113 = tpu.memref_slice %arg2[%run_scoped3A_94, %add3A_92] : memref<2x320000xi32, #tpu.memory_space<hbm>> -> memref<1x624xi32, #tpu.memory_space<hbm>>
          %dma_start3A_114 = tpu.memref_squeeze %dma_start3A_113 : memref<1x624xi32, #tpu.memory_space<hbm>> -> memref<624xi32, #tpu.memory_space<hbm>>
          tpu.enqueue_dma source(%dma_start3A_114 : memref<624xi32, #tpu.memory_space<hbm>>) target(%arg10 : memref<624xi32, #tpu.memory_space<vmem>>) target_semaphore(%run_scoped3A_110 : memref<!tpu.dma_semaphore, #tpu.memory_space<semaphore_mem>>)
          %dma_wait3A_115 = tpu.memref_slice %arg2[%run_scoped3A_94, %add3A_92] : memref<2x320000xi32, #tpu.memory_space<hbm>> -> memref<1x624xi32, #tpu.memory_space<hbm>>
          %dma_wait3A_116 = tpu.memref_squeeze %dma_wait3A_115 : memref<1x624xi32, #tpu.memory_space<hbm>> -> memref<624xi32, #tpu.memory_space<hbm>>
          %dma_wait3A_117 = tpu.memref_slice %arg2[%run_scoped3A_94, %add3A_92] : memref<2x320000xi32, #tpu.memory_space<hbm>> -> memref<1x624xi32, #tpu.memory_space<hbm>>
          %dma_wait3A_118 = tpu.memref_squeeze %dma_wait3A_117 : memref<1x624xi32, #tpu.memory_space<hbm>> -> memref<624xi32, #tpu.memory_space<hbm>>
          tpu.wait_dma2 semaphore(%run_scoped3A_110 : memref<!tpu.dma_semaphore, #tpu.memory_space<semaphore_mem>>) src(%dma_wait3A_118 : memref<624xi32, #tpu.memory_space<hbm>>) dst(%arg10 : memref<624xi32, #tpu.memory_space<vmem>>)
          tpu.yield
        }) : () -> ()
        %dma_start3A_95 = arith.constant 0 : i32
        %dma_start3A_96 = arith.constant 0 : i32
        %dma_start3A_97 = tpu.memref_slice %arg4[%dma_start3A_95, %dma_start3A_96] : memref<10000x64xf32, #tpu.memory_space<hbm>> -> memref<10000x64xf32, #tpu.memory_space<hbm>>
        tpu.enqueue_indirect_dma source(%dma_start3A_97 : memref<10000x64xf32, #tpu.memory_space<hbm>>) target(%arg11 : memref<624x64xf32, #tpu.memory_space<vmem>>) offsets(%arg9 : memref<624xi32, #tpu.memory_space<vmem>>) semaphore(%arg17 : memref<!tpu.dma_semaphore, #tpu.memory_space<semaphore_mem>>)
        %dma_wait3A_98 = arith.constant 0 : i32
        %dma_wait3A_99 = arith.constant 0 : i32
        %dma_wait3A_100 = tpu.memref_slice %arg4[%dma_wait3A_98, %dma_wait3A_99] : memref<10000x64xf32, #tpu.memory_space<hbm>> -> memref<10000x64xf32, #tpu.memory_space<hbm>>
        tpu.wait_indirect_dma semaphore(%arg15 : memref<!tpu.dma_semaphore, #tpu.memory_space<semaphore_mem>>) src(%dma_wait3A_100 : memref<10000x64xf32, #tpu.memory_space<hbm>>) dst(%arg8 : memref<624x64xf32, #tpu.memory_space<vmem>>)
        %dma_start3A_101 = arith.constant 0 : i32
        %dma_start3A_102 = arith.constant 0 : i32
        %dma_start3A_103 = tpu.memref_slice %arg14[%dma_start3A_101, %dma_start3A_102] : memref<10000x64xf32, #tpu.memory_space<vmem_shared>> -> memref<10000x64xf32, #tpu.memory_space<vmem_shared>>
        tpu.enqueue_indirect_dma source(%arg8 : memref<624x64xf32, #tpu.memory_space<vmem>>) target(%dma_start3A_103 : memref<10000x64xf32, #tpu.memory_space<vmem_shared>>) offsets(%arg7 : memref<624xi32, #tpu.memory_space<vmem>>) semaphore(%arg16 : memref<!tpu.dma_semaphore, #tpu.memory_space<semaphore_mem>>) {add = true}
        %dma_wait3A_104 = arith.constant 0 : i32
        %dma_wait3A_105 = arith.constant 0 : i32
        %dma_wait3A_106 = tpu.memref_slice %arg4[%dma_wait3A_104, %dma_wait3A_105] : memref<10000x64xf32, #tpu.memory_space<hbm>> -> memref<10000x64xf32, #tpu.memory_space<hbm>>
        tpu.wait_indirect_dma semaphore(%arg17 : memref<!tpu.dma_semaphore, #tpu.memory_space<semaphore_mem>>) src(%dma_wait3A_106 : memref<10000x64xf32, #tpu.memory_space<hbm>>) dst(%arg11 : memref<624x64xf32, #tpu.memory_space<vmem>>)
        %dma_start3A_107 = arith.constant 0 : i32
        %dma_start3A_108 = arith.constant 0 : i32
        %dma_start3A_109 = tpu.memref_slice %arg14[%dma_start3A_107, %dma_start3A_108] : memref<10000x64xf32, #tpu.memory_space<vmem_shared>> -> memref<10000x64xf32, #tpu.memory_space<vmem_shared>>
        tpu.enqueue_indirect_dma source(%arg11 : memref<624x64xf32, #tpu.memory_space<vmem>>) target(%dma_start3A_109 : memref<10000x64xf32, #tpu.memory_space<vmem_shared>>) offsets(%arg10 : memref<624xi32, #tpu.memory_space<vmem>>) semaphore(%arg18 : memref<!tpu.dma_semaphore, #tpu.memory_space<semaphore_mem>>) {add = true}
      }
      %scan3A_51 = arith.constant 15 : i32
      %dma_wait3A_52 = arith.constant 0 : i32
      %dma_wait3A_53 = arith.constant 0 : i32
      %dma_wait3A_54 = tpu.memref_slice %arg14[%dma_wait3A_52, %dma_wait3A_53] : memref<10000x64xf32, #tpu.memory_space<vmem_shared>> -> memref<10000x64xf32, #tpu.memory_space<vmem_shared>>
      tpu.wait_indirect_dma semaphore(%arg16 : memref<!tpu.dma_semaphore, #tpu.memory_space<semaphore_mem>>) src(%arg8 : memref<624x64xf32, #tpu.memory_space<vmem>>) dst(%dma_wait3A_54 : memref<10000x64xf32, #tpu.memory_space<vmem_shared>>)
      %dma_wait3A_55 = arith.constant 0 : i32
      %dma_wait3A_56 = arith.constant 0 : i32
      %dma_wait3A_57 = tpu.memref_slice %arg14[%dma_wait3A_55, %dma_wait3A_56] : memref<10000x64xf32, #tpu.memory_space<vmem_shared>> -> memref<10000x64xf32, #tpu.memory_space<vmem_shared>>
      tpu.wait_indirect_dma semaphore(%arg18 : memref<!tpu.dma_semaphore, #tpu.memory_space<semaphore_mem>>) src(%arg11 : memref<624x64xf32, #tpu.memory_space<vmem>>) dst(%dma_wait3A_57 : memref<10000x64xf32, #tpu.memory_space<vmem_shared>>)
      %add3A_58 = arith.constant 19968 : i32
      %add3A_59 = arith.addi %mul3A_0, %add3A_58 : i32
      %run_scoped3A_60 = arith.constant 0 : i32
      "tpu.region"() ({
        %run_scoped3A_74 = tpu.sem_alloc : memref<!tpu.dma_semaphore, #tpu.memory_space<semaphore_mem>>
        %dma_start3A_75 = tpu.memref_slice %arg2[%run_scoped3A_60, %add3A_59] : memref<2x320000xi32, #tpu.memory_space<hbm>> -> memref<1x32xi32, #tpu.memory_space<hbm>>
        %dma_start3A_76 = tpu.memref_squeeze %dma_start3A_75 : memref<1x32xi32, #tpu.memory_space<hbm>> -> memref<32xi32, #tpu.memory_space<hbm>>
        %dma_start3A_77 = tpu.memref_slice %arg2[%run_scoped3A_60, %add3A_59] : memref<2x320000xi32, #tpu.memory_space<hbm>> -> memref<1x32xi32, #tpu.memory_space<hbm>>
        %dma_start3A_78 = tpu.memref_squeeze %dma_start3A_77 : memref<1x32xi32, #tpu.memory_space<hbm>> -> memref<32xi32, #tpu.memory_space<hbm>>
        tpu.enqueue_dma source(%dma_start3A_78 : memref<32xi32, #tpu.memory_space<hbm>>) target(%arg12 : memref<32xi32, #tpu.memory_space<vmem>>) target_semaphore(%run_scoped3A_74 : memref<!tpu.dma_semaphore, #tpu.memory_space<semaphore_mem>>)
        %dma_wait3A_79 = tpu.memref_slice %arg2[%run_scoped3A_60, %add3A_59] : memref<2x320000xi32, #tpu.memory_space<hbm>> -> memref<1x32xi32, #tpu.memory_space<hbm>>
        %dma_wait3A_80 = tpu.memref_squeeze %dma_wait3A_79 : memref<1x32xi32, #tpu.memory_space<hbm>> -> memref<32xi32, #tpu.memory_space<hbm>>
        %dma_wait3A_81 = tpu.memref_slice %arg2[%run_scoped3A_60, %add3A_59] : memref<2x320000xi32, #tpu.memory_space<hbm>> -> memref<1x32xi32, #tpu.memory_space<hbm>>
        %dma_wait3A_82 = tpu.memref_squeeze %dma_wait3A_81 : memref<1x32xi32, #tpu.memory_space<hbm>> -> memref<32xi32, #tpu.memory_space<hbm>>
        tpu.wait_dma2 semaphore(%run_scoped3A_74 : memref<!tpu.dma_semaphore, #tpu.memory_space<semaphore_mem>>) src(%dma_wait3A_82 : memref<32xi32, #tpu.memory_space<hbm>>) dst(%arg12 : memref<32xi32, #tpu.memory_space<vmem>>)
        tpu.yield
      }) : () -> ()
      %run_scoped3A_61 = arith.constant 1 : i32
      "tpu.region"() ({
        %run_scoped3A_74 = tpu.sem_alloc : memref<!tpu.dma_semaphore, #tpu.memory_space<semaphore_mem>>
        %dma_start3A_75 = tpu.memref_slice %arg2[%run_scoped3A_61, %add3A_59] : memref<2x320000xi32, #tpu.memory_space<hbm>> -> memref<1x32xi32, #tpu.memory_space<hbm>>
        %dma_start3A_76 = tpu.memref_squeeze %dma_start3A_75 : memref<1x32xi32, #tpu.memory_space<hbm>> -> memref<32xi32, #tpu.memory_space<hbm>>
        %dma_start3A_77 = tpu.memref_slice %arg2[%run_scoped3A_61, %add3A_59] : memref<2x320000xi32, #tpu.memory_space<hbm>> -> memref<1x32xi32, #tpu.memory_space<hbm>>
        %dma_start3A_78 = tpu.memref_squeeze %dma_start3A_77 : memref<1x32xi32, #tpu.memory_space<hbm>> -> memref<32xi32, #tpu.memory_space<hbm>>
        tpu.enqueue_dma source(%dma_start3A_78 : memref<32xi32, #tpu.memory_space<hbm>>) target(%arg13 : memref<32xi32, #tpu.memory_space<vmem>>) target_semaphore(%run_scoped3A_74 : memref<!tpu.dma_semaphore, #tpu.memory_space<semaphore_mem>>)
        %dma_wait3A_79 = tpu.memref_slice %arg2[%run_scoped3A_61, %add3A_59] : memref<2x320000xi32, #tpu.memory_space<hbm>> -> memref<1x32xi32, #tpu.memory_space<hbm>>
        %dma_wait3A_80 = tpu.memref_squeeze %dma_wait3A_79 : memref<1x32xi32, #tpu.memory_space<hbm>> -> memref<32xi32, #tpu.memory_space<hbm>>
        %dma_wait3A_81 = tpu.memref_slice %arg2[%run_scoped3A_61, %add3A_59] : memref<2x320000xi32, #tpu.memory_space<hbm>> -> memref<1x32xi32, #tpu.memory_space<hbm>>
        %dma_wait3A_82 = tpu.memref_squeeze %dma_wait3A_81 : memref<1x32xi32, #tpu.memory_space<hbm>> -> memref<32xi32, #tpu.memory_space<hbm>>
        tpu.wait_dma2 semaphore(%run_scoped3A_74 : memref<!tpu.dma_semaphore, #tpu.memory_space<semaphore_mem>>) src(%dma_wait3A_82 : memref<32xi32, #tpu.memory_space<hbm>>) dst(%arg13 : memref<32xi32, #tpu.memory_space<vmem>>)
        tpu.yield
      }) : () -> ()
      %dma_start3A_62 = arith.constant 0 : i32
      %dma_start3A_63 = arith.constant 0 : i32
      %dma_start3A_64 = tpu.memref_slice %arg8[%dma_start3A_62, %dma_start3A_63] : memref<624x64xf32, #tpu.memory_space<vmem>> -> memref<32x64xf32, #tpu.memory_space<vmem>>
      %dma_start3A_65 = arith.constant 0 : i32
      %dma_start3A_66 = arith.constant 0 : i32
      %dma_start3A_67 = tpu.memref_slice %arg4[%dma_start3A_65, %dma_start3A_66] : memref<10000x64xf32, #tpu.memory_space<hbm>> -> memref<10000x64xf32, #tpu.memory_space<hbm>>
      tpu.enqueue_indirect_dma source(%dma_start3A_67 : memref<10000x64xf32, #tpu.memory_space<hbm>>) target(%dma_start3A_64 : memref<32x64xf32, #tpu.memory_space<vmem>>) offsets(%arg12 : memref<32xi32, #tpu.memory_space<vmem>>) semaphore(%arg15 : memref<!tpu.dma_semaphore, #tpu.memory_space<semaphore_mem>>)
      %dma_wait3A_68 = arith.constant 0 : i32
      %dma_wait3A_69 = arith.constant 0 : i32
      %dma_wait3A_70 = tpu.memref_slice %arg8[%dma_wait3A_68, %dma_wait3A_69] : memref<624x64xf32, #tpu.memory_space<vmem>> -> memref<32x64xf32, #tpu.memory_space<vmem>>
      %dma_wait3A_71 = arith.constant 0 : i32
      %dma_wait3A_72 = arith.constant 0 : i32
      %dma_wait3A_73 = tpu.memref_slice %arg4[%dma_wait3A_71, %dma_wait3A_72] : memref<10000x64xf32, #tpu.memory_space<hbm>> -> memref<10000x64xf32, #tpu.memory_space<hbm>>
      tpu.wait_indirect_dma semaphore(%arg15 : memref<!tpu.dma_semaphore, #tpu.memory_space<semaphore_mem>>) src(%dma_wait3A_73 : memref<10000x64xf32, #tpu.memory_space<hbm>>) dst(%dma_wait3A_70 : memref<32x64xf32, #tpu.memory_space<vmem>>)
      "tpu.region"() ({
        %run_scoped3A_74 = tpu.sem_alloc : memref<!tpu.dma_semaphore, #tpu.memory_space<semaphore_mem>>
        %dma_start3A_75 = arith.constant 0 : i32
        %dma_start3A_76 = arith.constant 0 : i32
        %dma_start3A_77 = tpu.memref_slice %arg8[%dma_start3A_75, %dma_start3A_76] : memref<624x64xf32, #tpu.memory_space<vmem>> -> memref<32x64xf32, #tpu.memory_space<vmem>>
        %dma_start3A_78 = arith.constant 0 : i32
        %dma_start3A_79 = arith.constant 0 : i32
        %dma_start3A_80 = tpu.memref_slice %arg14[%dma_start3A_78, %dma_start3A_79] : memref<10000x64xf32, #tpu.memory_space<vmem_shared>> -> memref<10000x64xf32, #tpu.memory_space<vmem_shared>>
        tpu.enqueue_indirect_dma source(%dma_start3A_77 : memref<32x64xf32, #tpu.memory_space<vmem>>) target(%dma_start3A_80 : memref<10000x64xf32, #tpu.memory_space<vmem_shared>>) offsets(%arg13 : memref<32xi32, #tpu.memory_space<vmem>>) semaphore(%run_scoped3A_74 : memref<!tpu.dma_semaphore, #tpu.memory_space<semaphore_mem>>) {add = true}
        %dma_wait3A_81 = arith.constant 0 : i32
        %dma_wait3A_82 = arith.constant 0 : i32
        %dma_wait3A_83 = tpu.memref_slice %arg8[%dma_wait3A_81, %dma_wait3A_82] : memref<624x64xf32, #tpu.memory_space<vmem>> -> memref<32x64xf32, #tpu.memory_space<vmem>>
        %dma_wait3A_84 = arith.constant 0 : i32
        %dma_wait3A_85 = arith.constant 0 : i32
        %dma_wait3A_86 = tpu.memref_slice %arg14[%dma_wait3A_84, %dma_wait3A_85] : memref<10000x64xf32, #tpu.memory_space<vmem_shared>> -> memref<10000x64xf32, #tpu.memory_space<vmem_shared>>
        tpu.wait_indirect_dma semaphore(%run_scoped3A_74 : memref<!tpu.dma_semaphore, #tpu.memory_space<semaphore_mem>>) src(%dma_wait3A_83 : memref<32x64xf32, #tpu.memory_space<vmem>>) dst(%dma_wait3A_86 : memref<10000x64xf32, #tpu.memory_space<vmem_shared>>)
        tpu.yield
      }) : () -> ()
    } else {
    }
    %barrier3A = arith.constant 0 : index
    tpu.barrier barrier_id(%barrier3A)
    %lt3A = arith.constant 15 : i32
    %lt3A_7 = arith.cmpi slt, %arg1, %lt3A : i32
    %convert_element_type3A_8 = arith.extui %lt3A_7 : i1 to i32
    %cond3A_9 = arith.constant 0 : i32
    %cond3A_10 = arith.cmpi ne, %convert_element_type3A_8, %cond3A_9 : i32
    scf.if %cond3A_10 {
      %mul3A_16 = arith.constant 632 : i32
      %mul3A_17 = arith.muli %arg1, %mul3A_16 : i32
      "tpu.region"() ({
        %run_scoped3A = tpu.sem_alloc : memref<!tpu.dma_semaphore, #tpu.memory_space<semaphore_mem>>
        %dma_start3A = arith.constant 0 : i32
        %dma_start3A_18 = tpu.memref_slice %arg5[%arg0, %mul3A_17, %dma_start3A] : memref<2x10000x64xf32, #tpu.memory_space<hbm>> -> memref<1x632x64xf32, #tpu.memory_space<hbm>>
        %dma_start3A_19 = tpu.memref_squeeze %dma_start3A_18 : memref<1x632x64xf32, #tpu.memory_space<hbm>> -> memref<632x64xf32, #tpu.memory_space<hbm>>
        %dma_start3A_20 = arith.constant 0 : i32
        %dma_start3A_21 = tpu.memref_slice %arg14[%mul3A_17, %dma_start3A_20] : memref<10000x64xf32, #tpu.memory_space<vmem_shared>> -> memref<632x64xf32, #tpu.memory_space<vmem_shared>>
        tpu.enqueue_dma source(%dma_start3A_21 : memref<632x64xf32, #tpu.memory_space<vmem_shared>>) target(%dma_start3A_19 : memref<632x64xf32, #tpu.memory_space<hbm>>) target_semaphore(%run_scoped3A : memref<!tpu.dma_semaphore, #tpu.memory_space<semaphore_mem>>)
        %dma_wait3A = arith.constant 0 : i32
        %dma_wait3A_22 = tpu.memref_slice %arg5[%arg0, %mul3A_17, %dma_wait3A] : memref<2x10000x64xf32, #tpu.memory_space<hbm>> -> memref<1x632x64xf32, #tpu.memory_space<hbm>>
        %dma_wait3A_23 = tpu.memref_squeeze %dma_wait3A_22 : memref<1x632x64xf32, #tpu.memory_space<hbm>> -> memref<632x64xf32, #tpu.memory_space<hbm>>
        %dma_wait3A_24 = arith.constant 0 : i32
        %dma_wait3A_25 = tpu.memref_slice %arg14[%mul3A_17, %dma_wait3A_24] : memref<10000x64xf32, #tpu.memory_space<vmem_shared>> -> memref<632x64xf32, #tpu.memory_space<vmem_shared>>
        tpu.wait_dma2 semaphore(%run_scoped3A : memref<!tpu.dma_semaphore, #tpu.memory_space<semaphore_mem>>) src(%dma_wait3A_25 : memref<632x64xf32, #tpu.memory_space<vmem_shared>>) dst(%dma_wait3A_23 : memref<632x64xf32, #tpu.memory_space<hbm>>)
        tpu.yield
      }) : () -> ()
    } else {
    }
    %eq3A_11 = arith.constant 15 : i32
    %eq3A_12 = arith.cmpi eq, %arg1, %eq3A_11 : i32
    %convert_element_type3A_13 = arith.extui %eq3A_12 : i1 to i32
    %cond3A_14 = arith.constant 0 : i32
    %cond3A_15 = arith.cmpi ne, %convert_element_type3A_13, %cond3A_14 : i32
    scf.if %cond3A_15 {
      "tpu.region"() ({
        %run_scoped3A = tpu.sem_alloc : memref<!tpu.dma_semaphore, #tpu.memory_space<semaphore_mem>>
        %dma_start3A = arith.constant 9480 : i32
        %dma_start3A_16 = arith.constant 0 : i32
        %dma_start3A_17 = tpu.memref_slice %arg5[%arg0, %dma_start3A, %dma_start3A_16] : memref<2x10000x64xf32, #tpu.memory_space<hbm>> -> memref<1x520x64xf32, #tpu.memory_space<hbm>>
        %dma_start3A_18 = tpu.memref_squeeze %dma_start3A_17 : memref<1x520x64xf32, #tpu.memory_space<hbm>> -> memref<520x64xf32, #tpu.memory_space<hbm>>
        %dma_start3A_19 = arith.constant 9480 : i32
        %dma_start3A_20 = arith.constant 0 : i32
        %dma_start3A_21 = tpu.memref_slice %arg14[%dma_start3A_19, %dma_start3A_20] : memref<10000x64xf32, #tpu.memory_space<vmem_shared>> -> memref<520x64xf32, #tpu.memory_space<vmem_shared>>
        tpu.enqueue_dma source(%dma_start3A_21 : memref<520x64xf32, #tpu.memory_space<vmem_shared>>) target(%dma_start3A_18 : memref<520x64xf32, #tpu.memory_space<hbm>>) target_semaphore(%run_scoped3A : memref<!tpu.dma_semaphore, #tpu.memory_space<semaphore_mem>>)
        %dma_wait3A = arith.constant 9480 : i32
        %dma_wait3A_22 = arith.constant 0 : i32
        %dma_wait3A_23 = tpu.memref_slice %arg5[%arg0, %dma_wait3A, %dma_wait3A_22] : memref<2x10000x64xf32, #tpu.memory_space<hbm>> -> memref<1x520x64xf32, #tpu.memory_space<hbm>>
        %dma_wait3A_24 = tpu.memref_squeeze %dma_wait3A_23 : memref<1x520x64xf32, #tpu.memory_space<hbm>> -> memref<520x64xf32, #tpu.memory_space<hbm>>
        %dma_wait3A_25 = arith.constant 9480 : i32
        %dma_wait3A_26 = arith.constant 0 : i32
        %dma_wait3A_27 = tpu.memref_slice %arg14[%dma_wait3A_25, %dma_wait3A_26] : memref<10000x64xf32, #tpu.memory_space<vmem_shared>> -> memref<520x64xf32, #tpu.memory_space<vmem_shared>>
        tpu.wait_dma2 semaphore(%run_scoped3A : memref<!tpu.dma_semaphore, #tpu.memory_space<semaphore_mem>>) src(%dma_wait3A_27 : memref<520x64xf32, #tpu.memory_space<vmem_shared>>) dst(%dma_wait3A_24 : memref<520x64xf32, #tpu.memory_space<hbm>>)
        tpu.yield
      }) : () -> ()
    } else {
    }
    return
  }
}

#map = affine_map<(d0, d1) -> (0, 0)>
#map1 = affine_map<(d0, d1) -> (0, 0, 0)>
module attributes {stable_mosaic.version = 14 : i64} {
  func.func @_deg_kernel(%arg0: i32, %arg1: i32, %arg2: memref<2x320000xi32, #tpu.memory_space<hbm>>, %arg3: memref<400x16xf32, #tpu.memory_space<hbm>>, %arg4: memref<2x632x16xf32, #tpu.memory_space<hbm>>, %arg5: memref<2x10000x16xf32, #tpu.memory_space<hbm>>, %arg6: memref<400xi32, #tpu.memory_space<vmem>>, %arg7: memref<400xi32, #tpu.memory_space<vmem>>, %arg8: memref<400x16xf32, #tpu.memory_space<vmem>>, %arg9: memref<10000x16xf32, #tpu.memory_space<vmem_shared>>, %arg10: memref<!tpu.dma_semaphore, #tpu.memory_space<semaphore_mem>>, %arg11: memref<!tpu.dma_semaphore, #tpu.memory_space<semaphore_mem>>) attributes {dimension_semantics = [#tpu.dimension_semantics<core_parallel>, #tpu.dimension_semantics<subcore_parallel>], iteration_bounds = array<i64: 2, 16>, scalar_prefetch = 0 : i64, scratch_operands = 6 : i64, tpu.core_type = #tpu.core_type<sc_vector_subcore>, window_params = [{transform_indices = #map}, {transform_indices = #map}, {transform_indices = #map1}, {transform_indices = #map1}]} {
    %mul3A = arith.constant 16 : i32
    %mul3A_0 = arith.muli %arg0, %mul3A : i32
    %add3A = arith.addi %mul3A_0, %arg1 : i32
    %mul3A_1 = arith.constant 10000 : i32
    %mul3A_2 = arith.muli %add3A, %mul3A_1 : i32
    %lt3A = arith.constant 15 : i32
    %lt3A_3 = arith.cmpi slt, %arg1, %lt3A : i32
    %convert_element_type3A = arith.extui %lt3A_3 : i1 to i32
    %cond3A = arith.constant 0 : i32
    %cond3A_4 = arith.cmpi ne, %convert_element_type3A, %cond3A : i32
    scf.if %cond3A_4 {
      %mul3A_47 = arith.constant 632 : i32
      %mul3A_48 = arith.muli %arg1, %mul3A_47 : i32
      "tpu.region"() ({
        %run_scoped3A_49 = tpu.sem_alloc : memref<!tpu.dma_semaphore, #tpu.memory_space<semaphore_mem>>
        %dma_start3A_50 = arith.constant 0 : i32
        %dma_start3A_51 = tpu.memref_slice %arg9[%mul3A_48, %dma_start3A_50] : memref<10000x16xf32, #tpu.memory_space<vmem_shared>> -> memref<632x16xf32, #tpu.memory_space<vmem_shared>>
        %dma_start3A_52 = arith.constant 0 : i32
        %dma_start3A_53 = arith.constant 0 : i32
        %dma_start3A_54 = tpu.memref_slice %arg4[%arg0, %dma_start3A_52, %dma_start3A_53] : memref<2x632x16xf32, #tpu.memory_space<hbm>> -> memref<1x632x16xf32, #tpu.memory_space<hbm>>
        %dma_start3A_55 = tpu.memref_squeeze %dma_start3A_54 : memref<1x632x16xf32, #tpu.memory_space<hbm>> -> memref<632x16xf32, #tpu.memory_space<hbm>>
        tpu.enqueue_dma source(%dma_start3A_55 : memref<632x16xf32, #tpu.memory_space<hbm>>) target(%dma_start3A_51 : memref<632x16xf32, #tpu.memory_space<vmem_shared>>) target_semaphore(%run_scoped3A_49 : memref<!tpu.dma_semaphore, #tpu.memory_space<semaphore_mem>>)
        %dma_wait3A_56 = arith.constant 0 : i32
        %dma_wait3A_57 = tpu.memref_slice %arg9[%mul3A_48, %dma_wait3A_56] : memref<10000x16xf32, #tpu.memory_space<vmem_shared>> -> memref<632x16xf32, #tpu.memory_space<vmem_shared>>
        %dma_wait3A_58 = arith.constant 0 : i32
        %dma_wait3A_59 = arith.constant 0 : i32
        %dma_wait3A_60 = tpu.memref_slice %arg4[%arg0, %dma_wait3A_58, %dma_wait3A_59] : memref<2x632x16xf32, #tpu.memory_space<hbm>> -> memref<1x632x16xf32, #tpu.memory_space<hbm>>
        %dma_wait3A_61 = tpu.memref_squeeze %dma_wait3A_60 : memref<1x632x16xf32, #tpu.memory_space<hbm>> -> memref<632x16xf32, #tpu.memory_space<hbm>>
        tpu.wait_dma2 semaphore(%run_scoped3A_49 : memref<!tpu.dma_semaphore, #tpu.memory_space<semaphore_mem>>) src(%dma_wait3A_61 : memref<632x16xf32, #tpu.memory_space<hbm>>) dst(%dma_wait3A_57 : memref<632x16xf32, #tpu.memory_space<vmem_shared>>)
        tpu.yield
      }) : () -> ()
    } else {
    }
    %eq3A = arith.constant 15 : i32
    %eq3A_5 = arith.cmpi eq, %arg1, %eq3A : i32
    %convert_element_type3A_6 = arith.extui %eq3A_5 : i1 to i32
    %cond3A_7 = arith.constant 0 : i32
    %cond3A_8 = arith.cmpi ne, %convert_element_type3A_6, %cond3A_7 : i32
    scf.if %cond3A_8 {
      "tpu.region"() ({
        %run_scoped3A_47 = tpu.sem_alloc : memref<!tpu.dma_semaphore, #tpu.memory_space<semaphore_mem>>
        %dma_start3A_48 = arith.constant 9480 : i32
        %dma_start3A_49 = arith.constant 0 : i32
        %dma_start3A_50 = tpu.memref_slice %arg9[%dma_start3A_48, %dma_start3A_49] : memref<10000x16xf32, #tpu.memory_space<vmem_shared>> -> memref<520x16xf32, #tpu.memory_space<vmem_shared>>
        %dma_start3A_51 = arith.constant 0 : i32
        %dma_start3A_52 = arith.constant 0 : i32
        %dma_start3A_53 = tpu.memref_slice %arg4[%arg0, %dma_start3A_51, %dma_start3A_52] : memref<2x632x16xf32, #tpu.memory_space<hbm>> -> memref<1x520x16xf32, #tpu.memory_space<hbm>>
        %dma_start3A_54 = tpu.memref_squeeze %dma_start3A_53 : memref<1x520x16xf32, #tpu.memory_space<hbm>> -> memref<520x16xf32, #tpu.memory_space<hbm>>
        tpu.enqueue_dma source(%dma_start3A_54 : memref<520x16xf32, #tpu.memory_space<hbm>>) target(%dma_start3A_50 : memref<520x16xf32, #tpu.memory_space<vmem_shared>>) target_semaphore(%run_scoped3A_47 : memref<!tpu.dma_semaphore, #tpu.memory_space<semaphore_mem>>)
        %dma_wait3A_55 = arith.constant 9480 : i32
        %dma_wait3A_56 = arith.constant 0 : i32
        %dma_wait3A_57 = tpu.memref_slice %arg9[%dma_wait3A_55, %dma_wait3A_56] : memref<10000x16xf32, #tpu.memory_space<vmem_shared>> -> memref<520x16xf32, #tpu.memory_space<vmem_shared>>
        %dma_wait3A_58 = arith.constant 0 : i32
        %dma_wait3A_59 = arith.constant 0 : i32
        %dma_wait3A_60 = tpu.memref_slice %arg4[%arg0, %dma_wait3A_58, %dma_wait3A_59] : memref<2x632x16xf32, #tpu.memory_space<hbm>> -> memref<1x520x16xf32, #tpu.memory_space<hbm>>
        %dma_wait3A_61 = tpu.memref_squeeze %dma_wait3A_60 : memref<1x520x16xf32, #tpu.memory_space<hbm>> -> memref<520x16xf32, #tpu.memory_space<hbm>>
        tpu.wait_dma2 semaphore(%run_scoped3A_47 : memref<!tpu.dma_semaphore, #tpu.memory_space<semaphore_mem>>) src(%dma_wait3A_61 : memref<520x16xf32, #tpu.memory_space<hbm>>) dst(%dma_wait3A_57 : memref<520x16xf32, #tpu.memory_space<vmem_shared>>)
        tpu.yield
      }) : () -> ()
    } else {
    }
    "tpu.region"() ({
      %run_scoped3A_47 = tpu.sem_alloc : memref<!tpu.dma_semaphore, #tpu.memory_space<semaphore_mem>>
      tpu.enqueue_dma source(%arg3 : memref<400x16xf32, #tpu.memory_space<hbm>>) target(%arg8 : memref<400x16xf32, #tpu.memory_space<vmem>>) target_semaphore(%run_scoped3A_47 : memref<!tpu.dma_semaphore, #tpu.memory_space<semaphore_mem>>)
      tpu.wait_dma2 semaphore(%run_scoped3A_47 : memref<!tpu.dma_semaphore, #tpu.memory_space<semaphore_mem>>) src(%arg3 : memref<400x16xf32, #tpu.memory_space<hbm>>) dst(%arg8 : memref<400x16xf32, #tpu.memory_space<vmem>>)
      tpu.yield
    }) : () -> ()
    %barrier3A = arith.constant 0 : index
    tpu.barrier barrier_id(%barrier3A)
    %run_scoped3A = arith.constant 1 : i32
    "tpu.region"() ({
      %run_scoped3A_47 = tpu.sem_alloc : memref<!tpu.dma_semaphore, #tpu.memory_space<semaphore_mem>>
      %dma_start3A_48 = tpu.memref_slice %arg2[%run_scoped3A, %mul3A_2] : memref<2x320000xi32, #tpu.memory_space<hbm>> -> memref<1x400xi32, #tpu.memory_space<hbm>>
      %dma_start3A_49 = tpu.memref_squeeze %dma_start3A_48 : memref<1x400xi32, #tpu.memory_space<hbm>> -> memref<400xi32, #tpu.memory_space<hbm>>
      %dma_start3A_50 = tpu.memref_slice %arg2[%run_scoped3A, %mul3A_2] : memref<2x320000xi32, #tpu.memory_space<hbm>> -> memref<1x400xi32, #tpu.memory_space<hbm>>
      %dma_start3A_51 = tpu.memref_squeeze %dma_start3A_50 : memref<1x400xi32, #tpu.memory_space<hbm>> -> memref<400xi32, #tpu.memory_space<hbm>>
      tpu.enqueue_dma source(%dma_start3A_51 : memref<400xi32, #tpu.memory_space<hbm>>) target(%arg6 : memref<400xi32, #tpu.memory_space<vmem>>) target_semaphore(%run_scoped3A_47 : memref<!tpu.dma_semaphore, #tpu.memory_space<semaphore_mem>>)
      %dma_wait3A_52 = tpu.memref_slice %arg2[%run_scoped3A, %mul3A_2] : memref<2x320000xi32, #tpu.memory_space<hbm>> -> memref<1x400xi32, #tpu.memory_space<hbm>>
      %dma_wait3A_53 = tpu.memref_squeeze %dma_wait3A_52 : memref<1x400xi32, #tpu.memory_space<hbm>> -> memref<400xi32, #tpu.memory_space<hbm>>
      %dma_wait3A_54 = tpu.memref_slice %arg2[%run_scoped3A, %mul3A_2] : memref<2x320000xi32, #tpu.memory_space<hbm>> -> memref<1x400xi32, #tpu.memory_space<hbm>>
      %dma_wait3A_55 = tpu.memref_squeeze %dma_wait3A_54 : memref<1x400xi32, #tpu.memory_space<hbm>> -> memref<400xi32, #tpu.memory_space<hbm>>
      tpu.wait_dma2 semaphore(%run_scoped3A_47 : memref<!tpu.dma_semaphore, #tpu.memory_space<semaphore_mem>>) src(%dma_wait3A_55 : memref<400xi32, #tpu.memory_space<hbm>>) dst(%arg6 : memref<400xi32, #tpu.memory_space<vmem>>)
      tpu.yield
    }) : () -> ()
    %dma_start3A = arith.constant 0 : i32
    %dma_start3A_9 = arith.constant 0 : i32
    %dma_start3A_10 = tpu.memref_slice %arg9[%dma_start3A, %dma_start3A_9] : memref<10000x16xf32, #tpu.memory_space<vmem_shared>> -> memref<10000x16xf32, #tpu.memory_space<vmem_shared>>
    tpu.enqueue_indirect_dma source(%arg8 : memref<400x16xf32, #tpu.memory_space<vmem>>) target(%dma_start3A_10 : memref<10000x16xf32, #tpu.memory_space<vmem_shared>>) offsets(%arg6 : memref<400xi32, #tpu.memory_space<vmem>>) semaphore(%arg10 : memref<!tpu.dma_semaphore, #tpu.memory_space<semaphore_mem>>) {add = true}
    %add3A_11 = arith.constant 400 : i32
    %add3A_12 = arith.addi %mul3A_2, %add3A_11 : i32
    %run_scoped3A_13 = arith.constant 1 : i32
    "tpu.region"() ({
      %run_scoped3A_47 = tpu.sem_alloc : memref<!tpu.dma_semaphore, #tpu.memory_space<semaphore_mem>>
      %dma_start3A_48 = tpu.memref_slice %arg2[%run_scoped3A_13, %add3A_12] : memref<2x320000xi32, #tpu.memory_space<hbm>> -> memref<1x400xi32, #tpu.memory_space<hbm>>
      %dma_start3A_49 = tpu.memref_squeeze %dma_start3A_48 : memref<1x400xi32, #tpu.memory_space<hbm>> -> memref<400xi32, #tpu.memory_space<hbm>>
      %dma_start3A_50 = tpu.memref_slice %arg2[%run_scoped3A_13, %add3A_12] : memref<2x320000xi32, #tpu.memory_space<hbm>> -> memref<1x400xi32, #tpu.memory_space<hbm>>
      %dma_start3A_51 = tpu.memref_squeeze %dma_start3A_50 : memref<1x400xi32, #tpu.memory_space<hbm>> -> memref<400xi32, #tpu.memory_space<hbm>>
      tpu.enqueue_dma source(%dma_start3A_51 : memref<400xi32, #tpu.memory_space<hbm>>) target(%arg7 : memref<400xi32, #tpu.memory_space<vmem>>) target_semaphore(%run_scoped3A_47 : memref<!tpu.dma_semaphore, #tpu.memory_space<semaphore_mem>>)
      %dma_wait3A_52 = tpu.memref_slice %arg2[%run_scoped3A_13, %add3A_12] : memref<2x320000xi32, #tpu.memory_space<hbm>> -> memref<1x400xi32, #tpu.memory_space<hbm>>
      %dma_wait3A_53 = tpu.memref_squeeze %dma_wait3A_52 : memref<1x400xi32, #tpu.memory_space<hbm>> -> memref<400xi32, #tpu.memory_space<hbm>>
      %dma_wait3A_54 = tpu.memref_slice %arg2[%run_scoped3A_13, %add3A_12] : memref<2x320000xi32, #tpu.memory_space<hbm>> -> memref<1x400xi32, #tpu.memory_space<hbm>>
      %dma_wait3A_55 = tpu.memref_squeeze %dma_wait3A_54 : memref<1x400xi32, #tpu.memory_space<hbm>> -> memref<400xi32, #tpu.memory_space<hbm>>
      tpu.wait_dma2 semaphore(%run_scoped3A_47 : memref<!tpu.dma_semaphore, #tpu.memory_space<semaphore_mem>>) src(%dma_wait3A_55 : memref<400xi32, #tpu.memory_space<hbm>>) dst(%arg7 : memref<400xi32, #tpu.memory_space<vmem>>)
      tpu.yield
    }) : () -> ()
    %dma_start3A_14 = arith.constant 0 : i32
    %dma_start3A_15 = arith.constant 0 : i32
    %dma_start3A_16 = tpu.memref_slice %arg9[%dma_start3A_14, %dma_start3A_15] : memref<10000x16xf32, #tpu.memory_space<vmem_shared>> -> memref<10000x16xf32, #tpu.memory_space<vmem_shared>>
    tpu.enqueue_indirect_dma source(%arg8 : memref<400x16xf32, #tpu.memory_space<vmem>>) target(%dma_start3A_16 : memref<10000x16xf32, #tpu.memory_space<vmem_shared>>) offsets(%arg7 : memref<400xi32, #tpu.memory_space<vmem>>) semaphore(%arg11 : memref<!tpu.dma_semaphore, #tpu.memory_space<semaphore_mem>>) {add = true}
    %scan3A = arith.constant 0 : i32
    %scan3A_17 = arith.constant 1 : i32
    %scan3A_18 = arith.constant 11 : i32
    %scan3A_19 = arith.addi %scan3A_17, %scan3A_18 : i32
    %scan3A_20 = arith.constant 1 : i32
    scf.for %scan3A_47 = %scan3A_17 to %scan3A_19 step %scan3A_20  : i32 {
      %mul3A_48 = arith.constant 2 : i32
      %mul3A_49 = arith.muli %mul3A_48, %scan3A_47 : i32
      %mul3A_50 = arith.constant 400 : i32
      %mul3A_51 = arith.muli %mul3A_49, %mul3A_50 : i32
      %add3A_52 = arith.addi %mul3A_2, %mul3A_51 : i32
      %dma_wait3A_53 = arith.constant 0 : i32
      %dma_wait3A_54 = arith.constant 0 : i32
      %dma_wait3A_55 = tpu.memref_slice %arg9[%dma_wait3A_53, %dma_wait3A_54] : memref<10000x16xf32, #tpu.memory_space<vmem_shared>> -> memref<10000x16xf32, #tpu.memory_space<vmem_shared>>
      tpu.wait_indirect_dma semaphore(%arg10 : memref<!tpu.dma_semaphore, #tpu.memory_space<semaphore_mem>>) src(%arg8 : memref<400x16xf32, #tpu.memory_space<vmem>>) dst(%dma_wait3A_55 : memref<10000x16xf32, #tpu.memory_space<vmem_shared>>)
      %run_scoped3A_56 = arith.constant 1 : i32
      "tpu.region"() ({
        %run_scoped3A_69 = tpu.sem_alloc : memref<!tpu.dma_semaphore, #tpu.memory_space<semaphore_mem>>
        %dma_start3A_70 = tpu.memref_slice %arg2[%run_scoped3A_56, %add3A_52] : memref<2x320000xi32, #tpu.memory_space<hbm>> -> memref<1x400xi32, #tpu.memory_space<hbm>>
        %dma_start3A_71 = tpu.memref_squeeze %dma_start3A_70 : memref<1x400xi32, #tpu.memory_space<hbm>> -> memref<400xi32, #tpu.memory_space<hbm>>
        %dma_start3A_72 = tpu.memref_slice %arg2[%run_scoped3A_56, %add3A_52] : memref<2x320000xi32, #tpu.memory_space<hbm>> -> memref<1x400xi32, #tpu.memory_space<hbm>>
        %dma_start3A_73 = tpu.memref_squeeze %dma_start3A_72 : memref<1x400xi32, #tpu.memory_space<hbm>> -> memref<400xi32, #tpu.memory_space<hbm>>
        tpu.enqueue_dma source(%dma_start3A_73 : memref<400xi32, #tpu.memory_space<hbm>>) target(%arg6 : memref<400xi32, #tpu.memory_space<vmem>>) target_semaphore(%run_scoped3A_69 : memref<!tpu.dma_semaphore, #tpu.memory_space<semaphore_mem>>)
        %dma_wait3A_74 = tpu.memref_slice %arg2[%run_scoped3A_56, %add3A_52] : memref<2x320000xi32, #tpu.memory_space<hbm>> -> memref<1x400xi32, #tpu.memory_space<hbm>>
        %dma_wait3A_75 = tpu.memref_squeeze %dma_wait3A_74 : memref<1x400xi32, #tpu.memory_space<hbm>> -> memref<400xi32, #tpu.memory_space<hbm>>
        %dma_wait3A_76 = tpu.memref_slice %arg2[%run_scoped3A_56, %add3A_52] : memref<2x320000xi32, #tpu.memory_space<hbm>> -> memref<1x400xi32, #tpu.memory_space<hbm>>
        %dma_wait3A_77 = tpu.memref_squeeze %dma_wait3A_76 : memref<1x400xi32, #tpu.memory_space<hbm>> -> memref<400xi32, #tpu.memory_space<hbm>>
        tpu.wait_dma2 semaphore(%run_scoped3A_69 : memref<!tpu.dma_semaphore, #tpu.memory_space<semaphore_mem>>) src(%dma_wait3A_77 : memref<400xi32, #tpu.memory_space<hbm>>) dst(%arg6 : memref<400xi32, #tpu.memory_space<vmem>>)
        tpu.yield
      }) : () -> ()
      %dma_start3A_57 = arith.constant 0 : i32
      %dma_start3A_58 = arith.constant 0 : i32
      %dma_start3A_59 = tpu.memref_slice %arg9[%dma_start3A_57, %dma_start3A_58] : memref<10000x16xf32, #tpu.memory_space<vmem_shared>> -> memref<10000x16xf32, #tpu.memory_space<vmem_shared>>
      tpu.enqueue_indirect_dma source(%arg8 : memref<400x16xf32, #tpu.memory_space<vmem>>) target(%dma_start3A_59 : memref<10000x16xf32, #tpu.memory_space<vmem_shared>>) offsets(%arg6 : memref<400xi32, #tpu.memory_space<vmem>>) semaphore(%arg10 : memref<!tpu.dma_semaphore, #tpu.memory_space<semaphore_mem>>) {add = true}
      %dma_wait3A_60 = arith.constant 0 : i32
      %dma_wait3A_61 = arith.constant 0 : i32
      %dma_wait3A_62 = tpu.memref_slice %arg9[%dma_wait3A_60, %dma_wait3A_61] : memref<10000x16xf32, #tpu.memory_space<vmem_shared>> -> memref<10000x16xf32, #tpu.memory_space<vmem_shared>>
      tpu.wait_indirect_dma semaphore(%arg11 : memref<!tpu.dma_semaphore, #tpu.memory_space<semaphore_mem>>) src(%arg8 : memref<400x16xf32, #tpu.memory_space<vmem>>) dst(%dma_wait3A_62 : memref<10000x16xf32, #tpu.memory_space<vmem_shared>>)
      %add3A_63 = arith.constant 400 : i32
      %add3A_64 = arith.addi %add3A_52, %add3A_63 : i32
      %run_scoped3A_65 = arith.constant 1 : i32
      "tpu.region"() ({
        %run_scoped3A_69 = tpu.sem_alloc : memref<!tpu.dma_semaphore, #tpu.memory_space<semaphore_mem>>
        %dma_start3A_70 = tpu.memref_slice %arg2[%run_scoped3A_65, %add3A_64] : memref<2x320000xi32, #tpu.memory_space<hbm>> -> memref<1x400xi32, #tpu.memory_space<hbm>>
        %dma_start3A_71 = tpu.memref_squeeze %dma_start3A_70 : memref<1x400xi32, #tpu.memory_space<hbm>> -> memref<400xi32, #tpu.memory_space<hbm>>
        %dma_start3A_72 = tpu.memref_slice %arg2[%run_scoped3A_65, %add3A_64] : memref<2x320000xi32, #tpu.memory_space<hbm>> -> memref<1x400xi32, #tpu.memory_space<hbm>>
        %dma_start3A_73 = tpu.memref_squeeze %dma_start3A_72 : memref<1x400xi32, #tpu.memory_space<hbm>> -> memref<400xi32, #tpu.memory_space<hbm>>
        tpu.enqueue_dma source(%dma_start3A_73 : memref<400xi32, #tpu.memory_space<hbm>>) target(%arg7 : memref<400xi32, #tpu.memory_space<vmem>>) target_semaphore(%run_scoped3A_69 : memref<!tpu.dma_semaphore, #tpu.memory_space<semaphore_mem>>)
        %dma_wait3A_74 = tpu.memref_slice %arg2[%run_scoped3A_65, %add3A_64] : memref<2x320000xi32, #tpu.memory_space<hbm>> -> memref<1x400xi32, #tpu.memory_space<hbm>>
        %dma_wait3A_75 = tpu.memref_squeeze %dma_wait3A_74 : memref<1x400xi32, #tpu.memory_space<hbm>> -> memref<400xi32, #tpu.memory_space<hbm>>
        %dma_wait3A_76 = tpu.memref_slice %arg2[%run_scoped3A_65, %add3A_64] : memref<2x320000xi32, #tpu.memory_space<hbm>> -> memref<1x400xi32, #tpu.memory_space<hbm>>
        %dma_wait3A_77 = tpu.memref_squeeze %dma_wait3A_76 : memref<1x400xi32, #tpu.memory_space<hbm>> -> memref<400xi32, #tpu.memory_space<hbm>>
        tpu.wait_dma2 semaphore(%run_scoped3A_69 : memref<!tpu.dma_semaphore, #tpu.memory_space<semaphore_mem>>) src(%dma_wait3A_77 : memref<400xi32, #tpu.memory_space<hbm>>) dst(%arg7 : memref<400xi32, #tpu.memory_space<vmem>>)
        tpu.yield
      }) : () -> ()
      %dma_start3A_66 = arith.constant 0 : i32
      %dma_start3A_67 = arith.constant 0 : i32
      %dma_start3A_68 = tpu.memref_slice %arg9[%dma_start3A_66, %dma_start3A_67] : memref<10000x16xf32, #tpu.memory_space<vmem_shared>> -> memref<10000x16xf32, #tpu.memory_space<vmem_shared>>
      tpu.enqueue_indirect_dma source(%arg8 : memref<400x16xf32, #tpu.memory_space<vmem>>) target(%dma_start3A_68 : memref<10000x16xf32, #tpu.memory_space<vmem_shared>>) offsets(%arg7 : memref<400xi32, #tpu.memory_space<vmem>>) semaphore(%arg11 : memref<!tpu.dma_semaphore, #tpu.memory_space<semaphore_mem>>) {add = true}
    }
    %scan3A_21 = arith.constant 11 : i32
    %dma_wait3A = arith.constant 0 : i32
    %dma_wait3A_22 = arith.constant 0 : i32
    %dma_wait3A_23 = tpu.memref_slice %arg9[%dma_wait3A, %dma_wait3A_22] : memref<10000x16xf32, #tpu.memory_space<vmem_shared>> -> memref<10000x16xf32, #tpu.memory_space<vmem_shared>>
    tpu.wait_indirect_dma semaphore(%arg10 : memref<!tpu.dma_semaphore, #tpu.memory_space<semaphore_mem>>) src(%arg8 : memref<400x16xf32, #tpu.memory_space<vmem>>) dst(%dma_wait3A_23 : memref<10000x16xf32, #tpu.memory_space<vmem_shared>>)
    %add3A_24 = arith.constant 9600 : i32
    %add3A_25 = arith.addi %mul3A_2, %add3A_24 : i32
    %run_scoped3A_26 = arith.constant 1 : i32
    "tpu.region"() ({
      %run_scoped3A_47 = tpu.sem_alloc : memref<!tpu.dma_semaphore, #tpu.memory_space<semaphore_mem>>
      %dma_start3A_48 = tpu.memref_slice %arg2[%run_scoped3A_26, %add3A_25] : memref<2x320000xi32, #tpu.memory_space<hbm>> -> memref<1x400xi32, #tpu.memory_space<hbm>>
      %dma_start3A_49 = tpu.memref_squeeze %dma_start3A_48 : memref<1x400xi32, #tpu.memory_space<hbm>> -> memref<400xi32, #tpu.memory_space<hbm>>
      %dma_start3A_50 = tpu.memref_slice %arg2[%run_scoped3A_26, %add3A_25] : memref<2x320000xi32, #tpu.memory_space<hbm>> -> memref<1x400xi32, #tpu.memory_space<hbm>>
      %dma_start3A_51 = tpu.memref_squeeze %dma_start3A_50 : memref<1x400xi32, #tpu.memory_space<hbm>> -> memref<400xi32, #tpu.memory_space<hbm>>
      tpu.enqueue_dma source(%dma_start3A_51 : memref<400xi32, #tpu.memory_space<hbm>>) target(%arg6 : memref<400xi32, #tpu.memory_space<vmem>>) target_semaphore(%run_scoped3A_47 : memref<!tpu.dma_semaphore, #tpu.memory_space<semaphore_mem>>)
      %dma_wait3A_52 = tpu.memref_slice %arg2[%run_scoped3A_26, %add3A_25] : memref<2x320000xi32, #tpu.memory_space<hbm>> -> memref<1x400xi32, #tpu.memory_space<hbm>>
      %dma_wait3A_53 = tpu.memref_squeeze %dma_wait3A_52 : memref<1x400xi32, #tpu.memory_space<hbm>> -> memref<400xi32, #tpu.memory_space<hbm>>
      %dma_wait3A_54 = tpu.memref_slice %arg2[%run_scoped3A_26, %add3A_25] : memref<2x320000xi32, #tpu.memory_space<hbm>> -> memref<1x400xi32, #tpu.memory_space<hbm>>
      %dma_wait3A_55 = tpu.memref_squeeze %dma_wait3A_54 : memref<1x400xi32, #tpu.memory_space<hbm>> -> memref<400xi32, #tpu.memory_space<hbm>>
      tpu.wait_dma2 semaphore(%run_scoped3A_47 : memref<!tpu.dma_semaphore, #tpu.memory_space<semaphore_mem>>) src(%dma_wait3A_55 : memref<400xi32, #tpu.memory_space<hbm>>) dst(%arg6 : memref<400xi32, #tpu.memory_space<vmem>>)
      tpu.yield
    }) : () -> ()
    %dma_start3A_27 = arith.constant 0 : i32
    %dma_start3A_28 = arith.constant 0 : i32
    %dma_start3A_29 = tpu.memref_slice %arg9[%dma_start3A_27, %dma_start3A_28] : memref<10000x16xf32, #tpu.memory_space<vmem_shared>> -> memref<10000x16xf32, #tpu.memory_space<vmem_shared>>
    tpu.enqueue_indirect_dma source(%arg8 : memref<400x16xf32, #tpu.memory_space<vmem>>) target(%dma_start3A_29 : memref<10000x16xf32, #tpu.memory_space<vmem_shared>>) offsets(%arg6 : memref<400xi32, #tpu.memory_space<vmem>>) semaphore(%arg10 : memref<!tpu.dma_semaphore, #tpu.memory_space<semaphore_mem>>) {add = true}
    %dma_wait3A_30 = arith.constant 0 : i32
    %dma_wait3A_31 = arith.constant 0 : i32
    %dma_wait3A_32 = tpu.memref_slice %arg9[%dma_wait3A_30, %dma_wait3A_31] : memref<10000x16xf32, #tpu.memory_space<vmem_shared>> -> memref<10000x16xf32, #tpu.memory_space<vmem_shared>>
    tpu.wait_indirect_dma semaphore(%arg11 : memref<!tpu.dma_semaphore, #tpu.memory_space<semaphore_mem>>) src(%arg8 : memref<400x16xf32, #tpu.memory_space<vmem>>) dst(%dma_wait3A_32 : memref<10000x16xf32, #tpu.memory_space<vmem_shared>>)
    %dma_wait3A_33 = arith.constant 0 : i32
    %dma_wait3A_34 = arith.constant 0 : i32
    %dma_wait3A_35 = tpu.memref_slice %arg9[%dma_wait3A_33, %dma_wait3A_34] : memref<10000x16xf32, #tpu.memory_space<vmem_shared>> -> memref<10000x16xf32, #tpu.memory_space<vmem_shared>>
    tpu.wait_indirect_dma semaphore(%arg10 : memref<!tpu.dma_semaphore, #tpu.memory_space<semaphore_mem>>) src(%arg8 : memref<400x16xf32, #tpu.memory_space<vmem>>) dst(%dma_wait3A_35 : memref<10000x16xf32, #tpu.memory_space<vmem_shared>>)
    %barrier3A_36 = arith.constant 0 : index
    tpu.barrier barrier_id(%barrier3A_36)
    %lt3A_37 = arith.constant 15 : i32
    %lt3A_38 = arith.cmpi slt, %arg1, %lt3A_37 : i32
    %convert_element_type3A_39 = arith.extui %lt3A_38 : i1 to i32
    %cond3A_40 = arith.constant 0 : i32
    %cond3A_41 = arith.cmpi ne, %convert_element_type3A_39, %cond3A_40 : i32
    scf.if %cond3A_41 {
      %mul3A_47 = arith.constant 632 : i32
      %mul3A_48 = arith.muli %arg1, %mul3A_47 : i32
      "tpu.region"() ({
        %run_scoped3A_49 = tpu.sem_alloc : memref<!tpu.dma_semaphore, #tpu.memory_space<semaphore_mem>>
        %dma_start3A_50 = arith.constant 0 : i32
        %dma_start3A_51 = tpu.memref_slice %arg5[%arg0, %mul3A_48, %dma_start3A_50] : memref<2x10000x16xf32, #tpu.memory_space<hbm>> -> memref<1x632x16xf32, #tpu.memory_space<hbm>>
        %dma_start3A_52 = tpu.memref_squeeze %dma_start3A_51 : memref<1x632x16xf32, #tpu.memory_space<hbm>> -> memref<632x16xf32, #tpu.memory_space<hbm>>
        %dma_start3A_53 = arith.constant 0 : i32
        %dma_start3A_54 = tpu.memref_slice %arg9[%mul3A_48, %dma_start3A_53] : memref<10000x16xf32, #tpu.memory_space<vmem_shared>> -> memref<632x16xf32, #tpu.memory_space<vmem_shared>>
        tpu.enqueue_dma source(%dma_start3A_54 : memref<632x16xf32, #tpu.memory_space<vmem_shared>>) target(%dma_start3A_52 : memref<632x16xf32, #tpu.memory_space<hbm>>) target_semaphore(%run_scoped3A_49 : memref<!tpu.dma_semaphore, #tpu.memory_space<semaphore_mem>>)
        %dma_wait3A_55 = arith.constant 0 : i32
        %dma_wait3A_56 = tpu.memref_slice %arg5[%arg0, %mul3A_48, %dma_wait3A_55] : memref<2x10000x16xf32, #tpu.memory_space<hbm>> -> memref<1x632x16xf32, #tpu.memory_space<hbm>>
        %dma_wait3A_57 = tpu.memref_squeeze %dma_wait3A_56 : memref<1x632x16xf32, #tpu.memory_space<hbm>> -> memref<632x16xf32, #tpu.memory_space<hbm>>
        %dma_wait3A_58 = arith.constant 0 : i32
        %dma_wait3A_59 = tpu.memref_slice %arg9[%mul3A_48, %dma_wait3A_58] : memref<10000x16xf32, #tpu.memory_space<vmem_shared>> -> memref<632x16xf32, #tpu.memory_space<vmem_shared>>
        tpu.wait_dma2 semaphore(%run_scoped3A_49 : memref<!tpu.dma_semaphore, #tpu.memory_space<semaphore_mem>>) src(%dma_wait3A_59 : memref<632x16xf32, #tpu.memory_space<vmem_shared>>) dst(%dma_wait3A_57 : memref<632x16xf32, #tpu.memory_space<hbm>>)
        tpu.yield
      }) : () -> ()
    } else {
    }
    %eq3A_42 = arith.constant 15 : i32
    %eq3A_43 = arith.cmpi eq, %arg1, %eq3A_42 : i32
    %convert_element_type3A_44 = arith.extui %eq3A_43 : i1 to i32
    %cond3A_45 = arith.constant 0 : i32
    %cond3A_46 = arith.cmpi ne, %convert_element_type3A_44, %cond3A_45 : i32
    scf.if %cond3A_46 {
      "tpu.region"() ({
        %run_scoped3A_47 = tpu.sem_alloc : memref<!tpu.dma_semaphore, #tpu.memory_space<semaphore_mem>>
        %dma_start3A_48 = arith.constant 9480 : i32
        %dma_start3A_49 = arith.constant 0 : i32
        %dma_start3A_50 = tpu.memref_slice %arg5[%arg0, %dma_start3A_48, %dma_start3A_49] : memref<2x10000x16xf32, #tpu.memory_space<hbm>> -> memref<1x520x16xf32, #tpu.memory_space<hbm>>
        %dma_start3A_51 = tpu.memref_squeeze %dma_start3A_50 : memref<1x520x16xf32, #tpu.memory_space<hbm>> -> memref<520x16xf32, #tpu.memory_space<hbm>>
        %dma_start3A_52 = arith.constant 9480 : i32
        %dma_start3A_53 = arith.constant 0 : i32
        %dma_start3A_54 = tpu.memref_slice %arg9[%dma_start3A_52, %dma_start3A_53] : memref<10000x16xf32, #tpu.memory_space<vmem_shared>> -> memref<520x16xf32, #tpu.memory_space<vmem_shared>>
        tpu.enqueue_dma source(%dma_start3A_54 : memref<520x16xf32, #tpu.memory_space<vmem_shared>>) target(%dma_start3A_51 : memref<520x16xf32, #tpu.memory_space<hbm>>) target_semaphore(%run_scoped3A_47 : memref<!tpu.dma_semaphore, #tpu.memory_space<semaphore_mem>>)
        %dma_wait3A_55 = arith.constant 9480 : i32
        %dma_wait3A_56 = arith.constant 0 : i32
        %dma_wait3A_57 = tpu.memref_slice %arg5[%arg0, %dma_wait3A_55, %dma_wait3A_56] : memref<2x10000x16xf32, #tpu.memory_space<hbm>> -> memref<1x520x16xf32, #tpu.memory_space<hbm>>
        %dma_wait3A_58 = tpu.memref_squeeze %dma_wait3A_57 : memref<1x520x16xf32, #tpu.memory_space<hbm>> -> memref<520x16xf32, #tpu.memory_space<hbm>>
        %dma_wait3A_59 = arith.constant 9480 : i32
        %dma_wait3A_60 = arith.constant 0 : i32
        %dma_wait3A_61 = tpu.memref_slice %arg9[%dma_wait3A_59, %dma_wait3A_60] : memref<10000x16xf32, #tpu.memory_space<vmem_shared>> -> memref<520x16xf32, #tpu.memory_space<vmem_shared>>
        tpu.wait_dma2 semaphore(%run_scoped3A_47 : memref<!tpu.dma_semaphore, #tpu.memory_space<semaphore_mem>>) src(%dma_wait3A_61 : memref<520x16xf32, #tpu.memory_space<vmem_shared>>) dst(%dma_wait3A_58 : memref<520x16xf32, #tpu.memory_space<hbm>>)
        tpu.yield
      }) : () -> ()
    } else {
    }
    return
  }
}

#map = affine_map<(d0, d1) -> (0, 0)>
#map1 = affine_map<(d0, d1) -> (0, 0, 0)>
module attributes {stable_mosaic.version = 14 : i64} {
  func.func @agg(%arg0: i32, %arg1: i32, %arg2: memref<2x320000xi32, #tpu.memory_space<hbm>>, %arg3: memref<10000x64xf32, #tpu.memory_space<hbm>>, %arg4: memref<10000x64xf32, #tpu.memory_space<hbm>>, %arg5: memref<2x10000x64xf32, #tpu.memory_space<hbm>>, %arg6: memref<624xi32, #tpu.memory_space<vmem>>, %arg7: memref<624xi32, #tpu.memory_space<vmem>>, %arg8: memref<624x64xf32, #tpu.memory_space<vmem>>, %arg9: memref<624xi32, #tpu.memory_space<vmem>>, %arg10: memref<624xi32, #tpu.memory_space<vmem>>, %arg11: memref<624x64xf32, #tpu.memory_space<vmem>>, %arg12: memref<16xi32, #tpu.memory_space<vmem>>, %arg13: memref<16xi32, #tpu.memory_space<vmem>>, %arg14: memref<10000x64xf32, #tpu.memory_space<vmem_shared>>, %arg15: memref<!tpu.dma_semaphore, #tpu.memory_space<semaphore_mem>>, %arg16: memref<!tpu.dma_semaphore, #tpu.memory_space<semaphore_mem>>, %arg17: memref<!tpu.dma_semaphore, #tpu.memory_space<semaphore_mem>>, %arg18: memref<!tpu.dma_semaphore, #tpu.memory_space<semaphore_mem>>) attributes {dimension_semantics = [#tpu.dimension_semantics<core_parallel>, #tpu.dimension_semantics<subcore_parallel>], iteration_bounds = array<i64: 2, 16>, scalar_prefetch = 0 : i64, scratch_operands = 13 : i64, tpu.core_type = #tpu.core_type<sc_vector_subcore>, window_params = [{transform_indices = #map}, {transform_indices = #map}, {transform_indices = #map}, {transform_indices = #map1}]} {
    %mul3A = arith.constant 16 : i32
    %mul3A_0 = arith.muli %arg0, %mul3A : i32
    %add3A = arith.addi %mul3A_0, %arg1 : i32
    %mul3A_1 = arith.constant 10000 : i32
    %mul3A_2 = arith.muli %add3A, %mul3A_1 : i32
    %lt3A = arith.constant 15 : i32
    %lt3A_3 = arith.cmpi slt, %arg1, %lt3A : i32
    %convert_element_type3A = arith.extui %lt3A_3 : i1 to i32
    %cond3A = arith.constant 0 : i32
    %cond3A_4 = arith.cmpi ne, %convert_element_type3A, %cond3A : i32
    scf.if %cond3A_4 {
      %mul3A_68 = arith.constant 632 : i32
      %mul3A_69 = arith.muli %arg1, %mul3A_68 : i32
      "tpu.region"() ({
        %run_scoped3A_70 = tpu.sem_alloc : memref<!tpu.dma_semaphore, #tpu.memory_space<semaphore_mem>>
        %dma_start3A_71 = arith.constant 0 : i32
        %dma_start3A_72 = tpu.memref_slice %arg14[%mul3A_69, %dma_start3A_71] : memref<10000x64xf32, #tpu.memory_space<vmem_shared>> -> memref<632x64xf32, #tpu.memory_space<vmem_shared>>
        %dma_start3A_73 = arith.constant 0 : i32
        %dma_start3A_74 = tpu.memref_slice %arg3[%mul3A_69, %dma_start3A_73] : memref<10000x64xf32, #tpu.memory_space<hbm>> -> memref<632x64xf32, #tpu.memory_space<hbm>>
        tpu.enqueue_dma source(%dma_start3A_74 : memref<632x64xf32, #tpu.memory_space<hbm>>) target(%dma_start3A_72 : memref<632x64xf32, #tpu.memory_space<vmem_shared>>) target_semaphore(%run_scoped3A_70 : memref<!tpu.dma_semaphore, #tpu.memory_space<semaphore_mem>>)
        %dma_wait3A_75 = arith.constant 0 : i32
        %dma_wait3A_76 = tpu.memref_slice %arg14[%mul3A_69, %dma_wait3A_75] : memref<10000x64xf32, #tpu.memory_space<vmem_shared>> -> memref<632x64xf32, #tpu.memory_space<vmem_shared>>
        %dma_wait3A_77 = arith.constant 0 : i32
        %dma_wait3A_78 = tpu.memref_slice %arg3[%mul3A_69, %dma_wait3A_77] : memref<10000x64xf32, #tpu.memory_space<hbm>> -> memref<632x64xf32, #tpu.memory_space<hbm>>
        tpu.wait_dma2 semaphore(%run_scoped3A_70 : memref<!tpu.dma_semaphore, #tpu.memory_space<semaphore_mem>>) src(%dma_wait3A_78 : memref<632x64xf32, #tpu.memory_space<hbm>>) dst(%dma_wait3A_76 : memref<632x64xf32, #tpu.memory_space<vmem_shared>>)
        tpu.yield
      }) : () -> ()
    } else {
    }
    %eq3A = arith.constant 15 : i32
    %eq3A_5 = arith.cmpi eq, %arg1, %eq3A : i32
    %convert_element_type3A_6 = arith.extui %eq3A_5 : i1 to i32
    %cond3A_7 = arith.constant 0 : i32
    %cond3A_8 = arith.cmpi ne, %convert_element_type3A_6, %cond3A_7 : i32
    scf.if %cond3A_8 {
      "tpu.region"() ({
        %run_scoped3A_68 = tpu.sem_alloc : memref<!tpu.dma_semaphore, #tpu.memory_space<semaphore_mem>>
        %dma_start3A_69 = arith.constant 9480 : i32
        %dma_start3A_70 = arith.constant 0 : i32
        %dma_start3A_71 = tpu.memref_slice %arg14[%dma_start3A_69, %dma_start3A_70] : memref<10000x64xf32, #tpu.memory_space<vmem_shared>> -> memref<520x64xf32, #tpu.memory_space<vmem_shared>>
        %dma_start3A_72 = arith.constant 9480 : i32
        %dma_start3A_73 = arith.constant 0 : i32
        %dma_start3A_74 = tpu.memref_slice %arg3[%dma_start3A_72, %dma_start3A_73] : memref<10000x64xf32, #tpu.memory_space<hbm>> -> memref<520x64xf32, #tpu.memory_space<hbm>>
        tpu.enqueue_dma source(%dma_start3A_74 : memref<520x64xf32, #tpu.memory_space<hbm>>) target(%dma_start3A_71 : memref<520x64xf32, #tpu.memory_space<vmem_shared>>) target_semaphore(%run_scoped3A_68 : memref<!tpu.dma_semaphore, #tpu.memory_space<semaphore_mem>>)
        %dma_wait3A_75 = arith.constant 9480 : i32
        %dma_wait3A_76 = arith.constant 0 : i32
        %dma_wait3A_77 = tpu.memref_slice %arg14[%dma_wait3A_75, %dma_wait3A_76] : memref<10000x64xf32, #tpu.memory_space<vmem_shared>> -> memref<520x64xf32, #tpu.memory_space<vmem_shared>>
        %dma_wait3A_78 = arith.constant 9480 : i32
        %dma_wait3A_79 = arith.constant 0 : i32
        %dma_wait3A_80 = tpu.memref_slice %arg3[%dma_wait3A_78, %dma_wait3A_79] : memref<10000x64xf32, #tpu.memory_space<hbm>> -> memref<520x64xf32, #tpu.memory_space<hbm>>
        tpu.wait_dma2 semaphore(%run_scoped3A_68 : memref<!tpu.dma_semaphore, #tpu.memory_space<semaphore_mem>>) src(%dma_wait3A_80 : memref<520x64xf32, #tpu.memory_space<hbm>>) dst(%dma_wait3A_77 : memref<520x64xf32, #tpu.memory_space<vmem_shared>>)
        tpu.yield
      }) : () -> ()
    } else {
    }
    %barrier3A = arith.constant 0 : index
    tpu.barrier barrier_id(%barrier3A)
    %run_scoped3A = arith.constant 0 : i32
    "tpu.region"() ({
      %run_scoped3A_68 = tpu.sem_alloc : memref<!tpu.dma_semaphore, #tpu.memory_space<semaphore_mem>>
      %dma_start3A_69 = tpu.memref_slice %arg2[%run_scoped3A, %mul3A_2] : memref<2x320000xi32, #tpu.memory_space<hbm>> -> memref<1x624xi32, #tpu.memory_space<hbm>>
      %dma_start3A_70 = tpu.memref_squeeze %dma_start3A_69 : memref<1x624xi32, #tpu.memory_space<hbm>> -> memref<624xi32, #tpu.memory_space<hbm>>
      %dma_start3A_71 = tpu.memref_slice %arg2[%run_scoped3A, %mul3A_2] : memref<2x320000xi32, #tpu.memory_space<hbm>> -> memref<1x624xi32, #tpu.memory_space<hbm>>
      %dma_start3A_72 = tpu.memref_squeeze %dma_start3A_71 : memref<1x624xi32, #tpu.memory_space<hbm>> -> memref<624xi32, #tpu.memory_space<hbm>>
      tpu.enqueue_dma source(%dma_start3A_72 : memref<624xi32, #tpu.memory_space<hbm>>) target(%arg6 : memref<624xi32, #tpu.memory_space<vmem>>) target_semaphore(%run_scoped3A_68 : memref<!tpu.dma_semaphore, #tpu.memory_space<semaphore_mem>>)
      %dma_wait3A_73 = tpu.memref_slice %arg2[%run_scoped3A, %mul3A_2] : memref<2x320000xi32, #tpu.memory_space<hbm>> -> memref<1x624xi32, #tpu.memory_space<hbm>>
      %dma_wait3A_74 = tpu.memref_squeeze %dma_wait3A_73 : memref<1x624xi32, #tpu.memory_space<hbm>> -> memref<624xi32, #tpu.memory_space<hbm>>
      %dma_wait3A_75 = tpu.memref_slice %arg2[%run_scoped3A, %mul3A_2] : memref<2x320000xi32, #tpu.memory_space<hbm>> -> memref<1x624xi32, #tpu.memory_space<hbm>>
      %dma_wait3A_76 = tpu.memref_squeeze %dma_wait3A_75 : memref<1x624xi32, #tpu.memory_space<hbm>> -> memref<624xi32, #tpu.memory_space<hbm>>
      tpu.wait_dma2 semaphore(%run_scoped3A_68 : memref<!tpu.dma_semaphore, #tpu.memory_space<semaphore_mem>>) src(%dma_wait3A_76 : memref<624xi32, #tpu.memory_space<hbm>>) dst(%arg6 : memref<624xi32, #tpu.memory_space<vmem>>)
      tpu.yield
    }) : () -> ()
    %run_scoped3A_9 = arith.constant 1 : i32
    "tpu.region"() ({
      %run_scoped3A_68 = tpu.sem_alloc : memref<!tpu.dma_semaphore, #tpu.memory_space<semaphore_mem>>
      %dma_start3A_69 = tpu.memref_slice %arg2[%run_scoped3A_9, %mul3A_2] : memref<2x320000xi32, #tpu.memory_space<hbm>> -> memref<1x624xi32, #tpu.memory_space<hbm>>
      %dma_start3A_70 = tpu.memref_squeeze %dma_start3A_69 : memref<1x624xi32, #tpu.memory_space<hbm>> -> memref<624xi32, #tpu.memory_space<hbm>>
      %dma_start3A_71 = tpu.memref_slice %arg2[%run_scoped3A_9, %mul3A_2] : memref<2x320000xi32, #tpu.memory_space<hbm>> -> memref<1x624xi32, #tpu.memory_space<hbm>>
      %dma_start3A_72 = tpu.memref_squeeze %dma_start3A_71 : memref<1x624xi32, #tpu.memory_space<hbm>> -> memref<624xi32, #tpu.memory_space<hbm>>
      tpu.enqueue_dma source(%dma_start3A_72 : memref<624xi32, #tpu.memory_space<hbm>>) target(%arg7 : memref<624xi32, #tpu.memory_space<vmem>>) target_semaphore(%run_scoped3A_68 : memref<!tpu.dma_semaphore, #tpu.memory_space<semaphore_mem>>)
      %dma_wait3A_73 = tpu.memref_slice %arg2[%run_scoped3A_9, %mul3A_2] : memref<2x320000xi32, #tpu.memory_space<hbm>> -> memref<1x624xi32, #tpu.memory_space<hbm>>
      %dma_wait3A_74 = tpu.memref_squeeze %dma_wait3A_73 : memref<1x624xi32, #tpu.memory_space<hbm>> -> memref<624xi32, #tpu.memory_space<hbm>>
      %dma_wait3A_75 = tpu.memref_slice %arg2[%run_scoped3A_9, %mul3A_2] : memref<2x320000xi32, #tpu.memory_space<hbm>> -> memref<1x624xi32, #tpu.memory_space<hbm>>
      %dma_wait3A_76 = tpu.memref_squeeze %dma_wait3A_75 : memref<1x624xi32, #tpu.memory_space<hbm>> -> memref<624xi32, #tpu.memory_space<hbm>>
      tpu.wait_dma2 semaphore(%run_scoped3A_68 : memref<!tpu.dma_semaphore, #tpu.memory_space<semaphore_mem>>) src(%dma_wait3A_76 : memref<624xi32, #tpu.memory_space<hbm>>) dst(%arg7 : memref<624xi32, #tpu.memory_space<vmem>>)
      tpu.yield
    }) : () -> ()
    %dma_start3A = arith.constant 0 : i32
    %dma_start3A_10 = arith.constant 0 : i32
    %dma_start3A_11 = tpu.memref_slice %arg3[%dma_start3A, %dma_start3A_10] : memref<10000x64xf32, #tpu.memory_space<hbm>> -> memref<10000x64xf32, #tpu.memory_space<hbm>>
    tpu.enqueue_indirect_dma source(%dma_start3A_11 : memref<10000x64xf32, #tpu.memory_space<hbm>>) target(%arg8 : memref<624x64xf32, #tpu.memory_space<vmem>>) offsets(%arg6 : memref<624xi32, #tpu.memory_space<vmem>>) semaphore(%arg15 : memref<!tpu.dma_semaphore, #tpu.memory_space<semaphore_mem>>)
    %add3A_12 = arith.constant 624 : i32
    %add3A_13 = arith.addi %mul3A_2, %add3A_12 : i32
    %run_scoped3A_14 = arith.constant 0 : i32
    "tpu.region"() ({
      %run_scoped3A_68 = tpu.sem_alloc : memref<!tpu.dma_semaphore, #tpu.memory_space<semaphore_mem>>
      %dma_start3A_69 = tpu.memref_slice %arg2[%run_scoped3A_14, %add3A_13] : memref<2x320000xi32, #tpu.memory_space<hbm>> -> memref<1x624xi32, #tpu.memory_space<hbm>>
      %dma_start3A_70 = tpu.memref_squeeze %dma_start3A_69 : memref<1x624xi32, #tpu.memory_space<hbm>> -> memref<624xi32, #tpu.memory_space<hbm>>
      %dma_start3A_71 = tpu.memref_slice %arg2[%run_scoped3A_14, %add3A_13] : memref<2x320000xi32, #tpu.memory_space<hbm>> -> memref<1x624xi32, #tpu.memory_space<hbm>>
      %dma_start3A_72 = tpu.memref_squeeze %dma_start3A_71 : memref<1x624xi32, #tpu.memory_space<hbm>> -> memref<624xi32, #tpu.memory_space<hbm>>
      tpu.enqueue_dma source(%dma_start3A_72 : memref<624xi32, #tpu.memory_space<hbm>>) target(%arg9 : memref<624xi32, #tpu.memory_space<vmem>>) target_semaphore(%run_scoped3A_68 : memref<!tpu.dma_semaphore, #tpu.memory_space<semaphore_mem>>)
      %dma_wait3A_73 = tpu.memref_slice %arg2[%run_scoped3A_14, %add3A_13] : memref<2x320000xi32, #tpu.memory_space<hbm>> -> memref<1x624xi32, #tpu.memory_space<hbm>>
      %dma_wait3A_74 = tpu.memref_squeeze %dma_wait3A_73 : memref<1x624xi32, #tpu.memory_space<hbm>> -> memref<624xi32, #tpu.memory_space<hbm>>
      %dma_wait3A_75 = tpu.memref_slice %arg2[%run_scoped3A_14, %add3A_13] : memref<2x320000xi32, #tpu.memory_space<hbm>> -> memref<1x624xi32, #tpu.memory_space<hbm>>
      %dma_wait3A_76 = tpu.memref_squeeze %dma_wait3A_75 : memref<1x624xi32, #tpu.memory_space<hbm>> -> memref<624xi32, #tpu.memory_space<hbm>>
      tpu.wait_dma2 semaphore(%run_scoped3A_68 : memref<!tpu.dma_semaphore, #tpu.memory_space<semaphore_mem>>) src(%dma_wait3A_76 : memref<624xi32, #tpu.memory_space<hbm>>) dst(%arg9 : memref<624xi32, #tpu.memory_space<vmem>>)
      tpu.yield
    }) : () -> ()
    %run_scoped3A_15 = arith.constant 1 : i32
    "tpu.region"() ({
      %run_scoped3A_68 = tpu.sem_alloc : memref<!tpu.dma_semaphore, #tpu.memory_space<semaphore_mem>>
      %dma_start3A_69 = tpu.memref_slice %arg2[%run_scoped3A_15, %add3A_13] : memref<2x320000xi32, #tpu.memory_space<hbm>> -> memref<1x624xi32, #tpu.memory_space<hbm>>
      %dma_start3A_70 = tpu.memref_squeeze %dma_start3A_69 : memref<1x624xi32, #tpu.memory_space<hbm>> -> memref<624xi32, #tpu.memory_space<hbm>>
      %dma_start3A_71 = tpu.memref_slice %arg2[%run_scoped3A_15, %add3A_13] : memref<2x320000xi32, #tpu.memory_space<hbm>> -> memref<1x624xi32, #tpu.memory_space<hbm>>
      %dma_start3A_72 = tpu.memref_squeeze %dma_start3A_71 : memref<1x624xi32, #tpu.memory_space<hbm>> -> memref<624xi32, #tpu.memory_space<hbm>>
      tpu.enqueue_dma source(%dma_start3A_72 : memref<624xi32, #tpu.memory_space<hbm>>) target(%arg10 : memref<624xi32, #tpu.memory_space<vmem>>) target_semaphore(%run_scoped3A_68 : memref<!tpu.dma_semaphore, #tpu.memory_space<semaphore_mem>>)
      %dma_wait3A_73 = tpu.memref_slice %arg2[%run_scoped3A_15, %add3A_13] : memref<2x320000xi32, #tpu.memory_space<hbm>> -> memref<1x624xi32, #tpu.memory_space<hbm>>
      %dma_wait3A_74 = tpu.memref_squeeze %dma_wait3A_73 : memref<1x624xi32, #tpu.memory_space<hbm>> -> memref<624xi32, #tpu.memory_space<hbm>>
      %dma_wait3A_75 = tpu.memref_slice %arg2[%run_scoped3A_15, %add3A_13] : memref<2x320000xi32, #tpu.memory_space<hbm>> -> memref<1x624xi32, #tpu.memory_space<hbm>>
      %dma_wait3A_76 = tpu.memref_squeeze %dma_wait3A_75 : memref<1x624xi32, #tpu.memory_space<hbm>> -> memref<624xi32, #tpu.memory_space<hbm>>
      tpu.wait_dma2 semaphore(%run_scoped3A_68 : memref<!tpu.dma_semaphore, #tpu.memory_space<semaphore_mem>>) src(%dma_wait3A_76 : memref<624xi32, #tpu.memory_space<hbm>>) dst(%arg10 : memref<624xi32, #tpu.memory_space<vmem>>)
      tpu.yield
    }) : () -> ()
    %dma_start3A_16 = arith.constant 0 : i32
    %dma_start3A_17 = arith.constant 0 : i32
    %dma_start3A_18 = tpu.memref_slice %arg3[%dma_start3A_16, %dma_start3A_17] : memref<10000x64xf32, #tpu.memory_space<hbm>> -> memref<10000x64xf32, #tpu.memory_space<hbm>>
    tpu.enqueue_indirect_dma source(%dma_start3A_18 : memref<10000x64xf32, #tpu.memory_space<hbm>>) target(%arg11 : memref<624x64xf32, #tpu.memory_space<vmem>>) offsets(%arg9 : memref<624xi32, #tpu.memory_space<vmem>>) semaphore(%arg17 : memref<!tpu.dma_semaphore, #tpu.memory_space<semaphore_mem>>)
    %dma_wait3A = arith.constant 0 : i32
    %dma_wait3A_19 = arith.constant 0 : i32
    %dma_wait3A_20 = tpu.memref_slice %arg3[%dma_wait3A, %dma_wait3A_19] : memref<10000x64xf32, #tpu.memory_space<hbm>> -> memref<10000x64xf32, #tpu.memory_space<hbm>>
    tpu.wait_indirect_dma semaphore(%arg15 : memref<!tpu.dma_semaphore, #tpu.memory_space<semaphore_mem>>) src(%dma_wait3A_20 : memref<10000x64xf32, #tpu.memory_space<hbm>>) dst(%arg8 : memref<624x64xf32, #tpu.memory_space<vmem>>)
    %dma_start3A_21 = arith.constant 0 : i32
    %dma_start3A_22 = arith.constant 0 : i32
    %dma_start3A_23 = tpu.memref_slice %arg14[%dma_start3A_21, %dma_start3A_22] : memref<10000x64xf32, #tpu.memory_space<vmem_shared>> -> memref<10000x64xf32, #tpu.memory_space<vmem_shared>>
    tpu.enqueue_indirect_dma source(%arg8 : memref<624x64xf32, #tpu.memory_space<vmem>>) target(%dma_start3A_23 : memref<10000x64xf32, #tpu.memory_space<vmem_shared>>) offsets(%arg7 : memref<624xi32, #tpu.memory_space<vmem>>) semaphore(%arg16 : memref<!tpu.dma_semaphore, #tpu.memory_space<semaphore_mem>>) {add = true}
    %dma_wait3A_24 = arith.constant 0 : i32
    %dma_wait3A_25 = arith.constant 0 : i32
    %dma_wait3A_26 = tpu.memref_slice %arg3[%dma_wait3A_24, %dma_wait3A_25] : memref<10000x64xf32, #tpu.memory_space<hbm>> -> memref<10000x64xf32, #tpu.memory_space<hbm>>
    tpu.wait_indirect_dma semaphore(%arg17 : memref<!tpu.dma_semaphore, #tpu.memory_space<semaphore_mem>>) src(%dma_wait3A_26 : memref<10000x64xf32, #tpu.memory_space<hbm>>) dst(%arg11 : memref<624x64xf32, #tpu.memory_space<vmem>>)
    %dma_start3A_27 = arith.constant 0 : i32
    %dma_start3A_28 = arith.constant 0 : i32
    %dma_start3A_29 = tpu.memref_slice %arg14[%dma_start3A_27, %dma_start3A_28] : memref<10000x64xf32, #tpu.memory_space<vmem_shared>> -> memref<10000x64xf32, #tpu.memory_space<vmem_shared>>
    tpu.enqueue_indirect_dma source(%arg11 : memref<624x64xf32, #tpu.memory_space<vmem>>) target(%dma_start3A_29 : memref<10000x64xf32, #tpu.memory_space<vmem_shared>>) offsets(%arg10 : memref<624xi32, #tpu.memory_space<vmem>>) semaphore(%arg18 : memref<!tpu.dma_semaphore, #tpu.memory_space<semaphore_mem>>) {add = true}
    %scan3A = arith.constant 0 : i32
    %scan3A_30 = arith.constant 1 : i32
    %scan3A_31 = arith.constant 7 : i32
    %scan3A_32 = arith.addi %scan3A_30, %scan3A_31 : i32
    %scan3A_33 = arith.constant 1 : i32
    scf.for %scan3A_68 = %scan3A_30 to %scan3A_32 step %scan3A_33  : i32 {
      %mul3A_69 = arith.constant 2 : i32
      %mul3A_70 = arith.muli %scan3A_68, %mul3A_69 : i32
      %mul3A_71 = arith.constant 624 : i32
      %mul3A_72 = arith.muli %mul3A_70, %mul3A_71 : i32
      %add3A_73 = arith.addi %mul3A_2, %mul3A_72 : i32
      %dma_wait3A_74 = arith.constant 0 : i32
      %dma_wait3A_75 = arith.constant 0 : i32
      %dma_wait3A_76 = tpu.memref_slice %arg14[%dma_wait3A_74, %dma_wait3A_75] : memref<10000x64xf32, #tpu.memory_space<vmem_shared>> -> memref<10000x64xf32, #tpu.memory_space<vmem_shared>>
      tpu.wait_indirect_dma semaphore(%arg16 : memref<!tpu.dma_semaphore, #tpu.memory_space<semaphore_mem>>) src(%arg8 : memref<624x64xf32, #tpu.memory_space<vmem>>) dst(%dma_wait3A_76 : memref<10000x64xf32, #tpu.memory_space<vmem_shared>>)
      %run_scoped3A_77 = arith.constant 0 : i32
      "tpu.region"() ({
        %run_scoped3A_104 = tpu.sem_alloc : memref<!tpu.dma_semaphore, #tpu.memory_space<semaphore_mem>>
        %dma_start3A_105 = tpu.memref_slice %arg2[%run_scoped3A_77, %add3A_73] : memref<2x320000xi32, #tpu.memory_space<hbm>> -> memref<1x624xi32, #tpu.memory_space<hbm>>
        %dma_start3A_106 = tpu.memref_squeeze %dma_start3A_105 : memref<1x624xi32, #tpu.memory_space<hbm>> -> memref<624xi32, #tpu.memory_space<hbm>>
        %dma_start3A_107 = tpu.memref_slice %arg2[%run_scoped3A_77, %add3A_73] : memref<2x320000xi32, #tpu.memory_space<hbm>> -> memref<1x624xi32, #tpu.memory_space<hbm>>
        %dma_start3A_108 = tpu.memref_squeeze %dma_start3A_107 : memref<1x624xi32, #tpu.memory_space<hbm>> -> memref<624xi32, #tpu.memory_space<hbm>>
        tpu.enqueue_dma source(%dma_start3A_108 : memref<624xi32, #tpu.memory_space<hbm>>) target(%arg6 : memref<624xi32, #tpu.memory_space<vmem>>) target_semaphore(%run_scoped3A_104 : memref<!tpu.dma_semaphore, #tpu.memory_space<semaphore_mem>>)
        %dma_wait3A_109 = tpu.memref_slice %arg2[%run_scoped3A_77, %add3A_73] : memref<2x320000xi32, #tpu.memory_space<hbm>> -> memref<1x624xi32, #tpu.memory_space<hbm>>
        %dma_wait3A_110 = tpu.memref_squeeze %dma_wait3A_109 : memref<1x624xi32, #tpu.memory_space<hbm>> -> memref<624xi32, #tpu.memory_space<hbm>>
        %dma_wait3A_111 = tpu.memref_slice %arg2[%run_scoped3A_77, %add3A_73] : memref<2x320000xi32, #tpu.memory_space<hbm>> -> memref<1x624xi32, #tpu.memory_space<hbm>>
        %dma_wait3A_112 = tpu.memref_squeeze %dma_wait3A_111 : memref<1x624xi32, #tpu.memory_space<hbm>> -> memref<624xi32, #tpu.memory_space<hbm>>
        tpu.wait_dma2 semaphore(%run_scoped3A_104 : memref<!tpu.dma_semaphore, #tpu.memory_space<semaphore_mem>>) src(%dma_wait3A_112 : memref<624xi32, #tpu.memory_space<hbm>>) dst(%arg6 : memref<624xi32, #tpu.memory_space<vmem>>)
        tpu.yield
      }) : () -> ()
      %run_scoped3A_78 = arith.constant 1 : i32
      "tpu.region"() ({
        %run_scoped3A_104 = tpu.sem_alloc : memref<!tpu.dma_semaphore, #tpu.memory_space<semaphore_mem>>
        %dma_start3A_105 = tpu.memref_slice %arg2[%run_scoped3A_78, %add3A_73] : memref<2x320000xi32, #tpu.memory_space<hbm>> -> memref<1x624xi32, #tpu.memory_space<hbm>>
        %dma_start3A_106 = tpu.memref_squeeze %dma_start3A_105 : memref<1x624xi32, #tpu.memory_space<hbm>> -> memref<624xi32, #tpu.memory_space<hbm>>
        %dma_start3A_107 = tpu.memref_slice %arg2[%run_scoped3A_78, %add3A_73] : memref<2x320000xi32, #tpu.memory_space<hbm>> -> memref<1x624xi32, #tpu.memory_space<hbm>>
        %dma_start3A_108 = tpu.memref_squeeze %dma_start3A_107 : memref<1x624xi32, #tpu.memory_space<hbm>> -> memref<624xi32, #tpu.memory_space<hbm>>
        tpu.enqueue_dma source(%dma_start3A_108 : memref<624xi32, #tpu.memory_space<hbm>>) target(%arg7 : memref<624xi32, #tpu.memory_space<vmem>>) target_semaphore(%run_scoped3A_104 : memref<!tpu.dma_semaphore, #tpu.memory_space<semaphore_mem>>)
        %dma_wait3A_109 = tpu.memref_slice %arg2[%run_scoped3A_78, %add3A_73] : memref<2x320000xi32, #tpu.memory_space<hbm>> -> memref<1x624xi32, #tpu.memory_space<hbm>>
        %dma_wait3A_110 = tpu.memref_squeeze %dma_wait3A_109 : memref<1x624xi32, #tpu.memory_space<hbm>> -> memref<624xi32, #tpu.memory_space<hbm>>
        %dma_wait3A_111 = tpu.memref_slice %arg2[%run_scoped3A_78, %add3A_73] : memref<2x320000xi32, #tpu.memory_space<hbm>> -> memref<1x624xi32, #tpu.memory_space<hbm>>
        %dma_wait3A_112 = tpu.memref_squeeze %dma_wait3A_111 : memref<1x624xi32, #tpu.memory_space<hbm>> -> memref<624xi32, #tpu.memory_space<hbm>>
        tpu.wait_dma2 semaphore(%run_scoped3A_104 : memref<!tpu.dma_semaphore, #tpu.memory_space<semaphore_mem>>) src(%dma_wait3A_112 : memref<624xi32, #tpu.memory_space<hbm>>) dst(%arg7 : memref<624xi32, #tpu.memory_space<vmem>>)
        tpu.yield
      }) : () -> ()
      %dma_start3A_79 = arith.constant 0 : i32
      %dma_start3A_80 = arith.constant 0 : i32
      %dma_start3A_81 = tpu.memref_slice %arg3[%dma_start3A_79, %dma_start3A_80] : memref<10000x64xf32, #tpu.memory_space<hbm>> -> memref<10000x64xf32, #tpu.memory_space<hbm>>
      tpu.enqueue_indirect_dma source(%dma_start3A_81 : memref<10000x64xf32, #tpu.memory_space<hbm>>) target(%arg8 : memref<624x64xf32, #tpu.memory_space<vmem>>) offsets(%arg6 : memref<624xi32, #tpu.memory_space<vmem>>) semaphore(%arg15 : memref<!tpu.dma_semaphore, #tpu.memory_space<semaphore_mem>>)
      %dma_wait3A_82 = arith.constant 0 : i32
      %dma_wait3A_83 = arith.constant 0 : i32
      %dma_wait3A_84 = tpu.memref_slice %arg14[%dma_wait3A_82, %dma_wait3A_83] : memref<10000x64xf32, #tpu.memory_space<vmem_shared>> -> memref<10000x64xf32, #tpu.memory_space<vmem_shared>>
      tpu.wait_indirect_dma semaphore(%arg18 : memref<!tpu.dma_semaphore, #tpu.memory_space<semaphore_mem>>) src(%arg11 : memref<624x64xf32, #tpu.memory_space<vmem>>) dst(%dma_wait3A_84 : memref<10000x64xf32, #tpu.memory_space<vmem_shared>>)
      %add3A_85 = arith.constant 624 : i32
      %add3A_86 = arith.addi %add3A_73, %add3A_85 : i32
      %run_scoped3A_87 = arith.constant 0 : i32
      "tpu.region"() ({
        %run_scoped3A_104 = tpu.sem_alloc : memref<!tpu.dma_semaphore, #tpu.memory_space<semaphore_mem>>
        %dma_start3A_105 = tpu.memref_slice %arg2[%run_scoped3A_87, %add3A_86] : memref<2x320000xi32, #tpu.memory_space<hbm>> -> memref<1x624xi32, #tpu.memory_space<hbm>>
        %dma_start3A_106 = tpu.memref_squeeze %dma_start3A_105 : memref<1x624xi32, #tpu.memory_space<hbm>> -> memref<624xi32, #tpu.memory_space<hbm>>
        %dma_start3A_107 = tpu.memref_slice %arg2[%run_scoped3A_87, %add3A_86] : memref<2x320000xi32, #tpu.memory_space<hbm>> -> memref<1x624xi32, #tpu.memory_space<hbm>>
        %dma_start3A_108 = tpu.memref_squeeze %dma_start3A_107 : memref<1x624xi32, #tpu.memory_space<hbm>> -> memref<624xi32, #tpu.memory_space<hbm>>
        tpu.enqueue_dma source(%dma_start3A_108 : memref<624xi32, #tpu.memory_space<hbm>>) target(%arg9 : memref<624xi32, #tpu.memory_space<vmem>>) target_semaphore(%run_scoped3A_104 : memref<!tpu.dma_semaphore, #tpu.memory_space<semaphore_mem>>)
        %dma_wait3A_109 = tpu.memref_slice %arg2[%run_scoped3A_87, %add3A_86] : memref<2x320000xi32, #tpu.memory_space<hbm>> -> memref<1x624xi32, #tpu.memory_space<hbm>>
        %dma_wait3A_110 = tpu.memref_squeeze %dma_wait3A_109 : memref<1x624xi32, #tpu.memory_space<hbm>> -> memref<624xi32, #tpu.memory_space<hbm>>
        %dma_wait3A_111 = tpu.memref_slice %arg2[%run_scoped3A_87, %add3A_86] : memref<2x320000xi32, #tpu.memory_space<hbm>> -> memref<1x624xi32, #tpu.memory_space<hbm>>
        %dma_wait3A_112 = tpu.memref_squeeze %dma_wait3A_111 : memref<1x624xi32, #tpu.memory_space<hbm>> -> memref<624xi32, #tpu.memory_space<hbm>>
        tpu.wait_dma2 semaphore(%run_scoped3A_104 : memref<!tpu.dma_semaphore, #tpu.memory_space<semaphore_mem>>) src(%dma_wait3A_112 : memref<624xi32, #tpu.memory_space<hbm>>) dst(%arg9 : memref<624xi32, #tpu.memory_space<vmem>>)
        tpu.yield
      }) : () -> ()
      %run_scoped3A_88 = arith.constant 1 : i32
      "tpu.region"() ({
        %run_scoped3A_104 = tpu.sem_alloc : memref<!tpu.dma_semaphore, #tpu.memory_space<semaphore_mem>>
        %dma_start3A_105 = tpu.memref_slice %arg2[%run_scoped3A_88, %add3A_86] : memref<2x320000xi32, #tpu.memory_space<hbm>> -> memref<1x624xi32, #tpu.memory_space<hbm>>
        %dma_start3A_106 = tpu.memref_squeeze %dma_start3A_105 : memref<1x624xi32, #tpu.memory_space<hbm>> -> memref<624xi32, #tpu.memory_space<hbm>>
        %dma_start3A_107 = tpu.memref_slice %arg2[%run_scoped3A_88, %add3A_86] : memref<2x320000xi32, #tpu.memory_space<hbm>> -> memref<1x624xi32, #tpu.memory_space<hbm>>
        %dma_start3A_108 = tpu.memref_squeeze %dma_start3A_107 : memref<1x624xi32, #tpu.memory_space<hbm>> -> memref<624xi32, #tpu.memory_space<hbm>>
        tpu.enqueue_dma source(%dma_start3A_108 : memref<624xi32, #tpu.memory_space<hbm>>) target(%arg10 : memref<624xi32, #tpu.memory_space<vmem>>) target_semaphore(%run_scoped3A_104 : memref<!tpu.dma_semaphore, #tpu.memory_space<semaphore_mem>>)
        %dma_wait3A_109 = tpu.memref_slice %arg2[%run_scoped3A_88, %add3A_86] : memref<2x320000xi32, #tpu.memory_space<hbm>> -> memref<1x624xi32, #tpu.memory_space<hbm>>
        %dma_wait3A_110 = tpu.memref_squeeze %dma_wait3A_109 : memref<1x624xi32, #tpu.memory_space<hbm>> -> memref<624xi32, #tpu.memory_space<hbm>>
        %dma_wait3A_111 = tpu.memref_slice %arg2[%run_scoped3A_88, %add3A_86] : memref<2x320000xi32, #tpu.memory_space<hbm>> -> memref<1x624xi32, #tpu.memory_space<hbm>>
        %dma_wait3A_112 = tpu.memref_squeeze %dma_wait3A_111 : memref<1x624xi32, #tpu.memory_space<hbm>> -> memref<624xi32, #tpu.memory_space<hbm>>
        tpu.wait_dma2 semaphore(%run_scoped3A_104 : memref<!tpu.dma_semaphore, #tpu.memory_space<semaphore_mem>>) src(%dma_wait3A_112 : memref<624xi32, #tpu.memory_space<hbm>>) dst(%arg10 : memref<624xi32, #tpu.memory_space<vmem>>)
        tpu.yield
      }) : () -> ()
      %dma_start3A_89 = arith.constant 0 : i32
      %dma_start3A_90 = arith.constant 0 : i32
      %dma_start3A_91 = tpu.memref_slice %arg3[%dma_start3A_89, %dma_start3A_90] : memref<10000x64xf32, #tpu.memory_space<hbm>> -> memref<10000x64xf32, #tpu.memory_space<hbm>>
      tpu.enqueue_indirect_dma source(%dma_start3A_91 : memref<10000x64xf32, #tpu.memory_space<hbm>>) target(%arg11 : memref<624x64xf32, #tpu.memory_space<vmem>>) offsets(%arg9 : memref<624xi32, #tpu.memory_space<vmem>>) semaphore(%arg17 : memref<!tpu.dma_semaphore, #tpu.memory_space<semaphore_mem>>)
      %dma_wait3A_92 = arith.constant 0 : i32
      %dma_wait3A_93 = arith.constant 0 : i32
      %dma_wait3A_94 = tpu.memref_slice %arg3[%dma_wait3A_92, %dma_wait3A_93] : memref<10000x64xf32, #tpu.memory_space<hbm>> -> memref<10000x64xf32, #tpu.memory_space<hbm>>
      tpu.wait_indirect_dma semaphore(%arg15 : memref<!tpu.dma_semaphore, #tpu.memory_space<semaphore_mem>>) src(%dma_wait3A_94 : memref<10000x64xf32, #tpu.memory_space<hbm>>) dst(%arg8 : memref<624x64xf32, #tpu.memory_space<vmem>>)
      %dma_start3A_95 = arith.constant 0 : i32
      %dma_start3A_96 = arith.constant 0 : i32
      %dma_start3A_97 = tpu.memref_slice %arg14[%dma_start3A_95, %dma_start3A_96] : memref<10000x64xf32, #tpu.memory_space<vmem_shared>> -> memref<10000x64xf32, #tpu.memory_space<vmem_shared>>
      tpu.enqueue_indirect_dma source(%arg8 : memref<624x64xf32, #tpu.memory_space<vmem>>) target(%dma_start3A_97 : memref<10000x64xf32, #tpu.memory_space<vmem_shared>>) offsets(%arg7 : memref<624xi32, #tpu.memory_space<vmem>>) semaphore(%arg16 : memref<!tpu.dma_semaphore, #tpu.memory_space<semaphore_mem>>) {add = true}
      %dma_wait3A_98 = arith.constant 0 : i32
      %dma_wait3A_99 = arith.constant 0 : i32
      %dma_wait3A_100 = tpu.memref_slice %arg3[%dma_wait3A_98, %dma_wait3A_99] : memref<10000x64xf32, #tpu.memory_space<hbm>> -> memref<10000x64xf32, #tpu.memory_space<hbm>>
      tpu.wait_indirect_dma semaphore(%arg17 : memref<!tpu.dma_semaphore, #tpu.memory_space<semaphore_mem>>) src(%dma_wait3A_100 : memref<10000x64xf32, #tpu.memory_space<hbm>>) dst(%arg11 : memref<624x64xf32, #tpu.memory_space<vmem>>)
      %dma_start3A_101 = arith.constant 0 : i32
      %dma_start3A_102 = arith.constant 0 : i32
      %dma_start3A_103 = tpu.memref_slice %arg14[%dma_start3A_101, %dma_start3A_102] : memref<10000x64xf32, #tpu.memory_space<vmem_shared>> -> memref<10000x64xf32, #tpu.memory_space<vmem_shared>>
      tpu.enqueue_indirect_dma source(%arg11 : memref<624x64xf32, #tpu.memory_space<vmem>>) target(%dma_start3A_103 : memref<10000x64xf32, #tpu.memory_space<vmem_shared>>) offsets(%arg10 : memref<624xi32, #tpu.memory_space<vmem>>) semaphore(%arg18 : memref<!tpu.dma_semaphore, #tpu.memory_space<semaphore_mem>>) {add = true}
    }
    %scan3A_34 = arith.constant 7 : i32
    %dma_wait3A_35 = arith.constant 0 : i32
    %dma_wait3A_36 = arith.constant 0 : i32
    %dma_wait3A_37 = tpu.memref_slice %arg14[%dma_wait3A_35, %dma_wait3A_36] : memref<10000x64xf32, #tpu.memory_space<vmem_shared>> -> memref<10000x64xf32, #tpu.memory_space<vmem_shared>>
    tpu.wait_indirect_dma semaphore(%arg16 : memref<!tpu.dma_semaphore, #tpu.memory_space<semaphore_mem>>) src(%arg8 : memref<624x64xf32, #tpu.memory_space<vmem>>) dst(%dma_wait3A_37 : memref<10000x64xf32, #tpu.memory_space<vmem_shared>>)
    %dma_wait3A_38 = arith.constant 0 : i32
    %dma_wait3A_39 = arith.constant 0 : i32
    %dma_wait3A_40 = tpu.memref_slice %arg14[%dma_wait3A_38, %dma_wait3A_39] : memref<10000x64xf32, #tpu.memory_space<vmem_shared>> -> memref<10000x64xf32, #tpu.memory_space<vmem_shared>>
    tpu.wait_indirect_dma semaphore(%arg18 : memref<!tpu.dma_semaphore, #tpu.memory_space<semaphore_mem>>) src(%arg11 : memref<624x64xf32, #tpu.memory_space<vmem>>) dst(%dma_wait3A_40 : memref<10000x64xf32, #tpu.memory_space<vmem_shared>>)
    %add3A_41 = arith.constant 9984 : i32
    %add3A_42 = arith.addi %mul3A_2, %add3A_41 : i32
    %run_scoped3A_43 = arith.constant 0 : i32
    "tpu.region"() ({
      %run_scoped3A_68 = tpu.sem_alloc : memref<!tpu.dma_semaphore, #tpu.memory_space<semaphore_mem>>
      %dma_start3A_69 = tpu.memref_slice %arg2[%run_scoped3A_43, %add3A_42] : memref<2x320000xi32, #tpu.memory_space<hbm>> -> memref<1x16xi32, #tpu.memory_space<hbm>>
      %dma_start3A_70 = tpu.memref_squeeze %dma_start3A_69 : memref<1x16xi32, #tpu.memory_space<hbm>> -> memref<16xi32, #tpu.memory_space<hbm>>
      %dma_start3A_71 = tpu.memref_slice %arg2[%run_scoped3A_43, %add3A_42] : memref<2x320000xi32, #tpu.memory_space<hbm>> -> memref<1x16xi32, #tpu.memory_space<hbm>>
      %dma_start3A_72 = tpu.memref_squeeze %dma_start3A_71 : memref<1x16xi32, #tpu.memory_space<hbm>> -> memref<16xi32, #tpu.memory_space<hbm>>
      tpu.enqueue_dma source(%dma_start3A_72 : memref<16xi32, #tpu.memory_space<hbm>>) target(%arg12 : memref<16xi32, #tpu.memory_space<vmem>>) target_semaphore(%run_scoped3A_68 : memref<!tpu.dma_semaphore, #tpu.memory_space<semaphore_mem>>)
      %dma_wait3A_73 = tpu.memref_slice %arg2[%run_scoped3A_43, %add3A_42] : memref<2x320000xi32, #tpu.memory_space<hbm>> -> memref<1x16xi32, #tpu.memory_space<hbm>>
      %dma_wait3A_74 = tpu.memref_squeeze %dma_wait3A_73 : memref<1x16xi32, #tpu.memory_space<hbm>> -> memref<16xi32, #tpu.memory_space<hbm>>
      %dma_wait3A_75 = tpu.memref_slice %arg2[%run_scoped3A_43, %add3A_42] : memref<2x320000xi32, #tpu.memory_space<hbm>> -> memref<1x16xi32, #tpu.memory_space<hbm>>
      %dma_wait3A_76 = tpu.memref_squeeze %dma_wait3A_75 : memref<1x16xi32, #tpu.memory_space<hbm>> -> memref<16xi32, #tpu.memory_space<hbm>>
      tpu.wait_dma2 semaphore(%run_scoped3A_68 : memref<!tpu.dma_semaphore, #tpu.memory_space<semaphore_mem>>) src(%dma_wait3A_76 : memref<16xi32, #tpu.memory_space<hbm>>) dst(%arg12 : memref<16xi32, #tpu.memory_space<vmem>>)
      tpu.yield
    }) : () -> ()
    %run_scoped3A_44 = arith.constant 1 : i32
    "tpu.region"() ({
      %run_scoped3A_68 = tpu.sem_alloc : memref<!tpu.dma_semaphore, #tpu.memory_space<semaphore_mem>>
      %dma_start3A_69 = tpu.memref_slice %arg2[%run_scoped3A_44, %add3A_42] : memref<2x320000xi32, #tpu.memory_space<hbm>> -> memref<1x16xi32, #tpu.memory_space<hbm>>
      %dma_start3A_70 = tpu.memref_squeeze %dma_start3A_69 : memref<1x16xi32, #tpu.memory_space<hbm>> -> memref<16xi32, #tpu.memory_space<hbm>>
      %dma_start3A_71 = tpu.memref_slice %arg2[%run_scoped3A_44, %add3A_42] : memref<2x320000xi32, #tpu.memory_space<hbm>> -> memref<1x16xi32, #tpu.memory_space<hbm>>
      %dma_start3A_72 = tpu.memref_squeeze %dma_start3A_71 : memref<1x16xi32, #tpu.memory_space<hbm>> -> memref<16xi32, #tpu.memory_space<hbm>>
      tpu.enqueue_dma source(%dma_start3A_72 : memref<16xi32, #tpu.memory_space<hbm>>) target(%arg13 : memref<16xi32, #tpu.memory_space<vmem>>) target_semaphore(%run_scoped3A_68 : memref<!tpu.dma_semaphore, #tpu.memory_space<semaphore_mem>>)
      %dma_wait3A_73 = tpu.memref_slice %arg2[%run_scoped3A_44, %add3A_42] : memref<2x320000xi32, #tpu.memory_space<hbm>> -> memref<1x16xi32, #tpu.memory_space<hbm>>
      %dma_wait3A_74 = tpu.memref_squeeze %dma_wait3A_73 : memref<1x16xi32, #tpu.memory_space<hbm>> -> memref<16xi32, #tpu.memory_space<hbm>>
      %dma_wait3A_75 = tpu.memref_slice %arg2[%run_scoped3A_44, %add3A_42] : memref<2x320000xi32, #tpu.memory_space<hbm>> -> memref<1x16xi32, #tpu.memory_space<hbm>>
      %dma_wait3A_76 = tpu.memref_squeeze %dma_wait3A_75 : memref<1x16xi32, #tpu.memory_space<hbm>> -> memref<16xi32, #tpu.memory_space<hbm>>
      tpu.wait_dma2 semaphore(%run_scoped3A_68 : memref<!tpu.dma_semaphore, #tpu.memory_space<semaphore_mem>>) src(%dma_wait3A_76 : memref<16xi32, #tpu.memory_space<hbm>>) dst(%arg13 : memref<16xi32, #tpu.memory_space<vmem>>)
      tpu.yield
    }) : () -> ()
    %dma_start3A_45 = arith.constant 0 : i32
    %dma_start3A_46 = arith.constant 0 : i32
    %dma_start3A_47 = tpu.memref_slice %arg8[%dma_start3A_45, %dma_start3A_46] : memref<624x64xf32, #tpu.memory_space<vmem>> -> memref<16x64xf32, #tpu.memory_space<vmem>>
    %dma_start3A_48 = arith.constant 0 : i32
    %dma_start3A_49 = arith.constant 0 : i32
    %dma_start3A_50 = tpu.memref_slice %arg3[%dma_start3A_48, %dma_start3A_49] : memref<10000x64xf32, #tpu.memory_space<hbm>> -> memref<10000x64xf32, #tpu.memory_space<hbm>>
    tpu.enqueue_indirect_dma source(%dma_start3A_50 : memref<10000x64xf32, #tpu.memory_space<hbm>>) target(%dma_start3A_47 : memref<16x64xf32, #tpu.memory_space<vmem>>) offsets(%arg12 : memref<16xi32, #tpu.memory_space<vmem>>) semaphore(%arg15 : memref<!tpu.dma_semaphore, #tpu.memory_space<semaphore_mem>>)
    %dma_wait3A_51 = arith.constant 0 : i32
    %dma_wait3A_52 = arith.constant 0 : i32
    %dma_wait3A_53 = tpu.memref_slice %arg8[%dma_wait3A_51, %dma_wait3A_52] : memref<624x64xf32, #tpu.memory_space<vmem>> -> memref<16x64xf32, #tpu.memory_space<vmem>>
    %dma_wait3A_54 = arith.constant 0 : i32
    %dma_wait3A_55 = arith.constant 0 : i32
    %dma_wait3A_56 = tpu.memref_slice %arg3[%dma_wait3A_54, %dma_wait3A_55] : memref<10000x64xf32, #tpu.memory_space<hbm>> -> memref<10000x64xf32, #tpu.memory_space<hbm>>
    tpu.wait_indirect_dma semaphore(%arg15 : memref<!tpu.dma_semaphore, #tpu.memory_space<semaphore_mem>>) src(%dma_wait3A_56 : memref<10000x64xf32, #tpu.memory_space<hbm>>) dst(%dma_wait3A_53 : memref<16x64xf32, #tpu.memory_space<vmem>>)
    "tpu.region"() ({
      %run_scoped3A_68 = tpu.sem_alloc : memref<!tpu.dma_semaphore, #tpu.memory_space<semaphore_mem>>
      %dma_start3A_69 = arith.constant 0 : i32
      %dma_start3A_70 = arith.constant 0 : i32
      %dma_start3A_71 = tpu.memref_slice %arg8[%dma_start3A_69, %dma_start3A_70] : memref<624x64xf32, #tpu.memory_space<vmem>> -> memref<16x64xf32, #tpu.memory_space<vmem>>
      %dma_start3A_72 = arith.constant 0 : i32
      %dma_start3A_73 = arith.constant 0 : i32
      %dma_start3A_74 = tpu.memref_slice %arg14[%dma_start3A_72, %dma_start3A_73] : memref<10000x64xf32, #tpu.memory_space<vmem_shared>> -> memref<10000x64xf32, #tpu.memory_space<vmem_shared>>
      tpu.enqueue_indirect_dma source(%dma_start3A_71 : memref<16x64xf32, #tpu.memory_space<vmem>>) target(%dma_start3A_74 : memref<10000x64xf32, #tpu.memory_space<vmem_shared>>) offsets(%arg13 : memref<16xi32, #tpu.memory_space<vmem>>) semaphore(%run_scoped3A_68 : memref<!tpu.dma_semaphore, #tpu.memory_space<semaphore_mem>>) {add = true}
      %dma_wait3A_75 = arith.constant 0 : i32
      %dma_wait3A_76 = arith.constant 0 : i32
      %dma_wait3A_77 = tpu.memref_slice %arg8[%dma_wait3A_75, %dma_wait3A_76] : memref<624x64xf32, #tpu.memory_space<vmem>> -> memref<16x64xf32, #tpu.memory_space<vmem>>
      %dma_wait3A_78 = arith.constant 0 : i32
      %dma_wait3A_79 = arith.constant 0 : i32
      %dma_wait3A_80 = tpu.memref_slice %arg14[%dma_wait3A_78, %dma_wait3A_79] : memref<10000x64xf32, #tpu.memory_space<vmem_shared>> -> memref<10000x64xf32, #tpu.memory_space<vmem_shared>>
      tpu.wait_indirect_dma semaphore(%run_scoped3A_68 : memref<!tpu.dma_semaphore, #tpu.memory_space<semaphore_mem>>) src(%dma_wait3A_77 : memref<16x64xf32, #tpu.memory_space<vmem>>) dst(%dma_wait3A_80 : memref<10000x64xf32, #tpu.memory_space<vmem_shared>>)
      tpu.yield
    }) : () -> ()
    %barrier3A_57 = arith.constant 0 : index
    tpu.barrier barrier_id(%barrier3A_57)
    %lt3A_58 = arith.constant 15 : i32
    %lt3A_59 = arith.cmpi slt, %arg1, %lt3A_58 : i32
    %convert_element_type3A_60 = arith.extui %lt3A_59 : i1 to i32
    %cond3A_61 = arith.constant 0 : i32
    %cond3A_62 = arith.cmpi ne, %convert_element_type3A_60, %cond3A_61 : i32
    scf.if %cond3A_62 {
      %mul3A_68 = arith.constant 632 : i32
      %mul3A_69 = arith.muli %arg1, %mul3A_68 : i32
      "tpu.region"() ({
        %run_scoped3A_70 = tpu.sem_alloc : memref<!tpu.dma_semaphore, #tpu.memory_space<semaphore_mem>>
        %dma_start3A_71 = arith.constant 0 : i32
        %dma_start3A_72 = tpu.memref_slice %arg5[%arg0, %mul3A_69, %dma_start3A_71] : memref<2x10000x64xf32, #tpu.memory_space<hbm>> -> memref<1x632x64xf32, #tpu.memory_space<hbm>>
        %dma_start3A_73 = tpu.memref_squeeze %dma_start3A_72 : memref<1x632x64xf32, #tpu.memory_space<hbm>> -> memref<632x64xf32, #tpu.memory_space<hbm>>
        %dma_start3A_74 = arith.constant 0 : i32
        %dma_start3A_75 = tpu.memref_slice %arg14[%mul3A_69, %dma_start3A_74] : memref<10000x64xf32, #tpu.memory_space<vmem_shared>> -> memref<632x64xf32, #tpu.memory_space<vmem_shared>>
        tpu.enqueue_dma source(%dma_start3A_75 : memref<632x64xf32, #tpu.memory_space<vmem_shared>>) target(%dma_start3A_73 : memref<632x64xf32, #tpu.memory_space<hbm>>) target_semaphore(%run_scoped3A_70 : memref<!tpu.dma_semaphore, #tpu.memory_space<semaphore_mem>>)
        %dma_wait3A_76 = arith.constant 0 : i32
        %dma_wait3A_77 = tpu.memref_slice %arg5[%arg0, %mul3A_69, %dma_wait3A_76] : memref<2x10000x64xf32, #tpu.memory_space<hbm>> -> memref<1x632x64xf32, #tpu.memory_space<hbm>>
        %dma_wait3A_78 = tpu.memref_squeeze %dma_wait3A_77 : memref<1x632x64xf32, #tpu.memory_space<hbm>> -> memref<632x64xf32, #tpu.memory_space<hbm>>
        %dma_wait3A_79 = arith.constant 0 : i32
        %dma_wait3A_80 = tpu.memref_slice %arg14[%mul3A_69, %dma_wait3A_79] : memref<10000x64xf32, #tpu.memory_space<vmem_shared>> -> memref<632x64xf32, #tpu.memory_space<vmem_shared>>
        tpu.wait_dma2 semaphore(%run_scoped3A_70 : memref<!tpu.dma_semaphore, #tpu.memory_space<semaphore_mem>>) src(%dma_wait3A_80 : memref<632x64xf32, #tpu.memory_space<vmem_shared>>) dst(%dma_wait3A_78 : memref<632x64xf32, #tpu.memory_space<hbm>>)
        tpu.yield
      }) : () -> ()
    } else {
    }
    %eq3A_63 = arith.constant 15 : i32
    %eq3A_64 = arith.cmpi eq, %arg1, %eq3A_63 : i32
    %convert_element_type3A_65 = arith.extui %eq3A_64 : i1 to i32
    %cond3A_66 = arith.constant 0 : i32
    %cond3A_67 = arith.cmpi ne, %convert_element_type3A_65, %cond3A_66 : i32
    scf.if %cond3A_67 {
      "tpu.region"() ({
        %run_scoped3A_68 = tpu.sem_alloc : memref<!tpu.dma_semaphore, #tpu.memory_space<semaphore_mem>>
        %dma_start3A_69 = arith.constant 9480 : i32
        %dma_start3A_70 = arith.constant 0 : i32
        %dma_start3A_71 = tpu.memref_slice %arg5[%arg0, %dma_start3A_69, %dma_start3A_70] : memref<2x10000x64xf32, #tpu.memory_space<hbm>> -> memref<1x520x64xf32, #tpu.memory_space<hbm>>
        %dma_start3A_72 = tpu.memref_squeeze %dma_start3A_71 : memref<1x520x64xf32, #tpu.memory_space<hbm>> -> memref<520x64xf32, #tpu.memory_space<hbm>>
        %dma_start3A_73 = arith.constant 9480 : i32
        %dma_start3A_74 = arith.constant 0 : i32
        %dma_start3A_75 = tpu.memref_slice %arg14[%dma_start3A_73, %dma_start3A_74] : memref<10000x64xf32, #tpu.memory_space<vmem_shared>> -> memref<520x64xf32, #tpu.memory_space<vmem_shared>>
        tpu.enqueue_dma source(%dma_start3A_75 : memref<520x64xf32, #tpu.memory_space<vmem_shared>>) target(%dma_start3A_72 : memref<520x64xf32, #tpu.memory_space<hbm>>) target_semaphore(%run_scoped3A_68 : memref<!tpu.dma_semaphore, #tpu.memory_space<semaphore_mem>>)
        %dma_wait3A_76 = arith.constant 9480 : i32
        %dma_wait3A_77 = arith.constant 0 : i32
        %dma_wait3A_78 = tpu.memref_slice %arg5[%arg0, %dma_wait3A_76, %dma_wait3A_77] : memref<2x10000x64xf32, #tpu.memory_space<hbm>> -> memref<1x520x64xf32, #tpu.memory_space<hbm>>
        %dma_wait3A_79 = tpu.memref_squeeze %dma_wait3A_78 : memref<1x520x64xf32, #tpu.memory_space<hbm>> -> memref<520x64xf32, #tpu.memory_space<hbm>>
        %dma_wait3A_80 = arith.constant 9480 : i32
        %dma_wait3A_81 = arith.constant 0 : i32
        %dma_wait3A_82 = tpu.memref_slice %arg14[%dma_wait3A_80, %dma_wait3A_81] : memref<10000x64xf32, #tpu.memory_space<vmem_shared>> -> memref<520x64xf32, #tpu.memory_space<vmem_shared>>
        tpu.wait_dma2 semaphore(%run_scoped3A_68 : memref<!tpu.dma_semaphore, #tpu.memory_space<semaphore_mem>>) src(%dma_wait3A_82 : memref<520x64xf32, #tpu.memory_space<vmem_shared>>) dst(%dma_wait3A_79 : memref<520x64xf32, #tpu.memory_space<hbm>>)
        tpu.yield
      }) : () -> ()
    } else {
    }
    return
  }
}

module attributes {stable_mosaic.version = 14 : i64} {
  func.func @_prep_body(%arg0: i32, %arg1: memref<2000x128xf32, #tpu.memory_space<vmem>>, %arg2: memref<128x128xf32, #tpu.memory_space<vmem>>, %arg3: memref<1x2000x16xf32, #tpu.memory_space<vmem>>, %arg4: memref<1x2000x16xf32, #tpu.memory_space<vmem>>, %arg5: memref<2000x64xf32, #tpu.memory_space<vmem>>, %arg6: memref<2000x64xf32, #tpu.memory_space<vmem>>, %arg7: memref<2000x1xf32, #tpu.memory_space<vmem>>) attributes {dimension_semantics = [#tpu.dimension_semantics<arbitrary>], iteration_bounds = array<i64: 5>, scalar_prefetch = 0 : i64, scratch_operands = 0 : i64, tpu.core_type = #tpu.core_type<tc>, window_params = [{transform_indices = @transform_0, window_bounds = array<i64: 2000, 128>}, {pipeline_mode = #tpu.pipeline_mode<synchronous>, transform_indices = @transform_1, window_bounds = array<i64: 128, 128>}, {transform_indices = @transform_2, window_bounds = array<i64: 1, 2000, 16>}, {transform_indices = @transform_3, window_bounds = array<i64: 1, 2000, 16>}, {transform_indices = @transform_4, window_bounds = array<i64: 2000, 64>}, {transform_indices = @transform_5, window_bounds = array<i64: 2000, 64>}, {transform_indices = @transform_6, window_bounds = array<i64: 2000, 1>}]} {
    %get3A = arith.constant 0 : index
    %get3A_0 = arith.constant 0 : index
    %get3A_1 = arith.constant 0 : index
    %get3A_2 = vector.load %arg3[%get3A, %get3A_0, %get3A_1] : memref<1x2000x16xf32, #tpu.memory_space<vmem>>, vector<1x2000x1xf32>
    %get3A_3 = vector.shape_cast %get3A_2 : vector<1x2000x1xf32> to vector<2000xf32>
    %get3A_4 = arith.constant 0 : index
    %get3A_5 = arith.constant 0 : index
    %get3A_6 = arith.constant 0 : index
    %get3A_7 = vector.load %arg4[%get3A_4, %get3A_5, %get3A_6] : memref<1x2000x16xf32, #tpu.memory_space<vmem>>, vector<1x2000x1xf32>
    %get3A_8 = vector.shape_cast %get3A_7 : vector<1x2000x1xf32> to vector<2000xf32>
    %add3A = arith.addf %get3A_3, %get3A_8 : vector<2000xf32>
    %rsqrt3A = math.rsqrt %add3A : vector<2000xf32>
    %get3A_9 = arith.constant 0 : index
    %get3A_10 = arith.constant 0 : index
    %get3A_11 = vector.load %arg1[%get3A_9, %get3A_10] : memref<2000x128xf32, #tpu.memory_space<vmem>>, vector<2000x128xf32>
    %get3A_12 = arith.constant 0 : index
    %get3A_13 = arith.constant 0 : index
    %get3A_14 = vector.load %arg2[%get3A_12, %get3A_13] : memref<128x128xf32, #tpu.memory_space<vmem>>, vector<128x128xf32>
    %dot_general3A = arith.constant dense<0.000000e+00> : vector<2000x128xf32>
    %dot_general3A_15 = tpu.matmul %get3A_11, %get3A_14, %dot_general3A {dimension_numbers = #tpu.dot_dimension_numbers<[1], [0], [0], [1], [0, 0, 1, 1], [], []>, transpose_lhs_hint = false} : vector<2000x128xf32>, vector<128x128xf32>, vector<2000x128xf32> -> vector<2000x128xf32>
    %broadcast_in_dim3A = vector.shape_cast %rsqrt3A : vector<2000xf32> to vector<2000x1xf32>
    %mul3A = vector.broadcast %broadcast_in_dim3A : vector<2000x1xf32> to vector<2000x128xf32>
    %mul3A_16 = arith.mulf %dot_general3A_15, %mul3A : vector<2000x128xf32>
    %slice3A = vector.extract_strided_slice %mul3A_16 {offsets = [0, 0], sizes = [2000, 64], strides = [1, 1]} : vector<2000x128xf32> to vector<2000x64xf32>
    %swap3A = arith.constant 0 : index
    %swap3A_17 = arith.constant 0 : index
    %swap3A_18 = vector.load %arg5[%swap3A, %swap3A_17] : memref<2000x64xf32, #tpu.memory_space<vmem>>, vector<2000x64xf32>
    tpu.vector_store %arg5[%swap3A, %swap3A_17], %slice3A {strides = array<i32>} : memref<2000x64xf32, #tpu.memory_space<vmem>>, vector<2000x64xf32>,
    %slice3A_19 = vector.extract_strided_slice %mul3A_16 {offsets = [0, 64], sizes = [2000, 64], strides = [1, 1]} : vector<2000x128xf32> to vector<2000x64xf32>
    %swap3A_20 = arith.constant 0 : index
    %swap3A_21 = arith.constant 0 : index
    %swap3A_22 = vector.load %arg6[%swap3A_20, %swap3A_21] : memref<2000x64xf32, #tpu.memory_space<vmem>>, vector<2000x64xf32>
    tpu.vector_store %arg6[%swap3A_20, %swap3A_21], %slice3A_19 {strides = array<i32>} : memref<2000x64xf32, #tpu.memory_space<vmem>>, vector<2000x64xf32>,
    %broadcast_in_dim3A_23 = vector.shape_cast %rsqrt3A : vector<2000xf32> to vector<2000x1xf32>
    %swap3A_24 = arith.constant 0 : index
    %swap3A_25 = arith.constant 0 : index
    %swap3A_26 = vector.load %arg7[%swap3A_24, %swap3A_25] : memref<2000x1xf32, #tpu.memory_space<vmem>>, vector<2000x1xf32>
    tpu.vector_store %arg7[%swap3A_24, %swap3A_25], %broadcast_in_dim3A_23 {strides = array<i32>} : memref<2000x1xf32, #tpu.memory_space<vmem>>, vector<2000x1xf32>,
    return
  }
  func.func @transform_0(%arg0: i32) -> (i32, i32) {
    %c0_i32 = arith.constant 0 : i32
    %c0_i32_0 = arith.constant 0 : i32
    return %arg0, %c0_i32 : i32, i32
  }
  func.func @transform_1(%arg0: i32) -> (i32, i32) {
    %c0_i32 = arith.constant 0 : i32
    %c0_i32_0 = arith.constant 0 : i32
    %c0_i32_1 = arith.constant 0 : i32
    return %c0_i32, %c0_i32_0 : i32, i32
  }
  func.func @transform_2(%arg0: i32) -> (i32, i32, i32) {
    %c0_i32 = arith.constant 0 : i32
    %c0_i32_0 = arith.constant 0 : i32
    %c0_i32_1 = arith.constant 0 : i32
    return %c0_i32, %arg0, %c0_i32_0 : i32, i32, i32
  }
  func.func @transform_3(%arg0: i32) -> (i32, i32, i32) {
    %c1_i32 = arith.constant 1 : i32
    %c0_i32 = arith.constant 0 : i32
    %c0_i32_0 = arith.constant 0 : i32
    return %c1_i32, %arg0, %c0_i32 : i32, i32, i32
  }
  func.func @transform_4(%arg0: i32) -> (i32, i32) {
    %c0_i32 = arith.constant 0 : i32
    %c0_i32_0 = arith.constant 0 : i32
    return %arg0, %c0_i32 : i32, i32
  }
  func.func @transform_5(%arg0: i32) -> (i32, i32) {
    %c0_i32 = arith.constant 0 : i32
    %c0_i32_0 = arith.constant 0 : i32
    return %arg0, %c0_i32 : i32, i32
  }
  func.func @transform_6(%arg0: i32) -> (i32, i32) {
    %c0_i32 = arith.constant 0 : i32
    %c0_i32_0 = arith.constant 0 : i32
    return %arg0, %c0_i32 : i32, i32
  }
}

module attributes {stable_mosaic.version = 14 : i64} {
  func.func @_mid_body(%arg0: i32, %arg1: memref<1x2000x64xf32, #tpu.memory_space<vmem>>, %arg2: memref<1x2000x64xf32, #tpu.memory_space<vmem>>, %arg3: memref<2000x1xf32, #tpu.memory_space<vmem>>, %arg4: memref<128xf32, #tpu.memory_space<vmem>>, %arg5: memref<128x64xf32, #tpu.memory_space<vmem>>, %arg6: memref<2000x64xf32, #tpu.memory_space<vmem>>) attributes {dimension_semantics = [#tpu.dimension_semantics<arbitrary>], iteration_bounds = array<i64: 5>, scalar_prefetch = 0 : i64, scratch_operands = 0 : i64, tpu.core_type = #tpu.core_type<tc>, window_params = [{transform_indices = @transform_0, window_bounds = array<i64: 1, 2000, 64>}, {transform_indices = @transform_1, window_bounds = array<i64: 1, 2000, 64>}, {transform_indices = @transform_2, window_bounds = array<i64: 2000, 1>}, {pipeline_mode = #tpu.pipeline_mode<synchronous>, transform_indices = @transform_3, window_bounds = array<i64: 128>}, {pipeline_mode = #tpu.pipeline_mode<synchronous>, transform_indices = @transform_4, window_bounds = array<i64: 128, 64>}, {transform_indices = @transform_5, window_bounds = array<i64: 2000, 64>}]} {
    %get3A = arith.constant 0 : index
    %get3A_0 = arith.constant 0 : index
    %get3A_1 = vector.load %arg3[%get3A, %get3A_0] : memref<2000x1xf32, #tpu.memory_space<vmem>>, vector<2000x1xf32>
    %get3A_2 = arith.constant 0 : index
    %get3A_3 = arith.constant 0 : index
    %get3A_4 = arith.constant 0 : index
    %get3A_5 = vector.load %arg1[%get3A_2, %get3A_3, %get3A_4] : memref<1x2000x64xf32, #tpu.memory_space<vmem>>, vector<1x2000x64xf32>
    %get3A_6 = vector.shape_cast %get3A_5 : vector<1x2000x64xf32> to vector<2000x64xf32>
    %get3A_7 = arith.constant 0 : index
    %get3A_8 = arith.constant 0 : index
    %get3A_9 = arith.constant 0 : index
    %get3A_10 = vector.load %arg2[%get3A_7, %get3A_8, %get3A_9] : memref<1x2000x64xf32, #tpu.memory_space<vmem>>, vector<1x2000x64xf32>
    %get3A_11 = vector.shape_cast %get3A_10 : vector<1x2000x64xf32> to vector<2000x64xf32>
    %concatenate3A = tpu.concatenate %get3A_6, %get3A_11 in 1 : vector<2000x64xf32>, vector<2000x64xf32> -> vector<2000x128xf32>
    %mul3A = vector.broadcast %get3A_1 : vector<2000x1xf32> to vector<2000x128xf32>
    %mul3A_12 = arith.mulf %concatenate3A, %mul3A : vector<2000x128xf32>
    %get3A_13 = arith.constant 0 : index
    %get3A_14 = vector.load %arg4[%get3A_13] : memref<128xf32, #tpu.memory_space<vmem>>, vector<128xf32>
    %broadcast_in_dim3A = vector.shape_cast %get3A_14 : vector<128xf32> to vector<1x128xf32>
    %add3A = vector.broadcast %broadcast_in_dim3A : vector<1x128xf32> to vector<2000x128xf32>
    %add3A_15 = arith.addf %mul3A_12, %add3A : vector<2000x128xf32>
    %max3A = arith.constant 0.000000e+00 : f32
    %max3A_16 = vector.broadcast %max3A : f32 to vector<2000x128xf32>
    %max3A_17 = arith.maximumf %add3A_15, %max3A_16 : vector<2000x128xf32>
    %get3A_18 = arith.constant 0 : index
    %get3A_19 = arith.constant 0 : index
    %get3A_20 = vector.load %arg5[%get3A_18, %get3A_19] : memref<128x64xf32, #tpu.memory_space<vmem>>, vector<128x64xf32>
    %dot_general3A = arith.constant dense<0.000000e+00> : vector<2000x64xf32>
    %dot_general3A_21 = tpu.matmul %max3A_17, %get3A_20, %dot_general3A {dimension_numbers = #tpu.dot_dimension_numbers<[1], [0], [0], [1], [0, 0, 1, 1], [], []>, transpose_lhs_hint = false} : vector<2000x128xf32>, vector<128x64xf32>, vector<2000x64xf32> -> vector<2000x64xf32>
    %mul3A_22 = vector.broadcast %get3A_1 : vector<2000x1xf32> to vector<2000x64xf32>
    %mul3A_23 = arith.mulf %dot_general3A_21, %mul3A_22 : vector<2000x64xf32>
    %swap3A = arith.constant 0 : index
    %swap3A_24 = arith.constant 0 : index
    %swap3A_25 = vector.load %arg6[%swap3A, %swap3A_24] : memref<2000x64xf32, #tpu.memory_space<vmem>>, vector<2000x64xf32>
    tpu.vector_store %arg6[%swap3A, %swap3A_24], %mul3A_23 {strides = array<i32>} : memref<2000x64xf32, #tpu.memory_space<vmem>>, vector<2000x64xf32>,
    return
  }
  func.func @transform_0(%arg0: i32) -> (i32, i32, i32) {
    %c0_i32 = arith.constant 0 : i32
    %c0_i32_0 = arith.constant 0 : i32
    %c0_i32_1 = arith.constant 0 : i32
    return %c0_i32, %arg0, %c0_i32_0 : i32, i32, i32
  }
  func.func @transform_1(%arg0: i32) -> (i32, i32, i32) {
    %c1_i32 = arith.constant 1 : i32
    %c0_i32 = arith.constant 0 : i32
    %c0_i32_0 = arith.constant 0 : i32
    return %c1_i32, %arg0, %c0_i32 : i32, i32, i32
  }
  func.func @transform_2(%arg0: i32) -> (i32, i32) {
    %c0_i32 = arith.constant 0 : i32
    %c0_i32_0 = arith.constant 0 : i32
    return %arg0, %c0_i32 : i32, i32
  }
  func.func @transform_3(%arg0: i32) -> i32 {
    %c0_i32 = arith.constant 0 : i32
    %c0_i32_0 = arith.constant 0 : i32
    return %c0_i32 : i32
  }
  func.func @transform_4(%arg0: i32) -> (i32, i32) {
    %c0_i32 = arith.constant 0 : i32
    %c0_i32_0 = arith.constant 0 : i32
    %c0_i32_1 = arith.constant 0 : i32
    return %c0_i32, %c0_i32_0 : i32, i32
  }
  func.func @transform_5(%arg0: i32) -> (i32, i32) {
    %c0_i32 = arith.constant 0 : i32
    %c0_i32_0 = arith.constant 0 : i32
    return %arg0, %c0_i32 : i32, i32
  }
}

module attributes {stable_mosaic.version = 14 : i64} {
  func.func @_fin_body(%arg0: i32, %arg1: memref<1x2000x64xf32, #tpu.memory_space<vmem>>, %arg2: memref<1x2000x64xf32, #tpu.memory_space<vmem>>, %arg3: memref<2000x64xf32, #tpu.memory_space<vmem>>, %arg4: memref<2000x1xf32, #tpu.memory_space<vmem>>, %arg5: memref<64xf32, #tpu.memory_space<vmem>>, %arg6: memref<2000x64xf32, #tpu.memory_space<vmem>>) attributes {dimension_semantics = [#tpu.dimension_semantics<arbitrary>], iteration_bounds = array<i64: 5>, scalar_prefetch = 0 : i64, scratch_operands = 0 : i64, tpu.core_type = #tpu.core_type<tc>, window_params = [{transform_indices = @transform_0, window_bounds = array<i64: 1, 2000, 64>}, {transform_indices = @transform_1, window_bounds = array<i64: 1, 2000, 64>}, {transform_indices = @transform_2, window_bounds = array<i64: 2000, 64>}, {transform_indices = @transform_3, window_bounds = array<i64: 2000, 1>}, {pipeline_mode = #tpu.pipeline_mode<synchronous>, transform_indices = @transform_4, window_bounds = array<i64: 64>}, {transform_indices = @transform_5, window_bounds = array<i64: 2000, 64>}]} {
    %get3A = arith.constant 0 : index
    %get3A_0 = arith.constant 0 : index
    %get3A_1 = arith.constant 0 : index
    %get3A_2 = vector.load %arg1[%get3A, %get3A_0, %get3A_1] : memref<1x2000x64xf32, #tpu.memory_space<vmem>>, vector<1x2000x64xf32>
    %get3A_3 = vector.shape_cast %get3A_2 : vector<1x2000x64xf32> to vector<2000x64xf32>
    %get3A_4 = arith.constant 0 : index
    %get3A_5 = arith.constant 0 : index
    %get3A_6 = arith.constant 0 : index
    %get3A_7 = vector.load %arg2[%get3A_4, %get3A_5, %get3A_6] : memref<1x2000x64xf32, #tpu.memory_space<vmem>>, vector<1x2000x64xf32>
    %get3A_8 = vector.shape_cast %get3A_7 : vector<1x2000x64xf32> to vector<2000x64xf32>
    %add3A = arith.addf %get3A_3, %get3A_8 : vector<2000x64xf32>
    %get3A_9 = arith.constant 0 : index
    %get3A_10 = arith.constant 0 : index
    %get3A_11 = vector.load %arg3[%get3A_9, %get3A_10] : memref<2000x64xf32, #tpu.memory_space<vmem>>, vector<2000x64xf32>
    %sub3A = arith.subf %add3A, %get3A_11 : vector<2000x64xf32>
    %get3A_12 = arith.constant 0 : index
    %get3A_13 = arith.constant 0 : index
    %get3A_14 = vector.load %arg4[%get3A_12, %get3A_13] : memref<2000x1xf32, #tpu.memory_space<vmem>>, vector<2000x1xf32>
    %mul3A = vector.broadcast %get3A_14 : vector<2000x1xf32> to vector<2000x64xf32>
    %mul3A_15 = arith.mulf %sub3A, %mul3A : vector<2000x64xf32>
    %get3A_16 = arith.constant 0 : index
    %get3A_17 = vector.load %arg5[%get3A_16] : memref<64xf32, #tpu.memory_space<vmem>>, vector<64xf32>
    %broadcast_in_dim3A = vector.shape_cast %get3A_17 : vector<64xf32> to vector<1x64xf32>
    %add3A_18 = vector.broadcast %broadcast_in_dim3A : vector<1x64xf32> to vector<2000x64xf32>
    %add3A_19 = arith.addf %mul3A_15, %add3A_18 : vector<2000x64xf32>
    %swap3A = arith.constant 0 : index
    %swap3A_20 = arith.constant 0 : index
    %swap3A_21 = vector.load %arg6[%swap3A, %swap3A_20] : memref<2000x64xf32, #tpu.memory_space<vmem>>, vector<2000x64xf32>
    tpu.vector_store %arg6[%swap3A, %swap3A_20], %add3A_19 {strides = array<i32>} : memref<2000x64xf32, #tpu.memory_space<vmem>>, vector<2000x64xf32>,
    return
  }
  func.func @transform_0(%arg0: i32) -> (i32, i32, i32) {
    %c0_i32 = arith.constant 0 : i32
    %c0_i32_0 = arith.constant 0 : i32
    %c0_i32_1 = arith.constant 0 : i32
    return %c0_i32, %arg0, %c0_i32_0 : i32, i32, i32
  }
  func.func @transform_1(%arg0: i32) -> (i32, i32, i32) {
    %c1_i32 = arith.constant 1 : i32
    %c0_i32 = arith.constant 0 : i32
    %c0_i32_0 = arith.constant 0 : i32
    return %c1_i32, %arg0, %c0_i32 : i32, i32, i32
  }
  func.func @transform_2(%arg0: i32) -> (i32, i32) {
    %c0_i32 = arith.constant 0 : i32
    %c0_i32_0 = arith.constant 0 : i32
    return %arg0, %c0_i32 : i32, i32
  }
  func.func @transform_3(%arg0: i32) -> (i32, i32) {
    %c0_i32 = arith.constant 0 : i32
    %c0_i32_0 = arith.constant 0 : i32
    return %arg0, %c0_i32 : i32, i32
  }
  func.func @transform_4(%arg0: i32) -> i32 {
    %c0_i32 = arith.constant 0 : i32
    %c0_i32_0 = arith.constant 0 : i32
    return %c0_i32 : i32
  }
  func.func @transform_5(%arg0: i32) -> (i32, i32) {
    %c0_i32 = arith.constant 0 : i32
    %c0_i32_0 = arith.constant 0 : i32
    return %arg0, %c0_i32 : i32, i32
  }
}

</mosaic_0001>

<sc_bundles>
// kernel: kernel.11.cloned.1.call-start
scs
__scs_entry_jumppad:
0x0: {  	(pc) =	sbr.rel $0x88, $3  }
0x1: {  	(tag) =	ssettag $0x0;
	lr =	simm.s32 $0x1  }
0x2: {  	[smem:$0x3F9B] =	sst lr;
	_ =	strace $0xD0000000  }
0x3: {  	_ = 	snop  }
0x4: {  	_ = 	snop  }
0x5: {  	_ = 	snop  }
0x6: {  	_ = 	snop  }
0x7: {  	_ = 	snop  }
__scs_overlays_trampoline_lowered:
0x8: {  	[smem:$0x3FAA] =	sst s0  }
0x9: {  	[smem:$0x3FAB] =	sst s1  }
0xa: {  	[smem:$0x3FAC] =	sst s2  }
0xb: {  	[smem:$0x3FAD] =	sst s3  }
0xc: {  	[smem:$0x3FAE] =	sst s4  }
0xd: {  	[smem:$0x3FAF] =	sst s5  }
0xe: {  	[smem:$0x3FB0] =	sst s6  }
0xf: {  	[smem:$0x3FB1] =	sst s7  }
0x10: {  	[smem:$0x3FB2] =	sst s8  }
0x11: {  	[smem:$0x3FB3] =	sst s9;
	s0 =	simm.s32 @!p0 $0x0  }
0x12: {  	s1 =	sld [smem:$0x3F99];
	s0 =	simm.s32 @p0 $0x1  }
0x13: {  	[smem:$0x3FB4] =	sst s0;
	s0 =	simm.s32 @!p1 $0x0  }
0x14: {  	s2 =	sld [smem:$0x3F98];
	s0 =	simm.s32 @p1 $0x1  }
0x15: {  	[smem:$0x3FB5] =	sst s0;
	s0 =	simm.s32 @!p2 $0x0  }
0x16: {  	s3 =	sld [smem:$0x3FDB];
	s0 =	simm.s32 @p2 $0x1  }
0x17: {  	s4 =	simm.s32 $0x1BF5;
	[smem:$0x3FB7] =	sst s0  }
0x18: {  	s0 =	sld [smem:$0x3F9A];
	_ =	swait.ge [sflag:s4], $0x0  }
0x19: {  	s7 =	sld [smem:$0x3F9B]  }
0x1a: {  	s8 =	sadd.s32 $0xFFFFE003, lr  }
0x1b: {  	s9 =	sadd.s32 $0xFFFFFEF7, lr;
	s5 =	simm.s32 $0xFFFFFFFF;
	p2 =	slt.u32 s8, $0xFFFFF086  }
0x1c: {  	p1 =	slt.u32 s9, $0xF7A;
	s5 =	simm.s32 @!p2 $0x0  }
0x1d: {  	s5 =	simm.s32 @p1 $0x1;
	p0 =	seq.s32 s7, s2  }
0x1e: {  	s7 =	smul.u32 @!p0 $0xF7A, s2;
	p2 =	seq.s32 @!p0 s5, $0x0  }
0x1f: {  	s9 =	smul.u32 $0xF7A, s1;
	s8 =	simm.s32 @!p0 $0x1BF5;
	p2 =	por !p2, p0  }
0x20: {  	[sflag:s8] =	ssyncset.s32 @!p0 $0xFFFFF086;
	s6 =	sadd.s32 @!p0 s3, s7;
	s7 =	simm.s32 @!p0 $0x108  }
0x21: {  	s3 =	sadd.s32 s3, s9;
	s6 =	sadd.s32 @!p0 $0x88, s6;
	s7 =	simm.s32 @p2 $0x1082  }
0x22: {  	[simem:s7], [sflag:s8] =	dma.local @!p0 [hbm:s6], $0xF7A  }
0x23: {  	s9 =	sor.u32 $0xD0000000, s2;
	s6 =	simm.s32 $0x108;
	_ =	swait.ge @!p0 [sflag:s8], $0x0  }
0x24: {  	s3 =	sadd.s32 $0x88, s3;
	s6 =	simm.s32 @!p1 $0x1082;
	[sflag:s4] =	ssyncset.s32 $0xFFFFF086  }
0x25: {  	[simem:s6], [sflag:s4] =	dma.local [hbm:s3], $0xF7A  }
0x26: {  	[smem:$0x3F9B] =	sst s1;
	(tag) =	ssettag s2;
	_ =	strace s9  }
0x27: {  	s1 =	sld [smem:$0x3FAB]  }
0x28: {  	s2 =	sld [smem:$0x3FAC]  }
0x29: {  	s4 =	sld [smem:$0x3FAE]  }
0x2a: {  	p0 =	seq.s32 s5, $0x0;
	s5 =	sld [smem:$0x3FAF]  }
0x2b: {  	s6 =	sld [smem:$0x3FB0]  }
0x2c: {  	s7 =	sld [smem:$0x3FB1]  }
0x2d: {  	s3 =	simm.s32 $0x108;
	s8 =	sld [smem:$0x3FB2]  }
0x2e: {  	s3 =	simm.s32 @!p0 $0x1082;
	s9 =	sld [smem:$0x3FB3]  }
0x2f: {  	lr =	sadd.s32 s0, s3;
	s0 =	sld [smem:$0x3FAA]  }
0x30: {  	s3 =	sld [smem:$0x3FAD]  }
0x31: {  	[smem:$0x3FB6] =	sst s10  }
0x32: {  	s10 =	sld [smem:$0x3FB4];
	_ =	sdelay $0x3  }
0x33: {  	p0 =	seq.s32 s10, $0x1;
	s10 =	sld [smem:$0x3FB6];
	_ =	sdelay $0x3  }
0x34: {  	[smem:$0x3FB6] =	sst s10  }
0x35: {  	s10 =	sld [smem:$0x3FB5];
	_ =	sdelay $0x3  }
0x36: {  	p1 =	seq.s32 s10, $0x1;
	s10 =	sld [smem:$0x3FB6];
	_ =	sdelay $0x3  }
0x37: {  	[smem:$0x3FB6] =	sst s10  }
0x38: {  	s10 =	sld [smem:$0x3FB7]  }
0x39: {  	_ = 	snop;
	(pc) =	sbr.ind lr, $3  }
0x3a: {  	_ = 	snop  }
0x3b: {  	_ = 	snop  }
0x3c: {  	p2 =	seq.s32 s10, $0x1;
	s10 =	sld [smem:$0x3FB6]  }
0x3d: {  	_ =	shalt  }
0x3e: {  	_ =	shalt  }
0x3f: {  	_ =	shalt  }
0x40: {  	_ =	shalt  }
0x41: {  	_ =	shalt  }
0x42: {  	_ =	shalt  }
0x43: {  	_ =	shalt  }
0x44: {  	_ =	shalt  }
0x45: {  	_ =	shalt  }
0x46: {  	_ =	shalt  }
0x47: {  	_ =	shalt  }
0x48: {  	_ =	shalt  }
0x49: {  	_ =	shalt  }
0x4a: {  	_ =	shalt  }
0x4b: {  	_ =	shalt  }
0x4c: {  	_ =	shalt  }
0x4d: {  	_ =	shalt  }
0x4e: {  	_ =	shalt  }
0x4f: {  	_ =	shalt  }
0x50: {  	_ =	shalt  }
0x51: {  	_ =	shalt  }
0x52: {  	_ =	shalt  }
0x53: {  	_ =	shalt  }
0x54: {  	_ =	shalt  }
0x55: {  	_ =	shalt  }
0x56: {  	_ =	shalt  }
0x57: {  	_ =	shalt  }
0x58: {  	_ =	shalt  }
0x59: {  	_ =	shalt  }
0x5a: {  	_ =	shalt  }
0x5b: {  	_ =	shalt  }
0x5c: {  	_ =	shalt  }
0x5d: {  	_ =	shalt  }
0x5e: {  	_ =	shalt  }
0x5f: {  	_ =	shalt  }
0x60: {  	_ =	shalt  }
0x61: {  	_ =	shalt  }
0x62: {  	_ =	shalt  }
0x63: {  	_ =	shalt  }
0x64: {  	_ =	shalt  }
0x65: {  	_ =	shalt  }
0x66: {  	_ =	shalt  }
0x67: {  	_ =	shalt  }
0x68: {  	_ =	shalt  }
0x69: {  	_ =	shalt  }
0x6a: {  	_ =	shalt  }
0x6b: {  	_ =	shalt  }
0x6c: {  	_ =	shalt  }
0x6d: {  	_ =	shalt  }
0x6e: {  	_ =	shalt  }
0x6f: {  	_ =	shalt  }
0x70: {  	_ =	shalt  }
0x71: {  	_ =	shalt  }
0x72: {  	_ =	shalt  }
0x73: {  	_ =	shalt  }
0x74: {  	_ =	shalt  }
0x75: {  	_ =	shalt  }
0x76: {  	_ =	shalt  }
0x77: {  	_ =	shalt  }
0x78: {  	_ =	shalt  }
0x79: {  	_ =	shalt  }
0x7a: {  	_ =	shalt  }
0x7b: {  	_ =	shalt  }
0x7c: {  	_ =	shalt  }
0x7d: {  	_ =	shalt  }
0x7e: {  	_ =	shalt  }
0x7f: {  	_ =	shalt  }
0x80: {  	_ =	shalt  }
0x81: {  	_ =	shalt  }
0x82: {  	_ =	shalt  }
0x83: {  	_ =	shalt  }
0x84: {  	_ =	shalt  }
0x85: {  	_ =	shalt  }
0x86: {  	_ =	shalt  }
0x87: {  	_ =	shalt  }
.Lfunc_end0:
.L_simem_size_0:
called_computation.1_lowered:
.L_overlay_start_0:
0x88: {  	s2 =	sld [smem:$0x3FD9]  }
0x89: {  	s3 =	sld [smem:$0x3FFE];
	_ =	sdelay $0x1  }
0x8a: {  	s1 =	srdreg.scid  }
0x8b: {  	s0 =	sand.u32 $0x1, s1  }
0x8c: {  	s17 =	sshll.u32 s0, $0xA;
	s2 =	sadd.s32 s3, s2  }
0x8d: {  	s2 =	sadd.s32 s2, s17  }
0x8e: {  	[smem:$0x3FC2] =	sst s2  }
0x8f: {  	_ = 	snop  }
0x90: {  	s2 =	sld [smem:$0x3FD0];
	(tm) =	ssettm $0x1  }
0x91: {  	s18 =	sld [smem:$0x3FFB];
	_ =	sdelay $0x3  }
0x92: {  	_ =	strace s18  }
0x93: {  	s3 =	sld [smem:$0x3FFC];
	_ =	sdelay $0x3  }
0x94: {  	_ =	strace s3  }
0x95: {  	s3 =	sld [smem:$0x3FFD];
	_ =	sdelay $0x3  }
0x96: {  	_ =	strace s3  }
0x97: {  	_ =	strace $0x8FFFFFFF  }
0x98: {  	s19 =	sld [smem:$0x3FDB];
	_ =	sdelay $0x1  }
0x99: {  	s4 =	simm.s32 $_scs_section_size  }
0x9a: {  	s5 =	simm.s32 $_size__tile_overlayer_lowered;
	s6 =	simm.s32 $_tile_overlayer_lowered  }
0x9b: {  	s22 =	simm.s32 $0x1BFF;
	s21 =	sshll.u32 s6, $0x1;
	s3 =	sadd.s32 s4, s19  }
0x9c: {  	s7 =	simm.s32 $0x0;
	s20 =	sshll.u32 s5, $0x1;
	s5 =	sadd.s32 s21, s3  }
0x9d: {  	[timem:s7], [sflag:s22] =	dma.local [hbm:s5], s20  }
0x9e: {  	_ =	swait.ge [sflag:s22], s20  }
0x9f: {  	s4 =	ssub.s32 $0x0, s20;
	[sflag:s22] =	ssyncset.done $0x0  }
0xa0: {  	[sflag:s22] =	ssyncadd.s32 s4;
	_ =	sdelay $0x1  }
0xa1: {  	s23 =	simm.s32 $0x1B8B  }
0xa2: {  	_ =	swait.ge [sflag:s23], $0x1  }
0xa3: {  	[sflag:s23] =	ssyncset.done $0x0  }
0xa4: {  	s25 =	simm.s32 $0x1B8E;
	s24 =	sld [smem:$0x3FFE];
	[sflag:s23] =	ssyncadd.s32 $0xFFFFFFFF  }
0xa5: {  	s26 =	simm.s32 $execute0_lowered;
	[smem:$0x3FD2] =	sst s25  }
0xa6: {  	s5 =	sshll.u32 s26, $0x1;
	_ =	strace $0x80000049;
	[dreg:$0x1] =	wrdreg $0xFFFFFFFF  }
0xa7: {  	s28 =	simm.s32 $_size_execute0_lowered;
	s3 =	sadd.s32 s3, s5;
	[dreg:$0x0] =	wrdreg $0x0  }
0xa8: {  	s5 =	sshll.u32 s28, $0x1;
	[dreg:$0x2] =	wrdreg s3  }
0xa9: {  	[dreg:$0x3] =	wrdreg s5  }
0xaa: {  	[dreg:$0x4] =	wrdreg $0xC0  }
0xab: {  	_ =	task [dreg:s7], $0x5FFFF  }
0xac: {  	[dreg:$0x1] =	wrdreg $0xFFFFFFFF  }
0xad: {  	[dreg:$0x0] =	wrdreg $0x60  }
0xae: {  	[dreg:$0x2] =	wrdreg s2  }
0xaf: {  	[dreg:$0x3] =	wrdreg s24  }
0xb0: {  	[dreg:$0x4] =	wrdreg $0x142000  }
0xb1: {  	[dreg:$0x5] =	wrdreg $0x9  }
0xb2: {  	_ =	task.clear_ibuf [dreg:s7], $0x6FFFF;
	_ =	strace $0x90000049  }
0xb3: {  	s29 =	simm.s32 $0x9;
	_ =	strace $0x8000004B  }
0xb4: {  	_ =	swait.ge [sflag:s29], $0x1  }
0xb5: {  	[sflag:s29] =	ssyncadd.s32 $0xFFFFFFFF  }
0xb6: {  	_ =	strace $0x9000004B  }
0xb7: {  	_ =	sfence  }
0xb8: {  	s30 =	sld [smem:$0x0];
	_ =	sdelay $0x2  }
0xb9: {  	s31 =	sshll.u32 s1, $0xD;
	s1 =	sshrl.u32 s1, $0x2  }
0xba: {  	s3 =	sand.u32 $0x4000, s31;
	s1 =	sadd.s32 s1, s30  }
0xbb: {  	s0 =	sor.u32 s3, s0;
	s1 =	sshll.u32 s1, $0x11  }
0xbc: {  	s0 =	sor.u32 s1, s0  }
0xbd: {  	s0 =	sadd.s32 $0x8F2B, s0  }
0xbe: {  	[sflag:s0] =	ssyncadd.remote.s32 $0x1  }
0xbf: {  	_ =	sfence.sel $0xFFFF  }
0xc0: {  	[dreg:$0x0] =	wrdreg $0xFFFFFFFF;
	(pc) =	sbr.abs _section_cstart, $3  }
0xc1: {  	[dreg:$0x1] =	wrdreg $0xFFFFFFFF  }
0xc2: {  	_ =	task.clear_ibuf [dreg:s7], $0x2FFFF;
	_ =	strace $0x9FFFFFFF  }
0xc3: {  	(tm) =	ssettm $0x7FFFFFFF  }
tec
execute0_lowered:
.L_overlay_start_1:
0x0: {  	(tag) =	ssettag $0x1  }
0x1: {  	s0 =	rddreg [dreg:$0x0]  }
0x2: {  	s2 =	rddreg [dreg:$0x1]  }
0x3: {  	s1 =	rddreg [dreg:$0x2];
	s3 =	simm.s32 $0x0  }
0x4: {  	s4 =	srdreg.scid;
	s12 =	stileid.u32;
	s28 =	simm.s32 $0xA5C0  }
0x5: {  	s29 =	simm.s32 $0x1;
	s30 =	simm.s32 $0x3;
	s31 =	simm.s32 $0x2  }
0x6: {  	s17 =	simm.s32 $0x0;
	[smem:$0x7FF] =	sst s3;
	s6 =	sand.u32 $0x1, s4  }
0x7: {  	s4 =	sadd.s32 $0x15A00, s2;
	s8 =	smul.u32 $0x9E00, s12;
	s5 =	sadd.s32 $0x2000, s2  }
0x8: {  	s10 =	smul.u32 $0x4E20, s12;
	s11 =	sadd.s32 $0x29400, s2;
	s20 =	sadd.s32 $0x94200, s1  }
0x9: {  	s21 =	sadd.s32 $0x14840, s2;
	s26 =	smul.u32 $0x9C4, s12;
	s2 =	sadd.s32 $0x28240, s2  }
0xa: {  	p1 =	seq.s32 s12, $0xF;
	_ =	strace $0x8000004A;
	[dreg:$0x6] =	wrdreg s20  }
0xb: {  	s7 =	ssub.s32 $0x2, s6;
	[dreg:$0x7] =	wrdreg s21;
	s16 =	smul.u32 $0x9C400, s6  }
0xc: {  	[dreg:$0xc] =	wrdreg s2;
	p0 =	sne.s32 s6, $0x0;
	s9 =	sshrl.u32 s7, $0x1  }
0xd: {  	s18 =	sshrl.u32 s8, $0x3;
	s13 =	sadd.s32 s8, s1;
	s10 =	sshrl.u32 s10, $0x3  }
0xe: {  	s21 =	sadd.s32 s26, s0;
	s26 =	simm.s32 $0xA350;
	s7 =	ssub.s32 s7, s9  }
0xf: {  	[dreg:$0x4] =	wrdreg s13;
	s19 =	sadd.s32 s5, s18;
	s10 =	sadd.s32 s0, s10  }
0x10: {  	s9 =	sadd.s32 s4, s18;
	s8 =	sadd.s32 s8, s16;
	s25 =	sshrl.u32 s16, $0x3  }
0x11: {  	s0 =	simm.s32 $0x4;
	s16 =	simm.s32 $0x20;
	[dreg:$0x5] =	wrdreg s19  }
0x12: {  	s22 =	sadd.s32 $0x9C40, s10;
	s23 =	sadd.s32 $0x4E, s10;
	s24 =	sadd.s32 $0x9C8E, s10  }
0x13: {  	s14 =	sadd.s32 $0x9C0, s10;
	s15 =	sadd.s32 $0xA600, s10;
	[dreg:$0xb] =	wrdreg s9  }
.Ltmp0:
0x14: {  	s8 =	sshrl.u32 s8, $0x3;
	[dreg:$0x8] =	wrdreg s22;
	(pc) =	sbr.rel .LBB2_1-.Ltmp0, $4  }
0x15: {  	s9 =	sadd.s32 s11, s25;
	s20 =	smax.u32 s7, $0x1;
	[dreg:$0x9] =	wrdreg s23  }
0x16: {  	s25 =	simm.s32 $0xA0E0;
	s7 =	simm.s32 $0x141C0;
	[dreg:$0xa] =	wrdreg s24  }
0x17: {  	s18 =	sadd.s32 s11, s8;
	s19 =	sadd.s32 $0x12840, s9;
	s22 =	simm.s32 $0x5  }
0x18: {  	s23 =	simm.s32 $0x270;
	s24 =	simm.s32 $0x4E0;
	s9 =	simm.s32 $0x141E0  }
.LBB2_7:
0x19: {  	[spmem:s1] =	stream.indirect.scatter.add.f32 [tilespmem:s28], [sflag:$0x4], $0x40, s26, s23, $0xb8;
	[tilespmem:$0x1DE40] =	vst v63  }
0x1a: {  	s11 =	smov.u32 s5  }
.LBB2_8:
0x1b: {  	_ =	swait.ge [sflag:s31], $0x9C00  }
0x1c: {  	[sflag:s31] =	ssyncset.done $0x0  }
0x1d: {  	[sflag:s31] =	ssyncadd.s32 $0xFFFF6400  }
0x1e: {  	_ =	swait.ge [sflag:s0], $0x9C00  }
0x1f: {  	[sflag:s0] =	ssyncset.done $0x0  }
0x20: {  	[sflag:s0] =	ssyncadd.s32 $0xFFFF6400  }
0x21: {  	[tilespmem:s7], [sflag:$0x5] =	stream.linear.gather [hbm4b:s14+s3], $0x20, $0x38;
	[tilespmem:$0x1DE40] =	vst v63  }
0x22: {  	_ =	swait.ge [sflag:s22], $0x20  }
0x23: {  	[sflag:s22] =	ssyncset.done $0x0  }
0x24: {  	[sflag:s22] =	ssyncadd.s32 $0xFFFFFFE0  }
0x25: {  	[tilespmem:s9], [sflag:$0x5] =	stream.linear.gather [hbm4b:s15+s3], $0x20, $0x38;
	[tilespmem:$0x1DE40] =	vst v63  }
0x26: {  	_ =	swait.ge [sflag:s22], $0x20  }
0x27: {  	[sflag:s22] =	ssyncset.done $0x0  }
0x28: {  	[sflag:s22] =	ssyncadd.s32 $0xFFFFFFE0  }
0x29: {  	[tilespmem:s24], [sflag:$0x1] =	stream.indirect.gather [hbm4b:s11+s16], $0x40, s7, s16, $0xb8;
	[tilespmem:$0x1DE40] =	vst v63  }
0x2a: {  	_ =	swait.ge [sflag:s29], $0x800  }
0x2b: {  	[sflag:s29] =	ssyncset.done $0x0  }
0x2c: {  	[sflag:s29] =	ssyncadd.s32 $0xFFFFF800  }
0x2d: {  	[spmem:s1] =	stream.indirect.scatter.add.f32 [tilespmem:s24], [sflag:$0x5], $0x40, s9, s16, $0xb8;
	[tilespmem:$0x1DE40] =	vst v63  }
0x2e: {  	_ =	swait.ge [sflag:s22], $0x800  }
0x2f: {  	[sflag:s22] =	ssyncset.done $0x0  }
0x30: {  	[sflag:s22] =	ssyncadd.s32 $0xFFFFF800  }
0x31: {  	s11 =	simm.s32 @p1 $0x1FC5;
	[bflag:$0x0] =	sbarrier.arrive $0xFFFF  }
0x32: {  	[hbm:s19], [sflag:s11] =	dma.local @p1 [spmem:s8], $0x1040  }
0x33: {  	s8 =	simm.s32 @p1 $0x5  }
0x34: {  	_ =	swait.ge @p1 [sflag:s8], $0x1040  }
0x35: {  	s17 =	sadd.s32 $0x1, s17;
	[sflag:s8] =	ssyncset.done @p1 $0x0  }
0x36: {  	p2 =	sne.s32 s17, s20;
	[sflag:s8] =	ssyncadd.s32 @p1 $0xFFFFEFC0  }
0x37: {  	[hbm:s18], [sflag:s6] =	dma.local @!p1 [spmem:s2], $0x13C0  }
.Ltmp1:
0x38: {  	_ = 	snop;
	(pc) =	sbr.rel @!p2 .LBB2_9-.Ltmp1, $4  }
0x39: {  	s2 =	simm.s32 @!p1 $0x5  }
0x3a: {  	_ =	swait.ge @!p1 [sflag:s2], $0x13C0  }
0x3b: {  	[sflag:s2] =	ssyncset.done @!p1 $0x0  }
0x3c: {  	[sflag:s2] =	ssyncadd.s32 @!p1 $0xFFFFEC40  }
.LBB2_1:
.Ltmp2:
0x3d: {  	(pc) =	sbr.rel @p0 .LBB2_5-.Ltmp2, $4  }
0x3e: {  	s2 =	stileid.u32  }
0x3f: {  	s6 =	sshll.u32 @!p1 s2, $0x6;
	s2 =	rddreg [dreg:$0x6]  }
0x40: {  	s8 =	sshrl.u32 @p1 s2, $0x3;
	s2 =	rddreg [dreg:$0x4]  }
0x41: {  	s6 =	sor.u32 @!p1 $0x1C05, s6;
	s2 =	sshrl.u32 @!p1 s2, $0x3  }
0x42: {  	s11 =	simm.s32 @p1 $0x1FC5;
	s12 =	rddreg [dreg:$0xc]  }
0x43: {  	[spmem:s8], [sflag:s11] =	dma.local @p1 [hbm:s12], $0x1040  }
0x44: {  	s11 =	simm.s32 @p1 $0x5  }
0x45: {  	_ =	swait.ge @p1 [sflag:s11], $0x1040  }
0x46: {  	[sflag:s11] =	ssyncset.done @p1 $0x0  }
0x47: {  	[sflag:s11] =	ssyncadd.s32 @p1 $0xFFFFEFC0;
	s11 =	rddreg [dreg:$0xb]  }
0x48: {  	[spmem:s2], [sflag:s6] =	dma.local @!p1 [hbm:s11], $0x13C0  }
0x49: {  	s11 =	simm.s32 @!p1 $0x5  }
0x4a: {  	_ =	swait.ge @!p1 [sflag:s11], $0x13C0  }
0x4b: {  	[sflag:s11] =	ssyncset.done @!p1 $0x0  }
0x4c: {  	[sflag:s11] =	ssyncadd.s32 @!p1 $0xFFFFEC40  }
0x4d: {  	[bflag:$0x0] =	sbarrier.arrive $0xFFFF  }
0x4e: {  	[tilespmem:s3], [sflag:$0x5] =	stream.linear.gather [hbm4b:s10+s3], $0x270, $0x38;
	[tilespmem:$0x1DE40] =	vst v63  }
0x4f: {  	_ =	swait.ge [sflag:s22], $0x270  }
0x50: {  	[sflag:s22] =	ssyncset.done $0x0  }
0x51: {  	s12 =	rddreg [dreg:$0x8];
	[sflag:s22] =	ssyncadd.s32 $0xFFFFFD90  }
0x52: {  	[tilespmem:s23], [sflag:$0x5] =	stream.linear.gather [hbm4b:s12+s3], $0x270, $0x38;
	[tilespmem:$0x1DE40] =	vst v63  }
0x53: {  	_ =	swait.ge [sflag:s22], $0x270  }
0x54: {  	[sflag:s22] =	ssyncset.done $0x0  }
0x55: {  	[sflag:s22] =	ssyncadd.s32 $0xFFFFFD90  }
0x56: {  	[tilespmem:s24], [sflag:$0x1] =	stream.indirect.gather [hbm4b:s4+s23], $0x40, s3, s23, $0xb8;
	[tilespmem:$0x1DE40] =	vst v63  }
0x57: {  	s13 =	rddreg [dreg:$0x9]  }
0x58: {  	[tilespmem:s25], [sflag:$0x5] =	stream.linear.gather [hbm4b:s13+s3], $0x270, $0x38;
	[tilespmem:$0x1DE40] =	vst v63  }
0x59: {  	_ =	swait.ge [sflag:s22], $0x270  }
0x5a: {  	[sflag:s22] =	ssyncset.done $0x0  }
0x5b: {  	s12 =	rddreg [dreg:$0xa];
	[sflag:s22] =	ssyncadd.s32 $0xFFFFFD90  }
0x5c: {  	[tilespmem:s26], [sflag:$0x5] =	stream.linear.gather [hbm4b:s12+s3], $0x270, $0x38;
	[tilespmem:$0x1DE40] =	vst v63  }
0x5d: {  	_ =	swait.ge [sflag:s22], $0x270  }
0x5e: {  	[sflag:s22] =	ssyncset.done $0x0  }
0x5f: {  	[sflag:s22] =	ssyncadd.s32 $0xFFFFFD90  }
0x60: {  	[tilespmem:s28], [sflag:$0x3] =	stream.indirect.gather [hbm4b:s4+s23], $0x40, s25, s23, $0xb8;
	[tilespmem:$0x1DE40] =	vst v63  }
0x61: {  	_ =	swait.ge [sflag:s29], $0x9C00  }
0x62: {  	[sflag:s29] =	ssyncset.done $0x0  }
0x63: {  	[sflag:s29] =	ssyncadd.s32 $0xFFFF6400  }
0x64: {  	[spmem:s1] =	stream.indirect.scatter.add.f32 [tilespmem:s24], [sflag:$0x2], $0x40, s23, s23, $0xb8;
	[tilespmem:$0x1DE40] =	vst v63  }
0x65: {  	_ =	swait.ge [sflag:s30], $0x9C00  }
0x66: {  	[sflag:s30] =	ssyncset.done $0x0  }
0x67: {  	[sflag:s30] =	ssyncadd.s32 $0xFFFF6400  }
0x68: {  	[spmem:s1] =	stream.indirect.scatter.add.f32 [tilespmem:s28], [sflag:$0x4], $0x40, s26, s23, $0xb8;
	[tilespmem:$0x1DE40] =	vst v63  }
0x69: {  	_ =	swait.ge [sflag:s31], $0x9C00  }
0x6a: {  	s11 =	sadd.s32 $0xFFFFF6DC, s21;
	[sflag:s31] =	ssyncset.done $0x0  }
0x6b: {  	s13 =	sadd.s32 $0x9C0, s11;
	[sflag:s31] =	ssyncadd.s32 $0xFFFF6400  }
0x6c: {  	[tilespmem:s3], [sflag:$0x5] =	stream.linear.gather [hbm4b:s13+s3], $0x270, $0x38;
	[tilespmem:$0x1DE40] =	vst v63  }
0x6d: {  	_ =	swait.ge [sflag:s22], $0x270  }
0x6e: {  	[sflag:s22] =	ssyncset.done $0x0  }
0x6f: {  	s13 =	sadd.s32 $0xA600, s11;
	[sflag:s22] =	ssyncadd.s32 $0xFFFFFD90  }
0x70: {  	[tilespmem:s23], [sflag:$0x5] =	stream.linear.gather [hbm4b:s13+s3], $0x270, $0x38;
	[tilespmem:$0x1DE40] =	vst v63  }
0x71: {  	_ =	swait.ge [sflag:s22], $0x270  }
0x72: {  	[sflag:s22] =	ssyncset.done $0x0  }
0x73: {  	[sflag:s22] =	ssyncadd.s32 $0xFFFFFD90  }
0x74: {  	[tilespmem:s24], [sflag:$0x1] =	stream.indirect.gather [hbm4b:s4+s23], $0x40, s3, s23, $0xb8;
	[tilespmem:$0x1DE40] =	vst v63  }
0x75: {  	_ =	swait.ge [sflag:s0], $0x9C00  }
0x76: {  	[sflag:s0] =	ssyncset.done $0x0  }
0x77: {  	s13 =	sadd.s32 $0xA0E, s11;
	[sflag:s0] =	ssyncadd.s32 $0xFFFF6400  }
0x78: {  	[tilespmem:s25], [sflag:$0x5] =	stream.linear.gather [hbm4b:s13+s3], $0x270, $0x38;
	[tilespmem:$0x1DE40] =	vst v63  }
0x79: {  	_ =	swait.ge [sflag:s22], $0x270  }
0x7a: {  	[sflag:s22] =	ssyncset.done $0x0  }
0x7b: {  	s11 =	sadd.s32 $0xA64E, s11;
	[sflag:s22] =	ssyncadd.s32 $0xFFFFFD90  }
0x7c: {  	[tilespmem:s26], [sflag:$0x5] =	stream.linear.gather [hbm4b:s11+s3], $0x270, $0x38;
	[tilespmem:$0x1DE40] =	vst v63  }
0x7d: {  	_ =	swait.ge [sflag:s22], $0x270  }
0x7e: {  	[sflag:s22] =	ssyncset.done $0x0  }
0x7f: {  	[sflag:s22] =	ssyncadd.s32 $0xFFFFFD90  }
0x80: {  	[tilespmem:s28], [sflag:$0x3] =	stream.indirect.gather [hbm4b:s4+s23], $0x40, s25, s23, $0xb8;
	[tilespmem:$0x1DE40] =	vst v63  }
0x81: {  	_ =	swait.ge [sflag:s29], $0x9C00  }
0x82: {  	[sflag:s29] =	ssyncset.done $0x0  }
0x83: {  	[sflag:s29] =	ssyncadd.s32 $0xFFFF6400  }
0x84: {  	[spmem:s1] =	stream.indirect.scatter.add.f32 [tilespmem:s24], [sflag:$0x2], $0x40, s23, s23, $0xb8;
	[tilespmem:$0x1DE40] =	vst v63  }
0x85: {  	_ =	swait.ge [sflag:s30], $0x9C00  }
0x86: {  	[sflag:s30] =	ssyncset.done $0x0  }
0x87: {  	s11 =	simm.s32 $0xFFFFF778;
	[sflag:s30] =	ssyncadd.s32 $0xFFFF6400  }
.LBB2_3:
0x88: {  	[spmem:s1] =	stream.indirect.scatter.add.f32 [tilespmem:s28], [sflag:$0x4], $0x40, s26, s23, $0xb8;
	[tilespmem:$0x1DE40] =	vst v63  }
0x89: {  	s12 =	smov.u32 s11  }
0x8a: {  	p2 =	seq.s32 s11, $0xFFFFFF64;
	s11 =	sadd.s32 $0x9C, s11;
	_ =	swait.ge [sflag:s31], $0x9C00  }
0x8b: {  	s12 =	sadd.s32 s12, s21;
	[sflag:s31] =	ssyncset.done $0x0  }
0x8c: {  	s13 =	sadd.s32 $0x9C0, s12;
	[sflag:s31] =	ssyncadd.s32 $0xFFFF6400  }
0x8d: {  	[tilespmem:s3], [sflag:$0x5] =	stream.linear.gather [hbm4b:s13+s3], $0x270, $0x38;
	[tilespmem:$0x1DE40] =	vst v63  }
0x8e: {  	_ =	swait.ge [sflag:s22], $0x270  }
0x8f: {  	[sflag:s22] =	ssyncset.done $0x0  }
0x90: {  	s13 =	sadd.s32 $0xA600, s12;
	[sflag:s22] =	ssyncadd.s32 $0xFFFFFD90  }
0x91: {  	[tilespmem:s23], [sflag:$0x5] =	stream.linear.gather [hbm4b:s13+s3], $0x270, $0x38;
	[tilespmem:$0x1DE40] =	vst v63  }
0x92: {  	_ =	swait.ge [sflag:s22], $0x270  }
0x93: {  	[sflag:s22] =	ssyncset.done $0x0  }
0x94: {  	[sflag:s22] =	ssyncadd.s32 $0xFFFFFD90  }
0x95: {  	[tilespmem:s24], [sflag:$0x1] =	stream.indirect.gather [hbm4b:s4+s23], $0x40, s3, s23, $0xb8;
	[tilespmem:$0x1DE40] =	vst v63  }
0x96: {  	_ =	swait.ge [sflag:s0], $0x9C00  }
0x97: {  	[sflag:s0] =	ssyncset.done $0x0  }
0x98: {  	s13 =	sadd.s32 $0xA0E, s12;
	[sflag:s0] =	ssyncadd.s32 $0xFFFF6400  }
0x99: {  	[tilespmem:s25], [sflag:$0x5] =	stream.linear.gather [hbm4b:s13+s3], $0x270, $0x38;
	[tilespmem:$0x1DE40] =	vst v63  }
0x9a: {  	_ =	swait.ge [sflag:s22], $0x270  }
0x9b: {  	[sflag:s22] =	ssyncset.done $0x0  }
0x9c: {  	s12 =	sadd.s32 $0xA64E, s12;
	[sflag:s22] =	ssyncadd.s32 $0xFFFFFD90  }
0x9d: {  	[tilespmem:s26], [sflag:$0x5] =	stream.linear.gather [hbm4b:s12+s3], $0x270, $0x38;
	[tilespmem:$0x1DE40] =	vst v63  }
0x9e: {  	_ =	swait.ge [sflag:s22], $0x270  }
0x9f: {  	[sflag:s22] =	ssyncset.done $0x0  }
0xa0: {  	[sflag:s22] =	ssyncadd.s32 $0xFFFFFD90  }
0xa1: {  	[tilespmem:s28], [sflag:$0x3] =	stream.indirect.gather [hbm4b:s4+s23], $0x40, s25, s23, $0xb8;
	[tilespmem:$0x1DE40] =	vst v63  }
0xa2: {  	_ =	swait.ge [sflag:s29], $0x9C00  }
0xa3: {  	[sflag:s29] =	ssyncset.done $0x0  }
.Ltmp3:
0xa4: {  	[sflag:s29] =	ssyncadd.s32 $0xFFFF6400;
	(pc) =	sbr.rel @!p2 .LBB2_3-.Ltmp3, $4  }
0xa5: {  	[spmem:s1] =	stream.indirect.scatter.add.f32 [tilespmem:s24], [sflag:$0x2], $0x40, s23, s23, $0xb8;
	[tilespmem:$0x1DE40] =	vst v63  }
0xa6: {  	_ =	swait.ge [sflag:s30], $0x9C00  }
0xa7: {  	[sflag:s30] =	ssyncset.done $0x0  }
0xa8: {  	[sflag:s30] =	ssyncadd.s32 $0xFFFF6400  }
.Ltmp4:
0xa9: {  	(pc) =	sbr.rel .LBB2_8-.Ltmp4, $3  }
0xaa: {  	_ =	sdelay $0x1  }
0xab: {  	[spmem:s1] =	stream.indirect.scatter.add.f32 [tilespmem:s28], [sflag:$0x4], $0x40, s26, s23, $0xb8;
	[tilespmem:$0x1DE40] =	vst v63  }
0xac: {  	s11 =	smov.u32 s4  }
.LBB2_5:
0xad: {  	s11 =	simm.s32 @p1 $0x1FC5;
	s12 =	rddreg [dreg:$0x7]  }
0xae: {  	[spmem:s8], [sflag:s11] =	dma.local @p1 [hbm:s12], $0x1040  }
0xaf: {  	s11 =	simm.s32 @p1 $0x5  }
0xb0: {  	_ =	swait.ge @p1 [sflag:s11], $0x1040  }
0xb1: {  	[sflag:s11] =	ssyncset.done @p1 $0x0  }
0xb2: {  	[sflag:s11] =	ssyncadd.s32 @p1 $0xFFFFEFC0;
	s11 =	rddreg [dreg:$0x5]  }
0xb3: {  	[spmem:s2], [sflag:s6] =	dma.local @!p1 [hbm:s11], $0x13C0  }
0xb4: {  	s11 =	simm.s32 @!p1 $0x5  }
0xb5: {  	_ =	swait.ge @!p1 [sflag:s11], $0x13C0  }
0xb6: {  	[sflag:s11] =	ssyncset.done @!p1 $0x0  }
0xb7: {  	[sflag:s11] =	ssyncadd.s32 @!p1 $0xFFFFEC40  }
0xb8: {  	[bflag:$0x0] =	sbarrier.arrive $0xFFFF  }
0xb9: {  	[tilespmem:s3], [sflag:$0x5] =	stream.linear.gather [hbm4b:s10+s3], $0x270, $0x38;
	[tilespmem:$0x1DE40] =	vst v63  }
0xba: {  	_ =	swait.ge [sflag:s22], $0x270  }
0xbb: {  	[sflag:s22] =	ssyncset.done $0x0  }
0xbc: {  	s12 =	rddreg [dreg:$0x8];
	[sflag:s22] =	ssyncadd.s32 $0xFFFFFD90  }
0xbd: {  	[tilespmem:s23], [sflag:$0x5] =	stream.linear.gather [hbm4b:s12+s3], $0x270, $0x38;
	[tilespmem:$0x1DE40] =	vst v63  }
0xbe: {  	_ =	swait.ge [sflag:s22], $0x270  }
0xbf: {  	[sflag:s22] =	ssyncset.done $0x0  }
0xc0: {  	[sflag:s22] =	ssyncadd.s32 $0xFFFFFD90  }
0xc1: {  	[tilespmem:s24], [sflag:$0x1] =	stream.indirect.gather [hbm4b:s5+s23], $0x40, s3, s23, $0xb8;
	[tilespmem:$0x1DE40] =	vst v63  }
0xc2: {  	s13 =	rddreg [dreg:$0x9]  }
0xc3: {  	[tilespmem:s25], [sflag:$0x5] =	stream.linear.gather [hbm4b:s13+s3], $0x270, $0x38;
	[tilespmem:$0x1DE40] =	vst v63  }
0xc4: {  	_ =	swait.ge [sflag:s22], $0x270  }
0xc5: {  	[sflag:s22] =	ssyncset.done $0x0  }
0xc6: {  	s12 =	rddreg [dreg:$0xa];
	[sflag:s22] =	ssyncadd.s32 $0xFFFFFD90  }
0xc7: {  	[tilespmem:s26], [sflag:$0x5] =	stream.linear.gather [hbm4b:s12+s3], $0x270, $0x38;
	[tilespmem:$0x1DE40] =	vst v63  }
0xc8: {  	_ =	swait.ge [sflag:s22], $0x270  }
0xc9: {  	[sflag:s22] =	ssyncset.done $0x0  }
0xca: {  	[sflag:s22] =	ssyncadd.s32 $0xFFFFFD90  }
0xcb: {  	[tilespmem:s28], [sflag:$0x3] =	stream.indirect.gather [hbm4b:s5+s23], $0x40, s25, s23, $0xb8;
	[tilespmem:$0x1DE40] =	vst v63  }
0xcc: {  	_ =	swait.ge [sflag:s29], $0x9C00  }
0xcd: {  	[sflag:s29] =	ssyncset.done $0x0  }
0xce: {  	[sflag:s29] =	ssyncadd.s32 $0xFFFF6400  }
0xcf: {  	[spmem:s1] =	stream.indirect.scatter.add.f32 [tilespmem:s24], [sflag:$0x2], $0x40, s23, s23, $0xb8;
	[tilespmem:$0x1DE40] =	vst v63  }
0xd0: {  	_ =	swait.ge [sflag:s30], $0x9C00  }
0xd1: {  	[sflag:s30] =	ssyncset.done $0x0  }
0xd2: {  	[sflag:s30] =	ssyncadd.s32 $0xFFFF6400  }
0xd3: {  	[spmem:s1] =	stream.indirect.scatter.add.f32 [tilespmem:s28], [sflag:$0x4], $0x40, s26, s23, $0xb8;
	[tilespmem:$0x1DE40] =	vst v63  }
0xd4: {  	_ =	swait.ge [sflag:s31], $0x9C00  }
0xd5: {  	s11 =	sadd.s32 $0xFFFFF6DC, s21;
	[sflag:s31] =	ssyncset.done $0x0  }
0xd6: {  	s13 =	sadd.s32 $0x9C0, s11;
	[sflag:s31] =	ssyncadd.s32 $0xFFFF6400  }
0xd7: {  	[tilespmem:s3], [sflag:$0x5] =	stream.linear.gather [hbm4b:s13+s3], $0x270, $0x38;
	[tilespmem:$0x1DE40] =	vst v63  }
0xd8: {  	_ =	swait.ge [sflag:s22], $0x270  }
0xd9: {  	[sflag:s22] =	ssyncset.done $0x0  }
0xda: {  	s13 =	sadd.s32 $0xA600, s11;
	[sflag:s22] =	ssyncadd.s32 $0xFFFFFD90  }
0xdb: {  	[tilespmem:s23], [sflag:$0x5] =	stream.linear.gather [hbm4b:s13+s3], $0x270, $0x38;
	[tilespmem:$0x1DE40] =	vst v63  }
0xdc: {  	_ =	swait.ge [sflag:s22], $0x270  }
0xdd: {  	[sflag:s22] =	ssyncset.done $0x0  }
0xde: {  	[sflag:s22] =	ssyncadd.s32 $0xFFFFFD90  }
0xdf: {  	[tilespmem:s24], [sflag:$0x1] =	stream.indirect.gather [hbm4b:s5+s23], $0x40, s3, s23, $0xb8;
	[tilespmem:$0x1DE40] =	vst v63  }
0xe0: {  	_ =	swait.ge [sflag:s0], $0x9C00  }
0xe1: {  	[sflag:s0] =	ssyncset.done $0x0  }
0xe2: {  	s13 =	sadd.s32 $0xA0E, s11;
	[sflag:s0] =	ssyncadd.s32 $0xFFFF6400  }
0xe3: {  	[tilespmem:s25], [sflag:$0x5] =	stream.linear.gather [hbm4b:s13+s3], $0x270, $0x38;
	[tilespmem:$0x1DE40] =	vst v63  }
0xe4: {  	_ =	swait.ge [sflag:s22], $0x270  }
0xe5: {  	[sflag:s22] =	ssyncset.done $0x0  }
0xe6: {  	s11 =	sadd.s32 $0xA64E, s11;
	[sflag:s22] =	ssyncadd.s32 $0xFFFFFD90  }
0xe7: {  	[tilespmem:s26], [sflag:$0x5] =	stream.linear.gather [hbm4b:s11+s3], $0x270, $0x38;
	[tilespmem:$0x1DE40] =	vst v63  }
0xe8: {  	_ =	swait.ge [sflag:s22], $0x270  }
0xe9: {  	[sflag:s22] =	ssyncset.done $0x0  }
0xea: {  	[sflag:s22] =	ssyncadd.s32 $0xFFFFFD90  }
0xeb: {  	[tilespmem:s28], [sflag:$0x3] =	stream.indirect.gather [hbm4b:s5+s23], $0x40, s25, s23, $0xb8;
	[tilespmem:$0x1DE40] =	vst v63  }
0xec: {  	_ =	swait.ge [sflag:s29], $0x9C00  }
0xed: {  	[sflag:s29] =	ssyncset.done $0x0  }
0xee: {  	[sflag:s29] =	ssyncadd.s32 $0xFFFF6400  }
0xef: {  	[spmem:s1] =	stream.indirect.scatter.add.f32 [tilespmem:s24], [sflag:$0x2], $0x40, s23, s23, $0xb8;
	[tilespmem:$0x1DE40] =	vst v63  }
0xf0: {  	_ =	swait.ge [sflag:s30], $0x9C00  }
0xf1: {  	[sflag:s30] =	ssyncset.done $0x0  }
0xf2: {  	s11 =	simm.s32 $0xFFFFF778;
	[sflag:s30] =	ssyncadd.s32 $0xFFFF6400  }
.LBB2_6:
0xf3: {  	[spmem:s1] =	stream.indirect.scatter.add.f32 [tilespmem:s28], [sflag:$0x4], $0x40, s26, s23, $0xb8;
	[tilespmem:$0x1DE40] =	vst v63  }
0xf4: {  	s12 =	smov.u32 s11  }
0xf5: {  	p2 =	sne.s32 s11, $0xFFFFFF64;
	s11 =	sadd.s32 $0x9C, s11;
	_ =	swait.ge [sflag:s31], $0x9C00  }
0xf6: {  	s12 =	sadd.s32 s12, s21;
	[sflag:s31] =	ssyncset.done $0x0  }
0xf7: {  	s13 =	sadd.s32 $0x9C0, s12;
	[sflag:s31] =	ssyncadd.s32 $0xFFFF6400  }
0xf8: {  	[tilespmem:s3], [sflag:$0x5] =	stream.linear.gather [hbm4b:s13+s3], $0x270, $0x38;
	[tilespmem:$0x1DE40] =	vst v63  }
0xf9: {  	_ =	swait.ge [sflag:s22], $0x270  }
0xfa: {  	[sflag:s22] =	ssyncset.done $0x0  }
0xfb: {  	s13 =	sadd.s32 $0xA600, s12;
	[sflag:s22] =	ssyncadd.s32 $0xFFFFFD90  }
0xfc: {  	[tilespmem:s23], [sflag:$0x5] =	stream.linear.gather [hbm4b:s13+s3], $0x270, $0x38;
	[tilespmem:$0x1DE40] =	vst v63  }
0xfd: {  	_ =	swait.ge [sflag:s22], $0x270  }
0xfe: {  	[sflag:s22] =	ssyncset.done $0x0  }
0xff: {  	[sflag:s22] =	ssyncadd.s32 $0xFFFFFD90  }
0x100: {  	[tilespmem:s24], [sflag:$0x1] =	stream.indirect.gather [hbm4b:s5+s23], $0x40, s3, s23, $0xb8;
	[tilespmem:$0x1DE40] =	vst v63  }
0x101: {  	_ =	swait.ge [sflag:s0], $0x9C00  }
0x102: {  	[sflag:s0] =	ssyncset.done $0x0  }
0x103: {  	s13 =	sadd.s32 $0xA0E, s12;
	[sflag:s0] =	ssyncadd.s32 $0xFFFF6400  }
0x104: {  	[tilespmem:s25], [sflag:$0x5] =	stream.linear.gather [hbm4b:s13+s3], $0x270, $0x38;
	[tilespmem:$0x1DE40] =	vst v63  }
0x105: {  	_ =	swait.ge [sflag:s22], $0x270  }
0x106: {  	[sflag:s22] =	ssyncset.done $0x0  }
0x107: {  	s12 =	sadd.s32 $0xA64E, s12;
	[sflag:s22] =	ssyncadd.s32 $0xFFFFFD90  }
0x108: {  	[tilespmem:s26], [sflag:$0x5] =	stream.linear.gather [hbm4b:s12+s3], $0x270, $0x38;
	[tilespmem:$0x1DE40] =	vst v63  }
0x109: {  	_ =	swait.ge [sflag:s22], $0x270  }
0x10a: {  	[sflag:s22] =	ssyncset.done $0x0  }
0x10b: {  	[sflag:s22] =	ssyncadd.s32 $0xFFFFFD90  }
0x10c: {  	[tilespmem:s28], [sflag:$0x3] =	stream.indirect.gather [hbm4b:s5+s23], $0x40, s25, s23, $0xb8;
	[tilespmem:$0x1DE40] =	vst v63  }
0x10d: {  	_ =	swait.ge [sflag:s29], $0x9C00  }
0x10e: {  	[sflag:s29] =	ssyncset.done $0x0  }
.Ltmp5:
0x10f: {  	[sflag:s29] =	ssyncadd.s32 $0xFFFF6400;
	(pc) =	sbr.rel @p2 .LBB2_6-.Ltmp5, $4  }
0x110: {  	[spmem:s1] =	stream.indirect.scatter.add.f32 [tilespmem:s24], [sflag:$0x2], $0x40, s23, s23, $0xb8;
	[tilespmem:$0x1DE40] =	vst v63  }
0x111: {  	_ =	swait.ge [sflag:s30], $0x9C00  }
0x112: {  	[sflag:s30] =	ssyncset.done $0x0  }
0x113: {  	[sflag:s30] =	ssyncadd.s32 $0xFFFF6400  }
.Ltmp6:
0x114: {  	_ = 	snop;
	(pc) =	sbr.rel .LBB2_7-.Ltmp6, $1  }
0x115: {  	_ =	sdelay $0x3  }
.LBB2_9:
0x116: {  	_ =	sfence.sel $0x180000  }
0x117: {  	[bflag:$0x0] =	sbarrier.arrive $0xFFFF  }
0x118: {  	_ =	strace $0x9000004A  }
0x119: {  	s0 =	stileid.u32;
	[bflag:$0x2] =	sbarrier.arrive $0xFFFF  }
0x11a: {  	p0 =	sne.s32 s0, $0x0;
	s0 =	rddreg [dreg:$0x3]  }
0x11b: {  	s0 =	sadd.s32 @!p0 $0x100000, s0  }
0x11c: {  	[sflag:s0] =	ssyncadd.tile.s32 @!p0 $0x1;
	_ =	shalt  }
.Lfunc_end2:
_tile_overlayer_lowered:
.L_overlay_start_2:
0x11d: {  	(tag) =	ssettag $0x2  }
0x11e: {  	s0 =	rddreg [dreg:$0x0];
	s2 =	stileid.u32  }
0x11f: {  	s1 =	rddreg [dreg:$0x1];
	p0 =	sne.s32 s2, $0x0  }
0x120: {  	s3 =	rddreg [dreg:$0x2];
	[bflag:$0x3] =	sbarrier.arrive $0xFFFF;
	s2 =	simm.s32 @!p0 $0x1C05  }
0x121: {  	[timem:s3], [sflag:s2] =	dma.local @!p0 [hbm:s0], s1  }
0x122: {  	s0 =	simm.s32 @!p0 $0x5  }
0x123: {  	_ =	swait.ge @!p0 [sflag:s0], s1  }
0x124: {  	s1 =	ssub.s32 @!p0 $0x0, s1;
	[sflag:s0] =	ssyncset.done @!p0 $0x0  }
0x125: {  	[sflag:s0] =	ssyncadd.s32 @!p0 s1  }
0x126: {  	[bflag:$0x3] =	sbarrier.arrive $0xFFFF  }
0x127: {  	_ =	shalt  }

// kernel: kernel.14.cloned.1.call-start
scs
__scs_entry_jumppad:
0x0: {  	(pc) =	sbr.rel $0x88, $3  }
0x1: {  	(tag) =	ssettag $0x0;
	lr =	simm.s32 $0x1  }
0x2: {  	[smem:$0x3F9B] =	sst lr;
	_ =	strace $0xD0000000  }
0x3: {  	_ = 	snop  }
0x4: {  	_ = 	snop  }
0x5: {  	_ = 	snop  }
0x6: {  	_ = 	snop  }
0x7: {  	_ = 	snop  }
__scs_overlays_trampoline_lowered:
0x8: {  	[smem:$0x3FAA] =	sst s0  }
0x9: {  	[smem:$0x3FAB] =	sst s1  }
0xa: {  	[smem:$0x3FAC] =	sst s2  }
0xb: {  	[smem:$0x3FAD] =	sst s3  }
0xc: {  	[smem:$0x3FAE] =	sst s4  }
0xd: {  	[smem:$0x3FAF] =	sst s5  }
0xe: {  	[smem:$0x3FB0] =	sst s6  }
0xf: {  	[smem:$0x3FB1] =	sst s7  }
0x10: {  	[smem:$0x3FB2] =	sst s8  }
0x11: {  	[smem:$0x3FB3] =	sst s9;
	s0 =	simm.s32 @!p0 $0x0  }
0x12: {  	s1 =	sld [smem:$0x3F99];
	s0 =	simm.s32 @p0 $0x1  }
0x13: {  	[smem:$0x3FB4] =	sst s0;
	s0 =	simm.s32 @!p1 $0x0  }
0x14: {  	s2 =	sld [smem:$0x3F98];
	s0 =	simm.s32 @p1 $0x1  }
0x15: {  	[smem:$0x3FB5] =	sst s0;
	s0 =	simm.s32 @!p2 $0x0  }
0x16: {  	s3 =	sld [smem:$0x3FDB];
	s0 =	simm.s32 @p2 $0x1  }
0x17: {  	s4 =	simm.s32 $0x1BF5;
	[smem:$0x3FB7] =	sst s0  }
0x18: {  	s0 =	sld [smem:$0x3F9A];
	_ =	swait.ge [sflag:s4], $0x0  }
0x19: {  	s7 =	sld [smem:$0x3F9B]  }
0x1a: {  	s8 =	sadd.s32 $0xFFFFE003, lr  }
0x1b: {  	s9 =	sadd.s32 $0xFFFFFEF7, lr;
	s5 =	simm.s32 $0xFFFFFFFF;
	p2 =	slt.u32 s8, $0xFFFFF086  }
0x1c: {  	p1 =	slt.u32 s9, $0xF7A;
	s5 =	simm.s32 @!p2 $0x0  }
0x1d: {  	s5 =	simm.s32 @p1 $0x1;
	p0 =	seq.s32 s7, s2  }
0x1e: {  	s7 =	smul.u32 @!p0 $0xF7A, s2;
	p2 =	seq.s32 @!p0 s5, $0x0  }
0x1f: {  	s9 =	smul.u32 $0xF7A, s1;
	s8 =	simm.s32 @!p0 $0x1BF5;
	p2 =	por !p2, p0  }
0x20: {  	[sflag:s8] =	ssyncset.s32 @!p0 $0xFFFFF086;
	s6 =	sadd.s32 @!p0 s3, s7;
	s7 =	simm.s32 @!p0 $0x108  }
0x21: {  	s3 =	sadd.s32 s3, s9;
	s6 =	sadd.s32 @!p0 $0x88, s6;
	s7 =	simm.s32 @p2 $0x1082  }
0x22: {  	[simem:s7], [sflag:s8] =	dma.local @!p0 [hbm:s6], $0xF7A  }
0x23: {  	s9 =	sor.u32 $0xD0000000, s2;
	s6 =	simm.s32 $0x108;
	_ =	swait.ge @!p0 [sflag:s8], $0x0  }
0x24: {  	s3 =	sadd.s32 $0x88, s3;
	s6 =	simm.s32 @!p1 $0x1082;
	[sflag:s4] =	ssyncset.s32 $0xFFFFF086  }
0x25: {  	[simem:s6], [sflag:s4] =	dma.local [hbm:s3], $0xF7A  }
0x26: {  	[smem:$0x3F9B] =	sst s1;
	(tag) =	ssettag s2;
	_ =	strace s9  }
0x27: {  	s1 =	sld [smem:$0x3FAB]  }
0x28: {  	s2 =	sld [smem:$0x3FAC]  }
0x29: {  	s4 =	sld [smem:$0x3FAE]  }
0x2a: {  	p0 =	seq.s32 s5, $0x0;
	s5 =	sld [smem:$0x3FAF]  }
0x2b: {  	s6 =	sld [smem:$0x3FB0]  }
0x2c: {  	s7 =	sld [smem:$0x3FB1]  }
0x2d: {  	s3 =	simm.s32 $0x108;
	s8 =	sld [smem:$0x3FB2]  }
0x2e: {  	s3 =	simm.s32 @!p0 $0x1082;
	s9 =	sld [smem:$0x3FB3]  }
0x2f: {  	lr =	sadd.s32 s0, s3;
	s0 =	sld [smem:$0x3FAA]  }
0x30: {  	s3 =	sld [smem:$0x3FAD]  }
0x31: {  	[smem:$0x3FB6] =	sst s10  }
0x32: {  	s10 =	sld [smem:$0x3FB4];
	_ =	sdelay $0x3  }
0x33: {  	p0 =	seq.s32 s10, $0x1;
	s10 =	sld [smem:$0x3FB6];
	_ =	sdelay $0x3  }
0x34: {  	[smem:$0x3FB6] =	sst s10  }
0x35: {  	s10 =	sld [smem:$0x3FB5];
	_ =	sdelay $0x3  }
0x36: {  	p1 =	seq.s32 s10, $0x1;
	s10 =	sld [smem:$0x3FB6];
	_ =	sdelay $0x3  }
0x37: {  	[smem:$0x3FB6] =	sst s10  }
0x38: {  	s10 =	sld [smem:$0x3FB7]  }
0x39: {  	_ = 	snop;
	(pc) =	sbr.ind lr, $3  }
0x3a: {  	_ = 	snop  }
0x3b: {  	_ = 	snop  }
0x3c: {  	p2 =	seq.s32 s10, $0x1;
	s10 =	sld [smem:$0x3FB6]  }
0x3d: {  	_ =	shalt  }
0x3e: {  	_ =	shalt  }
0x3f: {  	_ =	shalt  }
0x40: {  	_ =	shalt  }
0x41: {  	_ =	shalt  }
0x42: {  	_ =	shalt  }
0x43: {  	_ =	shalt  }
0x44: {  	_ =	shalt  }
0x45: {  	_ =	shalt  }
0x46: {  	_ =	shalt  }
0x47: {  	_ =	shalt  }
0x48: {  	_ =	shalt  }
0x49: {  	_ =	shalt  }
0x4a: {  	_ =	shalt  }
0x4b: {  	_ =	shalt  }
0x4c: {  	_ =	shalt  }
0x4d: {  	_ =	shalt  }
0x4e: {  	_ =	shalt  }
0x4f: {  	_ =	shalt  }
0x50: {  	_ =	shalt  }
0x51: {  	_ =	shalt  }
0x52: {  	_ =	shalt  }
0x53: {  	_ =	shalt  }
0x54: {  	_ =	shalt  }
0x55: {  	_ =	shalt  }
0x56: {  	_ =	shalt  }
0x57: {  	_ =	shalt  }
0x58: {  	_ =	shalt  }
0x59: {  	_ =	shalt  }
0x5a: {  	_ =	shalt  }
0x5b: {  	_ =	shalt  }
0x5c: {  	_ =	shalt  }
0x5d: {  	_ =	shalt  }
0x5e: {  	_ =	shalt  }
0x5f: {  	_ =	shalt  }
0x60: {  	_ =	shalt  }
0x61: {  	_ =	shalt  }
0x62: {  	_ =	shalt  }
0x63: {  	_ =	shalt  }
0x64: {  	_ =	shalt  }
0x65: {  	_ =	shalt  }
0x66: {  	_ =	shalt  }
0x67: {  	_ =	shalt  }
0x68: {  	_ =	shalt  }
0x69: {  	_ =	shalt  }
0x6a: {  	_ =	shalt  }
0x6b: {  	_ =	shalt  }
0x6c: {  	_ =	shalt  }
0x6d: {  	_ =	shalt  }
0x6e: {  	_ =	shalt  }
0x6f: {  	_ =	shalt  }
0x70: {  	_ =	shalt  }
0x71: {  	_ =	shalt  }
0x72: {  	_ =	shalt  }
0x73: {  	_ =	shalt  }
0x74: {  	_ =	shalt  }
0x75: {  	_ =	shalt  }
0x76: {  	_ =	shalt  }
0x77: {  	_ =	shalt  }
0x78: {  	_ =	shalt  }
0x79: {  	_ =	shalt  }
0x7a: {  	_ =	shalt  }
0x7b: {  	_ =	shalt  }
0x7c: {  	_ =	shalt  }
0x7d: {  	_ =	shalt  }
0x7e: {  	_ =	shalt  }
0x7f: {  	_ =	shalt  }
0x80: {  	_ =	shalt  }
0x81: {  	_ =	shalt  }
0x82: {  	_ =	shalt  }
0x83: {  	_ =	shalt  }
0x84: {  	_ =	shalt  }
0x85: {  	_ =	shalt  }
0x86: {  	_ =	shalt  }
0x87: {  	_ =	shalt  }
.Lfunc_end0:
.L_simem_size_0:
called_computation.2_lowered:
.L_overlay_start_0:
0x88: {  	s2 =	sld [smem:$0x3FD9]  }
0x89: {  	s3 =	sld [smem:$0x3FFE];
	_ =	sdelay $0x1  }
0x8a: {  	s1 =	srdreg.scid  }
0x8b: {  	s0 =	sand.u32 $0x1, s1  }
0x8c: {  	s17 =	sshll.u32 s0, $0xA;
	s2 =	sadd.s32 s3, s2  }
0x8d: {  	s2 =	sadd.s32 s2, s17  }
0x8e: {  	[smem:$0x3FC2] =	sst s2  }
0x8f: {  	_ = 	snop  }
0x90: {  	s2 =	sld [smem:$0x3FD0];
	(tm) =	ssettm $0x1  }
0x91: {  	s18 =	sld [smem:$0x3FFB];
	_ =	sdelay $0x3  }
0x92: {  	_ =	strace s18  }
0x93: {  	s3 =	sld [smem:$0x3FFC];
	_ =	sdelay $0x3  }
0x94: {  	_ =	strace s3  }
0x95: {  	s3 =	sld [smem:$0x3FFD];
	_ =	sdelay $0x3  }
0x96: {  	_ =	strace s3  }
0x97: {  	_ =	strace $0x8FFFFFFF  }
0x98: {  	s19 =	sld [smem:$0x3FDB];
	_ =	sdelay $0x1  }
0x99: {  	s4 =	simm.s32 $_scs_section_size  }
0x9a: {  	s5 =	simm.s32 $_size__tile_overlayer_lowered;
	s6 =	simm.s32 $_tile_overlayer_lowered  }
0x9b: {  	s22 =	simm.s32 $0x1BFF;
	s21 =	sshll.u32 s6, $0x1;
	s3 =	sadd.s32 s4, s19  }
0x9c: {  	s7 =	simm.s32 $0x0;
	s20 =	sshll.u32 s5, $0x1;
	s5 =	sadd.s32 s21, s3  }
0x9d: {  	[timem:s7], [sflag:s22] =	dma.local [hbm:s5], s20  }
0x9e: {  	_ =	swait.ge [sflag:s22], s20  }
0x9f: {  	s4 =	ssub.s32 $0x0, s20;
	[sflag:s22] =	ssyncset.done $0x0  }
0xa0: {  	[sflag:s22] =	ssyncadd.s32 s4;
	_ =	sdelay $0x1  }
0xa1: {  	s23 =	simm.s32 $0x1B8B  }
0xa2: {  	_ =	swait.ge [sflag:s23], $0x1  }
0xa3: {  	[sflag:s23] =	ssyncset.done $0x0  }
0xa4: {  	s25 =	simm.s32 $0x1B8E;
	s24 =	sld [smem:$0x3FFE];
	[sflag:s23] =	ssyncadd.s32 $0xFFFFFFFF  }
0xa5: {  	s26 =	simm.s32 $execute0_lowered;
	[smem:$0x3FD2] =	sst s25  }
0xa6: {  	s5 =	sshll.u32 s26, $0x1;
	_ =	strace $0x8000004C;
	[dreg:$0x1] =	wrdreg $0xFFFFFFFF  }
0xa7: {  	s28 =	simm.s32 $_size_execute0_lowered;
	s3 =	sadd.s32 s3, s5;
	[dreg:$0x0] =	wrdreg $0x0  }
0xa8: {  	s5 =	sshll.u32 s28, $0x1;
	[dreg:$0x2] =	wrdreg s3  }
0xa9: {  	[dreg:$0x3] =	wrdreg s5  }
0xaa: {  	[dreg:$0x4] =	wrdreg $0xC0  }
0xab: {  	_ =	task [dreg:s7], $0x5FFFF  }
0xac: {  	[dreg:$0x1] =	wrdreg $0xFFFFFFFF  }
0xad: {  	[dreg:$0x0] =	wrdreg $0x60  }
0xae: {  	[dreg:$0x2] =	wrdreg s2  }
0xaf: {  	[dreg:$0x3] =	wrdreg s24  }
0xb0: {  	[dreg:$0x4] =	wrdreg $0x141E00  }
0xb1: {  	[dreg:$0x5] =	wrdreg $0x9  }
0xb2: {  	_ =	task.clear_ibuf [dreg:s7], $0x6FFFF;
	_ =	strace $0x9000004C  }
0xb3: {  	s29 =	simm.s32 $0x9;
	_ =	strace $0x8000004E  }
0xb4: {  	_ =	swait.ge [sflag:s29], $0x1  }
0xb5: {  	[sflag:s29] =	ssyncadd.s32 $0xFFFFFFFF  }
0xb6: {  	_ =	strace $0x9000004E  }
0xb7: {  	_ =	sfence  }
0xb8: {  	s30 =	sld [smem:$0x0];
	_ =	sdelay $0x2  }
0xb9: {  	s31 =	sshll.u32 s1, $0xD;
	s1 =	sshrl.u32 s1, $0x2  }
0xba: {  	s3 =	sand.u32 $0x4000, s31;
	s1 =	sadd.s32 s1, s30  }
0xbb: {  	s0 =	sor.u32 s3, s0;
	s1 =	sshll.u32 s1, $0x11  }
0xbc: {  	s0 =	sor.u32 s1, s0  }
0xbd: {  	s0 =	sadd.s32 $0x8F2B, s0  }
0xbe: {  	[sflag:s0] =	ssyncadd.remote.s32 $0x1  }
0xbf: {  	_ =	sfence.sel $0xFFFF  }
0xc0: {  	[dreg:$0x0] =	wrdreg $0xFFFFFFFF;
	(pc) =	sbr.abs _section_cstart, $3  }
0xc1: {  	[dreg:$0x1] =	wrdreg $0xFFFFFFFF  }
0xc2: {  	_ =	task.clear_ibuf [dreg:s7], $0x2FFFF;
	_ =	strace $0x9FFFFFFF  }
0xc3: {  	(tm) =	ssettm $0x7FFFFFFF  }
tec
execute0_lowered:
.L_overlay_start_1:
0x0: {  	(tag) =	ssettag $0x1  }
0x1: {  	s1 =	rddreg [dreg:$0x0]  }
0x2: {  	s0 =	rddreg [dreg:$0x1]  }
0x3: {  	s2 =	rddreg [dreg:$0x2];
	s3 =	simm.s32 $0x0;
	s4 =	srdreg.scid  }
0x4: {  	s12 =	stileid.u32;
	s28 =	simm.s32 $0xA350;
	s29 =	simm.s32 $0xA5C0  }
0x5: {  	s30 =	simm.s32 $0x1;
	s31 =	simm.s32 $0x3;
	[smem:$0x7FF] =	sst s3  }
0x6: {  	s4 =	sand.u32 $0x1, s4;
	s9 =	smul.u32 $0x9E00, s12;
	s10 =	sadd.s32 $0x15A00, s0  }
0x7: {  	s17 =	smul.u32 $0x2710, s12;
	p0 =	seq.s32 s12, $0xF;
	_ =	strace $0x8000004D  }
0x8: {  	s5 =	sshll.u32 s4, $0x4;
	s6 =	ssub.s32 $0x2, s4;
	s26 =	smul.u32 $0x9C400, s4  }
0x9: {  	s14 =	smul.u32 $0x27100, s4;
	s7 =	sor.u32 s12, s5;
	s5 =	sadd.s32 $0x2000, s0  }
0xa: {  	s8 =	sshrl.u32 s6, $0x1;
	s25 =	sshrl.u32 s9, $0x3;
	s11 =	sadd.s32 s9, s2  }
0xb: {  	s0 =	sadd.s32 $0x14840, s0;
	s7 =	smul.u32 $0x2710, s7;
	s6 =	ssub.s32 s6, s8  }
0xc: {  	[dreg:$0x4] =	wrdreg s11;
	s8 =	sadd.s32 s5, s25;
	s11 =	sadd.s32 $0x94200, s2  }
0xd: {  	[dreg:$0x6] =	wrdreg s0;
	s9 =	sadd.s32 s9, s26;
	s0 =	sadd.s32 s17, s14  }
0xe: {  	[dreg:$0x5] =	wrdreg s8;
	s9 =	sshrl.u32 s9, $0x3;
	s21 =	sadd.s32 $0x4E950, s0  }
0xf: {  	s17 =	smax.u32 s6, $0x1;
	s23 =	sadd.s32 $0x4E6E0, s0;
	s24 =	sadd.s32 $0x750, s0  }
0x10: {  	s6 =	simm.s32 $0x141C0;
	s7 =	sshrl.u32 s7, $0x3;
	s19 =	sadd.s32 s10, s9  }
0x11: {  	s22 =	sshrl.u32 s21, $0x3;
	s25 =	sshrl.u32 s23, $0x3;
	s23 =	simm.s32 $0x5  }
0x12: {  	s9 =	simm.s32 $0x10;
	s8 =	sadd.s32 s1, s7;
	s7 =	sshrl.u32 s26, $0x3  }
0x13: {  	[dreg:$0xc] =	wrdreg s19;
	s19 =	sadd.s32 $0x4E0, s0;
	s26 =	sshrl.u32 s24, $0x3  }
0x14: {  	s24 =	simm.s32 $0x270;
	s0 =	simm.s32 $0x2;
	s13 =	sadd.s32 $0x9C40, s8  }
0x15: {  	s15 =	sadd.s32 $0x4E, s8;
	s16 =	sadd.s32 $0x9C8E, s8;
	s18 =	sadd.s32 $0xA120, s8  }
0x16: {  	s20 =	sadd.s32 s10, s7;
	s21 =	sadd.s32 s26, s1;
	[dreg:$0x7] =	wrdreg s13  }
0x17: {  	s26 =	simm.s32 $0xA0E0;
	s7 =	simm.s32 $0x141D0;
	[dreg:$0x8] =	wrdreg s15  }
0x18: {  	s10 =	simm.s32 $0x0;
	[dreg:$0x9] =	wrdreg s16;
	s13 =	sadd.s32 $0x4E0, s8  }
0x19: {  	[dreg:$0xb] =	wrdreg s18;
	s4 =	sadd.s32 $0x12840, s20;
	s18 =	sadd.s32 s22, s1  }
0x1a: {  	s20 =	sadd.s32 s25, s1;
	s22 =	sshrl.u32 @p0 s11, $0x3;
	[dreg:$0xa] =	wrdreg s13  }
0x1b: {  	s25 =	simm.s32 $0x4E0;
	[dreg:$0xd] =	wrdreg s4;
	s4 =	simm.s32 $0x4  }
.LBB2_1:
0x1c: {  	s11 =	simm.s32 @p0 $0x1FC5;
	s12 =	rddreg [dreg:$0x6]  }
0x1d: {  	[spmem:s22], [sflag:s11] =	dma.local @p0 [hbm:s12], $0x1040  }
0x1e: {  	s11 =	simm.s32 @p0 $0x5  }
0x1f: {  	s12 =	stileid.u32;
	_ =	swait.ge @p0 [sflag:s11], $0x1040  }
0x20: {  	s12 =	sshll.u32 @!p0 s12, $0x6;
	[sflag:s11] =	ssyncset.done @p0 $0x0  }
0x21: {  	[sflag:s11] =	ssyncadd.s32 @p0 $0xFFFFEFC0;
	s11 =	sor.u32 @!p0 $0x1C05, s12;
	s12 =	rddreg [dreg:$0x4]  }
0x22: {  	s13 =	rddreg [dreg:$0x5];
	s12 =	sshrl.u32 @!p0 s12, $0x3  }
0x23: {  	[spmem:s12], [sflag:s11] =	dma.local @!p0 [hbm:s13], $0x13C0  }
0x24: {  	s13 =	simm.s32 @!p0 $0x5  }
0x25: {  	_ =	swait.ge @!p0 [sflag:s13], $0x13C0  }
0x26: {  	[sflag:s13] =	ssyncset.done @!p0 $0x0  }
0x27: {  	[sflag:s13] =	ssyncadd.s32 @!p0 $0xFFFFEC40  }
0x28: {  	[bflag:$0x0] =	sbarrier.arrive $0xFFFF  }
0x29: {  	[tilespmem:s3], [sflag:$0x5] =	stream.linear.gather [hbm4b:s8+s3], $0x270, $0x38;
	[tilespmem:$0x1DE20] =	vst v63  }
0x2a: {  	_ =	swait.ge [sflag:s23], $0x270  }
0x2b: {  	[sflag:s23] =	ssyncset.done $0x0  }
0x2c: {  	s16 =	rddreg [dreg:$0x7];
	[sflag:s23] =	ssyncadd.s32 $0xFFFFFD90  }
0x2d: {  	[tilespmem:s24], [sflag:$0x5] =	stream.linear.gather [hbm4b:s16+s3], $0x270, $0x38;
	[tilespmem:$0x1DE20] =	vst v63  }
0x2e: {  	_ =	swait.ge [sflag:s23], $0x270  }
0x2f: {  	[sflag:s23] =	ssyncset.done $0x0  }
0x30: {  	[sflag:s23] =	ssyncadd.s32 $0xFFFFFD90  }
0x31: {  	[tilespmem:s25], [sflag:$0x1] =	stream.indirect.gather [hbm4b:s5+s24], $0x40, s3, s24, $0xb8;
	[tilespmem:$0x1DE20] =	vst v63  }
0x32: {  	s14 =	rddreg [dreg:$0x8]  }
0x33: {  	[tilespmem:s26], [sflag:$0x5] =	stream.linear.gather [hbm4b:s14+s3], $0x270, $0x38;
	[tilespmem:$0x1DE20] =	vst v63  }
0x34: {  	_ =	swait.ge [sflag:s23], $0x270  }
0x35: {  	[sflag:s23] =	ssyncset.done $0x0  }
0x36: {  	s15 =	rddreg [dreg:$0x9];
	[sflag:s23] =	ssyncadd.s32 $0xFFFFFD90  }
0x37: {  	[tilespmem:s28], [sflag:$0x5] =	stream.linear.gather [hbm4b:s15+s3], $0x270, $0x38;
	[tilespmem:$0x1DE20] =	vst v63  }
0x38: {  	_ =	swait.ge [sflag:s23], $0x270  }
0x39: {  	[sflag:s23] =	ssyncset.done $0x0  }
0x3a: {  	[sflag:s23] =	ssyncadd.s32 $0xFFFFFD90  }
0x3b: {  	[tilespmem:s29], [sflag:$0x3] =	stream.indirect.gather [hbm4b:s5+s24], $0x40, s26, s24, $0xb8;
	[tilespmem:$0x1DE20] =	vst v63  }
0x3c: {  	_ =	swait.ge [sflag:s30], $0x9C00  }
0x3d: {  	[sflag:s30] =	ssyncset.done $0x0  }
0x3e: {  	[sflag:s30] =	ssyncadd.s32 $0xFFFF6400  }
0x3f: {  	[spmem:s2] =	stream.indirect.scatter.add.f32 [tilespmem:s25], [sflag:$0x2], $0x40, s24, s24, $0xb8;
	[tilespmem:$0x1DE20] =	vst v63  }
0x40: {  	_ =	swait.ge [sflag:s31], $0x9C00  }
0x41: {  	[sflag:s31] =	ssyncset.done $0x0  }
0x42: {  	[sflag:s31] =	ssyncadd.s32 $0xFFFF6400  }
0x43: {  	[spmem:s2] =	stream.indirect.scatter.add.f32 [tilespmem:s29], [sflag:$0x4], $0x40, s28, s24, $0xb8;
	[tilespmem:$0x1DE20] =	vst v63  }
0x44: {  	_ =	swait.ge [sflag:s0], $0x9C00  }
0x45: {  	s16 =	sshrl.u32 s19, $0x3;
	[sflag:s0] =	ssyncset.done $0x0  }
0x46: {  	s13 =	sadd.s32 s1, s16;
	[sflag:s0] =	ssyncadd.s32 $0xFFFF6400  }
0x47: {  	[tilespmem:s3], [sflag:$0x5] =	stream.linear.gather [hbm4b:s13+s3], $0x270, $0x38;
	[tilespmem:$0x1DE20] =	vst v63  }
0x48: {  	_ =	swait.ge [sflag:s23], $0x270  }
0x49: {  	[sflag:s23] =	ssyncset.done $0x0  }
0x4a: {  	s14 =	sadd.s32 $0x0, s20;
	[sflag:s23] =	ssyncadd.s32 $0xFFFFFD90  }
0x4b: {  	[tilespmem:s24], [sflag:$0x5] =	stream.linear.gather [hbm4b:s14+s3], $0x270, $0x38;
	[tilespmem:$0x1DE20] =	vst v63  }
0x4c: {  	_ =	swait.ge [sflag:s23], $0x270  }
0x4d: {  	[sflag:s23] =	ssyncset.done $0x0  }
0x4e: {  	[sflag:s23] =	ssyncadd.s32 $0xFFFFFD90  }
0x4f: {  	[tilespmem:s25], [sflag:$0x1] =	stream.indirect.gather [hbm4b:s5+s24], $0x40, s3, s24, $0xb8;
	[tilespmem:$0x1DE20] =	vst v63  }
0x50: {  	_ =	swait.ge [sflag:s4], $0x9C00  }
0x51: {  	[sflag:s4] =	ssyncset.done $0x0  }
0x52: {  	s15 =	sadd.s32 $0x0, s21;
	[sflag:s4] =	ssyncadd.s32 $0xFFFF6400  }
0x53: {  	[tilespmem:s26], [sflag:$0x5] =	stream.linear.gather [hbm4b:s15+s3], $0x270, $0x38;
	[tilespmem:$0x1DE20] =	vst v63  }
0x54: {  	_ =	swait.ge [sflag:s23], $0x270  }
0x55: {  	[sflag:s23] =	ssyncset.done $0x0  }
0x56: {  	s16 =	sadd.s32 $0x0, s18;
	[sflag:s23] =	ssyncadd.s32 $0xFFFFFD90  }
0x57: {  	[tilespmem:s28], [sflag:$0x5] =	stream.linear.gather [hbm4b:s16+s3], $0x270, $0x38;
	[tilespmem:$0x1DE20] =	vst v63  }
0x58: {  	_ =	swait.ge [sflag:s23], $0x270  }
0x59: {  	[sflag:s23] =	ssyncset.done $0x0  }
0x5a: {  	[sflag:s23] =	ssyncadd.s32 $0xFFFFFD90  }
0x5b: {  	[tilespmem:s29], [sflag:$0x3] =	stream.indirect.gather [hbm4b:s5+s24], $0x40, s26, s24, $0xb8;
	[tilespmem:$0x1DE20] =	vst v63  }
0x5c: {  	_ =	swait.ge [sflag:s30], $0x9C00  }
0x5d: {  	[sflag:s30] =	ssyncset.done $0x0  }
0x5e: {  	[sflag:s30] =	ssyncadd.s32 $0xFFFF6400  }
0x5f: {  	[spmem:s2] =	stream.indirect.scatter.add.f32 [tilespmem:s25], [sflag:$0x2], $0x40, s24, s24, $0xb8;
	[tilespmem:$0x1DE20] =	vst v63  }
0x60: {  	_ =	swait.ge [sflag:s31], $0x9C00  }
0x61: {  	[sflag:s31] =	ssyncset.done $0x0  }
0x62: {  	s13 =	simm.s32 $0x9C;
	s14 =	sadd.s32 $0x4E0, s19;
	[sflag:s31] =	ssyncadd.s32 $0xFFFF6400  }
.LBB2_2:
0x63: {  	[spmem:s2] =	stream.indirect.scatter.add.f32 [tilespmem:s29], [sflag:$0x4], $0x40, s28, s24, $0xb8;
	[tilespmem:$0x1DE20] =	vst v63  }
0x64: {  	s15 =	smov.u32 s13  }
0x65: {  	p1 =	sne.s32 s13, $0x3A8;
	s13 =	sadd.s32 $0x9C, s13;
	_ =	swait.ge [sflag:s0], $0x9C00  }
0x66: {  	s16 =	sshrl.u32 s14, $0x3;
	[sflag:s0] =	ssyncset.done $0x0  }
0x67: {  	s16 =	sadd.s32 s1, s16;
	[sflag:s0] =	ssyncadd.s32 $0xFFFF6400  }
0x68: {  	[tilespmem:s3], [sflag:$0x5] =	stream.linear.gather [hbm4b:s16+s3], $0x270, $0x38;
	[tilespmem:$0x1DE20] =	vst v63  }
0x69: {  	_ =	swait.ge [sflag:s23], $0x270  }
0x6a: {  	[sflag:s23] =	ssyncset.done $0x0  }
0x6b: {  	s16 =	sadd.s32 s15, s20;
	[sflag:s23] =	ssyncadd.s32 $0xFFFFFD90  }
0x6c: {  	[tilespmem:s24], [sflag:$0x5] =	stream.linear.gather [hbm4b:s16+s3], $0x270, $0x38;
	[tilespmem:$0x1DE20] =	vst v63  }
0x6d: {  	_ =	swait.ge [sflag:s23], $0x270  }
0x6e: {  	[sflag:s23] =	ssyncset.done $0x0  }
0x6f: {  	[sflag:s23] =	ssyncadd.s32 $0xFFFFFD90  }
0x70: {  	[tilespmem:s25], [sflag:$0x1] =	stream.indirect.gather [hbm4b:s5+s24], $0x40, s3, s24, $0xb8;
	[tilespmem:$0x1DE20] =	vst v63  }
0x71: {  	_ =	swait.ge [sflag:s4], $0x9C00  }
0x72: {  	[sflag:s4] =	ssyncset.done $0x0  }
0x73: {  	s16 =	sadd.s32 s15, s21;
	[sflag:s4] =	ssyncadd.s32 $0xFFFF6400  }
0x74: {  	[tilespmem:s26], [sflag:$0x5] =	stream.linear.gather [hbm4b:s16+s3], $0x270, $0x38;
	[tilespmem:$0x1DE20] =	vst v63  }
0x75: {  	_ =	swait.ge [sflag:s23], $0x270  }
0x76: {  	[sflag:s23] =	ssyncset.done $0x0  }
0x77: {  	s15 =	sadd.s32 s15, s18;
	[sflag:s23] =	ssyncadd.s32 $0xFFFFFD90  }
0x78: {  	[tilespmem:s28], [sflag:$0x5] =	stream.linear.gather [hbm4b:s15+s3], $0x270, $0x38;
	[tilespmem:$0x1DE20] =	vst v63  }
0x79: {  	_ =	swait.ge [sflag:s23], $0x270  }
0x7a: {  	[sflag:s23] =	ssyncset.done $0x0  }
0x7b: {  	[sflag:s23] =	ssyncadd.s32 $0xFFFFFD90  }
0x7c: {  	[tilespmem:s29], [sflag:$0x3] =	stream.indirect.gather [hbm4b:s5+s24], $0x40, s26, s24, $0xb8;
	[tilespmem:$0x1DE20] =	vst v63  }
0x7d: {  	_ =	swait.ge [sflag:s30], $0x9C00  }
0x7e: {  	[sflag:s30] =	ssyncset.done $0x0  }
.Ltmp0:
0x7f: {  	[sflag:s30] =	ssyncadd.s32 $0xFFFF6400;
	(pc) =	sbr.rel @p1 .LBB2_2-.Ltmp0, $4  }
0x80: {  	[spmem:s2] =	stream.indirect.scatter.add.f32 [tilespmem:s25], [sflag:$0x2], $0x40, s24, s24, $0xb8;
	[tilespmem:$0x1DE20] =	vst v63  }
0x81: {  	_ =	swait.ge [sflag:s31], $0x9C00  }
0x82: {  	[sflag:s31] =	ssyncset.done $0x0  }
0x83: {  	s14 =	sadd.s32 $0x4E0, s14;
	[sflag:s31] =	ssyncadd.s32 $0xFFFF6400  }
0x84: {  	[spmem:s2] =	stream.indirect.scatter.add.f32 [tilespmem:s29], [sflag:$0x4], $0x40, s28, s24, $0xb8;
	[tilespmem:$0x1DE20] =	vst v63  }
0x85: {  	_ =	swait.ge [sflag:s0], $0x9C00  }
0x86: {  	[sflag:s0] =	ssyncset.done $0x0  }
0x87: {  	[sflag:s0] =	ssyncadd.s32 $0xFFFF6400  }
0x88: {  	_ =	swait.ge [sflag:s4], $0x9C00  }
0x89: {  	[sflag:s4] =	ssyncset.done $0x0  }
0x8a: {  	s13 =	rddreg [dreg:$0xa];
	[sflag:s4] =	ssyncadd.s32 $0xFFFF6400  }
0x8b: {  	[tilespmem:s6], [sflag:$0x5] =	stream.linear.gather [hbm4b:s13+s3], $0x10, $0x38;
	[tilespmem:$0x1DE20] =	vst v63  }
0x8c: {  	_ =	swait.ge [sflag:s23], $0x10  }
0x8d: {  	[sflag:s23] =	ssyncset.done $0x0  }
0x8e: {  	s16 =	rddreg [dreg:$0xb];
	[sflag:s23] =	ssyncadd.s32 $0xFFFFFFF0  }
0x8f: {  	[tilespmem:s7], [sflag:$0x5] =	stream.linear.gather [hbm4b:s16+s3], $0x10, $0x38;
	[tilespmem:$0x1DE20] =	vst v63  }
0x90: {  	_ =	swait.ge [sflag:s23], $0x10  }
0x91: {  	[sflag:s23] =	ssyncset.done $0x0  }
0x92: {  	[sflag:s23] =	ssyncadd.s32 $0xFFFFFFF0  }
0x93: {  	[tilespmem:s25], [sflag:$0x1] =	stream.indirect.gather [hbm4b:s5+s9], $0x40, s6, s9, $0xb8;
	[tilespmem:$0x1DE20] =	vst v63  }
0x94: {  	_ =	swait.ge [sflag:s30], $0x400  }
0x95: {  	[sflag:s30] =	ssyncset.done $0x0  }
0x96: {  	[sflag:s30] =	ssyncadd.s32 $0xFFFFFC00  }
0x97: {  	[spmem:s2] =	stream.indirect.scatter.add.f32 [tilespmem:s25], [sflag:$0x5], $0x40, s7, s9, $0xb8;
	[tilespmem:$0x1DE20] =	vst v63  }
0x98: {  	_ =	swait.ge [sflag:s23], $0x400  }
0x99: {  	[sflag:s23] =	ssyncset.done $0x0  }
0x9a: {  	[sflag:s23] =	ssyncadd.s32 $0xFFFFFC00  }
0x9b: {  	[bflag:$0x0] =	sbarrier.arrive $0xFFFF  }
0x9c: {  	s13 =	simm.s32 @p0 $0x1FC5;
	s14 =	rddreg [dreg:$0xd]  }
0x9d: {  	[hbm:s14], [sflag:s13] =	dma.local @p0 [spmem:s22], $0x1040  }
0x9e: {  	s13 =	simm.s32 @p0 $0x5  }
0x9f: {  	_ =	swait.ge @p0 [sflag:s13], $0x1040  }
0xa0: {  	s10 =	sadd.s32 $0x1, s10;
	[sflag:s13] =	ssyncset.done @p0 $0x0  }
0xa1: {  	p1 =	sne.s32 s10, s17;
	[sflag:s13] =	ssyncadd.s32 @p0 $0xFFFFEFC0;
	s13 =	rddreg [dreg:$0xc]  }
0xa2: {  	[hbm:s13], [sflag:s11] =	dma.local @!p0 [spmem:s12], $0x13C0  }
.Ltmp1:
0xa3: {  	_ = 	snop;
	(pc) =	sbr.rel @p1 .LBB2_1-.Ltmp1, $4  }
0xa4: {  	s11 =	simm.s32 @!p0 $0x5  }
0xa5: {  	_ =	swait.ge @!p0 [sflag:s11], $0x13C0  }
0xa6: {  	[sflag:s11] =	ssyncset.done @!p0 $0x0  }
0xa7: {  	[sflag:s11] =	ssyncadd.s32 @!p0 $0xFFFFEC40  }
0xa8: {  	_ =	sfence.sel $0x180000  }
0xa9: {  	[bflag:$0x0] =	sbarrier.arrive $0xFFFF  }
0xaa: {  	_ =	strace $0x9000004D  }
0xab: {  	s0 =	stileid.u32;
	[bflag:$0x2] =	sbarrier.arrive $0xFFFF  }
0xac: {  	p0 =	sne.s32 s0, $0x0;
	s0 =	rddreg [dreg:$0x3]  }
0xad: {  	s0 =	sadd.s32 @!p0 $0x100000, s0  }
0xae: {  	[sflag:s0] =	ssyncadd.tile.s32 @!p0 $0x1;
	_ =	shalt  }
.Lfunc_end2:
_tile_overlayer_lowered:
.L_overlay_start_2:
0xaf: {  	(tag) =	ssettag $0x2  }
0xb0: {  	s0 =	rddreg [dreg:$0x0];
	s2 =	stileid.u32  }
0xb1: {  	s1 =	rddreg [dreg:$0x1];
	p0 =	sne.s32 s2, $0x0  }
0xb2: {  	s3 =	rddreg [dreg:$0x2];
	[bflag:$0x3] =	sbarrier.arrive $0xFFFF;
	s2 =	simm.s32 @!p0 $0x1C05  }
0xb3: {  	[timem:s3], [sflag:s2] =	dma.local @!p0 [hbm:s0], s1  }
0xb4: {  	s0 =	simm.s32 @!p0 $0x5  }
0xb5: {  	_ =	swait.ge @!p0 [sflag:s0], s1  }
0xb6: {  	s1 =	ssub.s32 @!p0 $0x0, s1;
	[sflag:s0] =	ssyncset.done @!p0 $0x0  }
0xb7: {  	[sflag:s0] =	ssyncadd.s32 @!p0 s1  }
0xb8: {  	[bflag:$0x3] =	sbarrier.arrive $0xFFFF  }
0xb9: {  	_ =	shalt  }

// kernel: kernel.8.cloned.1.call-start
scs
__scs_entry_jumppad:
0x0: {  	(pc) =	sbr.rel $0x88, $3  }
0x1: {  	(tag) =	ssettag $0x0;
	lr =	simm.s32 $0x1  }
0x2: {  	[smem:$0x3F9B] =	sst lr;
	_ =	strace $0xD0000000  }
0x3: {  	_ = 	snop  }
0x4: {  	_ = 	snop  }
0x5: {  	_ = 	snop  }
0x6: {  	_ = 	snop  }
0x7: {  	_ = 	snop  }
__scs_overlays_trampoline_lowered:
0x8: {  	[smem:$0x3FAA] =	sst s0  }
0x9: {  	[smem:$0x3FAB] =	sst s1  }
0xa: {  	[smem:$0x3FAC] =	sst s2  }
0xb: {  	[smem:$0x3FAD] =	sst s3  }
0xc: {  	[smem:$0x3FAE] =	sst s4  }
0xd: {  	[smem:$0x3FAF] =	sst s5  }
0xe: {  	[smem:$0x3FB0] =	sst s6  }
0xf: {  	[smem:$0x3FB1] =	sst s7  }
0x10: {  	[smem:$0x3FB2] =	sst s8  }
0x11: {  	[smem:$0x3FB3] =	sst s9;
	s0 =	simm.s32 @!p0 $0x0  }
0x12: {  	s1 =	sld [smem:$0x3F99];
	s0 =	simm.s32 @p0 $0x1  }
0x13: {  	[smem:$0x3FB4] =	sst s0;
	s0 =	simm.s32 @!p1 $0x0  }
0x14: {  	s2 =	sld [smem:$0x3F98];
	s0 =	simm.s32 @p1 $0x1  }
0x15: {  	[smem:$0x3FB5] =	sst s0;
	s0 =	simm.s32 @!p2 $0x0  }
0x16: {  	s3 =	sld [smem:$0x3FDB];
	s0 =	simm.s32 @p2 $0x1  }
0x17: {  	s4 =	simm.s32 $0x1BF5;
	[smem:$0x3FB7] =	sst s0  }
0x18: {  	s0 =	sld [smem:$0x3F9A];
	_ =	swait.ge [sflag:s4], $0x0  }
0x19: {  	s7 =	sld [smem:$0x3F9B]  }
0x1a: {  	s8 =	sadd.s32 $0xFFFFE003, lr  }
0x1b: {  	s9 =	sadd.s32 $0xFFFFFEF7, lr;
	s5 =	simm.s32 $0xFFFFFFFF;
	p2 =	slt.u32 s8, $0xFFFFF086  }
0x1c: {  	p1 =	slt.u32 s9, $0xF7A;
	s5 =	simm.s32 @!p2 $0x0  }
0x1d: {  	s5 =	simm.s32 @p1 $0x1;
	p0 =	seq.s32 s7, s2  }
0x1e: {  	s7 =	smul.u32 @!p0 $0xF7A, s2;
	p2 =	seq.s32 @!p0 s5, $0x0  }
0x1f: {  	s9 =	smul.u32 $0xF7A, s1;
	s8 =	simm.s32 @!p0 $0x1BF5;
	p2 =	por !p2, p0  }
0x20: {  	[sflag:s8] =	ssyncset.s32 @!p0 $0xFFFFF086;
	s6 =	sadd.s32 @!p0 s3, s7;
	s7 =	simm.s32 @!p0 $0x108  }
0x21: {  	s3 =	sadd.s32 s3, s9;
	s6 =	sadd.s32 @!p0 $0x88, s6;
	s7 =	simm.s32 @p2 $0x1082  }
0x22: {  	[simem:s7], [sflag:s8] =	dma.local @!p0 [hbm:s6], $0xF7A  }
0x23: {  	s9 =	sor.u32 $0xD0000000, s2;
	s6 =	simm.s32 $0x108;
	_ =	swait.ge @!p0 [sflag:s8], $0x0  }
0x24: {  	s3 =	sadd.s32 $0x88, s3;
	s6 =	simm.s32 @!p1 $0x1082;
	[sflag:s4] =	ssyncset.s32 $0xFFFFF086  }
0x25: {  	[simem:s6], [sflag:s4] =	dma.local [hbm:s3], $0xF7A  }
0x26: {  	[smem:$0x3F9B] =	sst s1;
	(tag) =	ssettag s2;
	_ =	strace s9  }
0x27: {  	s1 =	sld [smem:$0x3FAB]  }
0x28: {  	s2 =	sld [smem:$0x3FAC]  }
0x29: {  	s4 =	sld [smem:$0x3FAE]  }
0x2a: {  	p0 =	seq.s32 s5, $0x0;
	s5 =	sld [smem:$0x3FAF]  }
0x2b: {  	s6 =	sld [smem:$0x3FB0]  }
0x2c: {  	s7 =	sld [smem:$0x3FB1]  }
0x2d: {  	s3 =	simm.s32 $0x108;
	s8 =	sld [smem:$0x3FB2]  }
0x2e: {  	s3 =	simm.s32 @!p0 $0x1082;
	s9 =	sld [smem:$0x3FB3]  }
0x2f: {  	lr =	sadd.s32 s0, s3;
	s0 =	sld [smem:$0x3FAA]  }
0x30: {  	s3 =	sld [smem:$0x3FAD]  }
0x31: {  	[smem:$0x3FB6] =	sst s10  }
0x32: {  	s10 =	sld [smem:$0x3FB4];
	_ =	sdelay $0x3  }
0x33: {  	p0 =	seq.s32 s10, $0x1;
	s10 =	sld [smem:$0x3FB6];
	_ =	sdelay $0x3  }
0x34: {  	[smem:$0x3FB6] =	sst s10  }
0x35: {  	s10 =	sld [smem:$0x3FB5];
	_ =	sdelay $0x3  }
0x36: {  	p1 =	seq.s32 s10, $0x1;
	s10 =	sld [smem:$0x3FB6];
	_ =	sdelay $0x3  }
0x37: {  	[smem:$0x3FB6] =	sst s10  }
0x38: {  	s10 =	sld [smem:$0x3FB7]  }
0x39: {  	_ = 	snop;
	(pc) =	sbr.ind lr, $3  }
0x3a: {  	_ = 	snop  }
0x3b: {  	_ = 	snop  }
0x3c: {  	p2 =	seq.s32 s10, $0x1;
	s10 =	sld [smem:$0x3FB6]  }
0x3d: {  	_ =	shalt  }
0x3e: {  	_ =	shalt  }
0x3f: {  	_ =	shalt  }
0x40: {  	_ =	shalt  }
0x41: {  	_ =	shalt  }
0x42: {  	_ =	shalt  }
0x43: {  	_ =	shalt  }
0x44: {  	_ =	shalt  }
0x45: {  	_ =	shalt  }
0x46: {  	_ =	shalt  }
0x47: {  	_ =	shalt  }
0x48: {  	_ =	shalt  }
0x49: {  	_ =	shalt  }
0x4a: {  	_ =	shalt  }
0x4b: {  	_ =	shalt  }
0x4c: {  	_ =	shalt  }
0x4d: {  	_ =	shalt  }
0x4e: {  	_ =	shalt  }
0x4f: {  	_ =	shalt  }
0x50: {  	_ =	shalt  }
0x51: {  	_ =	shalt  }
0x52: {  	_ =	shalt  }
0x53: {  	_ =	shalt  }
0x54: {  	_ =	shalt  }
0x55: {  	_ =	shalt  }
0x56: {  	_ =	shalt  }
0x57: {  	_ =	shalt  }
0x58: {  	_ =	shalt  }
0x59: {  	_ =	shalt  }
0x5a: {  	_ =	shalt  }
0x5b: {  	_ =	shalt  }
0x5c: {  	_ =	shalt  }
0x5d: {  	_ =	shalt  }
0x5e: {  	_ =	shalt  }
0x5f: {  	_ =	shalt  }
0x60: {  	_ =	shalt  }
0x61: {  	_ =	shalt  }
0x62: {  	_ =	shalt  }
0x63: {  	_ =	shalt  }
0x64: {  	_ =	shalt  }
0x65: {  	_ =	shalt  }
0x66: {  	_ =	shalt  }
0x67: {  	_ =	shalt  }
0x68: {  	_ =	shalt  }
0x69: {  	_ =	shalt  }
0x6a: {  	_ =	shalt  }
0x6b: {  	_ =	shalt  }
0x6c: {  	_ =	shalt  }
0x6d: {  	_ =	shalt  }
0x6e: {  	_ =	shalt  }
0x6f: {  	_ =	shalt  }
0x70: {  	_ =	shalt  }
0x71: {  	_ =	shalt  }
0x72: {  	_ =	shalt  }
0x73: {  	_ =	shalt  }
0x74: {  	_ =	shalt  }
0x75: {  	_ =	shalt  }
0x76: {  	_ =	shalt  }
0x77: {  	_ =	shalt  }
0x78: {  	_ =	shalt  }
0x79: {  	_ =	shalt  }
0x7a: {  	_ =	shalt  }
0x7b: {  	_ =	shalt  }
0x7c: {  	_ =	shalt  }
0x7d: {  	_ =	shalt  }
0x7e: {  	_ =	shalt  }
0x7f: {  	_ =	shalt  }
0x80: {  	_ =	shalt  }
0x81: {  	_ =	shalt  }
0x82: {  	_ =	shalt  }
0x83: {  	_ =	shalt  }
0x84: {  	_ =	shalt  }
0x85: {  	_ =	shalt  }
0x86: {  	_ =	shalt  }
0x87: {  	_ =	shalt  }
.Lfunc_end0:
.L_simem_size_0:
called_computation_lowered:
.L_overlay_start_0:
0x88: {  	s2 =	sld [smem:$0x3FD9]  }
0x89: {  	s3 =	sld [smem:$0x3FFE];
	_ =	sdelay $0x1  }
0x8a: {  	s1 =	srdreg.scid  }
0x8b: {  	s0 =	sand.u32 $0x1, s1  }
0x8c: {  	s17 =	sshll.u32 s0, $0xA;
	s2 =	sadd.s32 s3, s2  }
0x8d: {  	s2 =	sadd.s32 s2, s17  }
0x8e: {  	[smem:$0x3FC2] =	sst s2  }
0x8f: {  	_ = 	snop  }
0x90: {  	s2 =	sld [smem:$0x3FD0];
	(tm) =	ssettm $0x1  }
0x91: {  	s18 =	sld [smem:$0x3FFB];
	_ =	sdelay $0x3  }
0x92: {  	_ =	strace s18  }
0x93: {  	s3 =	sld [smem:$0x3FFC];
	_ =	sdelay $0x3  }
0x94: {  	_ =	strace s3  }
0x95: {  	s3 =	sld [smem:$0x3FFD];
	_ =	sdelay $0x3  }
0x96: {  	_ =	strace s3  }
0x97: {  	_ =	strace $0x8FFFFFFF  }
0x98: {  	s19 =	sld [smem:$0x3FDB];
	_ =	sdelay $0x1  }
0x99: {  	s4 =	simm.s32 $_scs_section_size  }
0x9a: {  	s5 =	simm.s32 $_size__tile_overlayer_lowered;
	s6 =	simm.s32 $_tile_overlayer_lowered  }
0x9b: {  	s22 =	simm.s32 $0x1BFF;
	s21 =	sshll.u32 s6, $0x1;
	s3 =	sadd.s32 s4, s19  }
0x9c: {  	s7 =	simm.s32 $0x0;
	s20 =	sshll.u32 s5, $0x1;
	s5 =	sadd.s32 s21, s3  }
0x9d: {  	[timem:s7], [sflag:s22] =	dma.local [hbm:s5], s20  }
0x9e: {  	_ =	swait.ge [sflag:s22], s20  }
0x9f: {  	s4 =	ssub.s32 $0x0, s20;
	[sflag:s22] =	ssyncset.done $0x0  }
0xa0: {  	[sflag:s22] =	ssyncadd.s32 s4;
	_ =	sdelay $0x1  }
0xa1: {  	s23 =	simm.s32 $0x1B8B  }
0xa2: {  	_ =	swait.ge [sflag:s23], $0x1  }
0xa3: {  	[sflag:s23] =	ssyncset.done $0x0  }
0xa4: {  	s25 =	simm.s32 $0x1B8E;
	s24 =	sld [smem:$0x3FFE];
	[sflag:s23] =	ssyncadd.s32 $0xFFFFFFFF  }
0xa5: {  	s26 =	simm.s32 $execute0_lowered;
	[smem:$0x3FD2] =	sst s25  }
0xa6: {  	s5 =	sshll.u32 s26, $0x1;
	_ =	strace $0x80000046;
	[dreg:$0x1] =	wrdreg $0xFFFFFFFF  }
0xa7: {  	s28 =	simm.s32 $_size_execute0_lowered;
	s3 =	sadd.s32 s3, s5;
	[dreg:$0x0] =	wrdreg $0x0  }
0xa8: {  	s5 =	sshll.u32 s28, $0x1;
	[dreg:$0x2] =	wrdreg s3  }
0xa9: {  	[dreg:$0x3] =	wrdreg s5  }
0xaa: {  	[dreg:$0x4] =	wrdreg $0xC0  }
0xab: {  	_ =	task [dreg:s7], $0x5FFFF  }
0xac: {  	[dreg:$0x1] =	wrdreg $0xFFFFFFFF  }
0xad: {  	[dreg:$0x0] =	wrdreg $0x60  }
0xae: {  	[dreg:$0x2] =	wrdreg s2  }
0xaf: {  	[dreg:$0x3] =	wrdreg s24  }
0xb0: {  	[dreg:$0x4] =	wrdreg $0x1C200  }
0xb1: {  	[dreg:$0x5] =	wrdreg $0x9  }
0xb2: {  	_ =	task.clear_ibuf [dreg:s7], $0x6FFFF;
	_ =	strace $0x90000046  }
0xb3: {  	s29 =	simm.s32 $0x9;
	_ =	strace $0x80000048  }
0xb4: {  	_ =	swait.ge [sflag:s29], $0x1  }
0xb5: {  	[sflag:s29] =	ssyncadd.s32 $0xFFFFFFFF  }
0xb6: {  	_ =	strace $0x90000048  }
0xb7: {  	_ =	sfence  }
0xb8: {  	s30 =	sld [smem:$0x0];
	_ =	sdelay $0x2  }
0xb9: {  	s31 =	sshll.u32 s1, $0xD;
	s1 =	sshrl.u32 s1, $0x2  }
0xba: {  	s3 =	sand.u32 $0x4000, s31;
	s1 =	sadd.s32 s1, s30  }
0xbb: {  	s0 =	sor.u32 s3, s0;
	s1 =	sshll.u32 s1, $0x11  }
0xbc: {  	s0 =	sor.u32 s1, s0  }
0xbd: {  	s0 =	sadd.s32 $0x8F2B, s0  }
0xbe: {  	[sflag:s0] =	ssyncadd.remote.s32 $0x1  }
0xbf: {  	_ =	sfence.sel $0xFFFF  }
0xc0: {  	[dreg:$0x0] =	wrdreg $0xFFFFFFFF;
	(pc) =	sbr.abs _section_cstart, $3  }
0xc1: {  	[dreg:$0x1] =	wrdreg $0xFFFFFFFF  }
0xc2: {  	_ =	task.clear_ibuf [dreg:s7], $0x2FFFF;
	_ =	strace $0x9FFFFFFF  }
0xc3: {  	(tm) =	ssettm $0x7FFFFFFF  }
tec
execute0_lowered:
.L_overlay_start_1:
0x0: {  	(tag) =	ssettag $0x1  }
0x1: {  	s13 =	rddreg [dreg:$0x0]  }
0x2: {  	s5 =	rddreg [dreg:$0x1]  }
0x3: {  	s1 =	rddreg [dreg:$0x2]  }
0x4: {  	s2 =	srdreg.scid;
	s0 =	rddreg [dreg:$0x3];
	s3 =	simm.s32 $0x0  }
0x5: {  	s19 =	simm.s32 $0x190;
	s20 =	simm.s32 $0x1;
	s6 =	sand.u32 $0x1, s2  }
0x6: {  	s21 =	simm.s32 $0x2;
	s2 =	stileid.u32;
	s7 =	smul.u32 $0x4F0, s6  }
0x7: {  	s23 =	simm.s32 $0x0;
	[smem:$0x7FF] =	sst s3;
	s11 =	smul.u32 $0x9E00, s2  }
0x8: {  	s12 =	sadd.s32 $0x2E00, s5;
	s15 =	sadd.s32 $0x25080, s1;
	s26 =	smul.u32 $0x27100, s6  }
0x9: {  	s4 =	sshll.u32 s6, $0x4;
	_ =	strace $0x80000047;
	s28 =	smul.u32 $0x2780, s2  }
0xa: {  	s8 =	ssub.s32 $0x2, s6;
	s17 =	smul.u32 $0x2710, s2;
	s4 =	sor.u32 s2, s4  }
0xb: {  	p0 =	seq.s32 s2, $0xF;
	s10 =	sshrl.u32 s8, $0x1;
	s9 =	smul.u32 $0x2710, s4  }
0xc: {  	s4 =	sadd.s32 $0x2A00, s5;
	s7 =	sadd.s32 s7, s5;
	s14 =	ssub.s32 s8, s10  }
0xd: {  	s24 =	sshrl.u32 s11, $0x2;
	s29 =	sadd.s32 s28, s26;
	s18 =	sshrl.u32 s26, $0x3  }
0xe: {  	s17 =	sadd.s32 s17, s26;
	s22 =	sadd.s32 s28, s1;
	s16 =	sadd.s32 s24, s1  }
0xf: {  	s5 =	sadd.s32 $0x2000, s7;
	s30 =	sadd.s32 $0x4E6B0, s17;
	s11 =	smax.u32 s14, $0x1  }
0x10: {  	s31 =	sadd.s32 $0x4E520, s17;
	s17 =	simm.s32 $0x320;
	s22 =	sshrl.u32 @!p0 s22, $0x3  }
0x11: {  	s25 =	sshrl.u32 s9, $0x3;
	s9 =	sshrl.u32 s29, $0x3;
	s14 =	sshrl.u32 s31, $0x3  }
0x12: {  	s16 =	sshrl.u32 @!p0 s16, $0x3;
	s9 =	sadd.s32 s12, s9;
	s12 =	sadd.s32 s12, s18  }
0x13: {  	s8 =	sadd.s32 s13, s25;
	s10 =	sadd.s32 $0x4A10, s12;
	s12 =	sshrl.u32 s30, $0x3  }
0x14: {  	s18 =	simm.s32 $0x3;
	s6 =	sadd.s32 $0x9C40, s8;
	s12 =	sadd.s32 s12, s13  }
0x15: {  	s13 =	sadd.s32 s14, s13;
	s14 =	sshrl.u32 @p0 s15, $0x3;
	s15 =	sshll.u32 @!p0 s2, $0x6  }
0x16: {  	s7 =	sadd.s32 $0x9C72, s8;
	s8 =	sadd.s32 $0xA0F0, s8;
	s15 =	sor.u32 @!p0 $0x1C03, s15  }
.LBB2_1:
0x17: {  	s24 =	simm.s32 @p0 $0x1FC3  }
0x18: {  	[spmem:s14], [sflag:s24] =	dma.local @p0 [hbm:s5], $0x410  }
0x19: {  	s24 =	simm.s32 @p0 $0x3  }
0x1a: {  	_ =	swait.ge @p0 [sflag:s24], $0x410  }
0x1b: {  	[sflag:s24] =	ssyncset.done @p0 $0x0  }
0x1c: {  	[sflag:s24] =	ssyncadd.s32 @p0 $0xFFFFFBF0;
	s24 =	simm.s32 @!p0 $0x3  }
0x1d: {  	[spmem:s16], [sflag:s15] =	dma.local @!p0 [hbm:s5], $0x4F0  }
0x1e: {  	_ =	swait.ge @!p0 [sflag:s24], $0x4F0  }
0x1f: {  	[sflag:s24] =	ssyncset.done @!p0 $0x0  }
0x20: {  	[sflag:s24] =	ssyncadd.s32 @!p0 $0xFFFFFB10  }
0x21: {  	[tilespmem:s17], [sflag:$0x3] =	stream.linear.gather [hbm4b:s4+s3], $0x1900, $0x38;
	[tilespmem:$0x4330] =	vst v63  }
0x22: {  	_ =	swait.ge [sflag:s18], $0x1900  }
0x23: {  	[sflag:s18] =	ssyncset.done $0x0  }
0x24: {  	[sflag:s18] =	ssyncadd.s32 $0xFFFFE700  }
0x25: {  	[bflag:$0x0] =	sbarrier.arrive $0xFFFF  }
0x26: {  	[tilespmem:s3], [sflag:$0x3] =	stream.linear.gather [hbm4b:s6+s3], $0x190, $0x38;
	[tilespmem:$0x4330] =	vst v63  }
0x27: {  	_ =	swait.ge [sflag:s18], $0x190  }
0x28: {  	[sflag:s18] =	ssyncset.done $0x0  }
0x29: {  	[sflag:s18] =	ssyncadd.s32 $0xFFFFFE70  }
0x2a: {  	[spmem:s1] =	stream.indirect.scatter.add.f32 [tilespmem:s17], [sflag:$0x1], $0x10, s3, s19, $0xb8;
	[tilespmem:$0x4330] =	vst v63  }
0x2b: {  	_ = 	snop  }
0x2c: {  	[tilespmem:s19], [sflag:$0x3] =	stream.linear.gather [hbm4b:s7+s3], $0x190, $0x38;
	[tilespmem:$0x4330] =	vst v63  }
0x2d: {  	_ =	swait.ge [sflag:s18], $0x190  }
0x2e: {  	[sflag:s18] =	ssyncset.done $0x0  }
0x2f: {  	[sflag:s18] =	ssyncadd.s32 $0xFFFFFE70  }
0x30: {  	[spmem:s1] =	stream.indirect.scatter.add.f32 [tilespmem:s17], [sflag:$0x2], $0x10, s19, s19, $0xb8;
	[tilespmem:$0x4330] =	vst v63  }
0x31: {  	_ =	swait.ge [sflag:s20], $0x1900  }
0x32: {  	[sflag:s20] =	ssyncset.done $0x0  }
0x33: {  	s30 =	sadd.s32 $0x0, s13;
	[sflag:s20] =	ssyncadd.s32 $0xFFFFE700  }
0x34: {  	[tilespmem:s3], [sflag:$0x3] =	stream.linear.gather [hbm4b:s30+s3], $0x190, $0x38;
	[tilespmem:$0x4330] =	vst v63  }
0x35: {  	_ =	swait.ge [sflag:s18], $0x190  }
0x36: {  	[sflag:s18] =	ssyncset.done $0x0  }
0x37: {  	[sflag:s18] =	ssyncadd.s32 $0xFFFFFE70  }
0x38: {  	[spmem:s1] =	stream.indirect.scatter.add.f32 [tilespmem:s17], [sflag:$0x1], $0x10, s3, s19, $0xb8;
	[tilespmem:$0x4330] =	vst v63  }
0x39: {  	_ =	swait.ge [sflag:s21], $0x1900  }
0x3a: {  	[sflag:s21] =	ssyncset.done $0x0  }
0x3b: {  	s31 =	sadd.s32 $0x0, s12;
	[sflag:s21] =	ssyncadd.s32 $0xFFFFE700  }
0x3c: {  	[tilespmem:s19], [sflag:$0x3] =	stream.linear.gather [hbm4b:s31+s3], $0x190, $0x38;
	[tilespmem:$0x4330] =	vst v63  }
0x3d: {  	_ =	swait.ge [sflag:s18], $0x190  }
0x3e: {  	[sflag:s18] =	ssyncset.done $0x0  }
0x3f: {  	s24 =	simm.s32 $0x64;
	[sflag:s18] =	ssyncadd.s32 $0xFFFFFE70  }
.LBB2_2:
0x40: {  	[spmem:s1] =	stream.indirect.scatter.add.f32 [tilespmem:s17], [sflag:$0x2], $0x10, s19, s19, $0xb8;
	[tilespmem:$0x4330] =	vst v63  }
0x41: {  	s25 =	smov.u32 s24  }
0x42: {  	p1 =	sne.s32 s24, $0x3E8;
	s24 =	sadd.s32 $0x64, s24;
	_ =	swait.ge [sflag:s20], $0x1900  }
0x43: {  	[sflag:s20] =	ssyncset.done $0x0  }
0x44: {  	s26 =	sadd.s32 s25, s13;
	[sflag:s20] =	ssyncadd.s32 $0xFFFFE700  }
0x45: {  	[tilespmem:s3], [sflag:$0x3] =	stream.linear.gather [hbm4b:s26+s3], $0x190, $0x38;
	[tilespmem:$0x4330] =	vst v63  }
0x46: {  	_ =	swait.ge [sflag:s18], $0x190  }
0x47: {  	[sflag:s18] =	ssyncset.done $0x0  }
0x48: {  	[sflag:s18] =	ssyncadd.s32 $0xFFFFFE70  }
0x49: {  	[spmem:s1] =	stream.indirect.scatter.add.f32 [tilespmem:s17], [sflag:$0x1], $0x10, s3, s19, $0xb8;
	[tilespmem:$0x4330] =	vst v63  }
0x4a: {  	_ =	swait.ge [sflag:s21], $0x1900  }
0x4b: {  	[sflag:s21] =	ssyncset.done $0x0  }
.Ltmp0:
0x4c: {  	s25 =	sadd.s32 s25, s12;
	[sflag:s21] =	ssyncadd.s32 $0xFFFFE700;
	(pc) =	sbr.rel @p1 .LBB2_2-.Ltmp0, $4  }
0x4d: {  	[tilespmem:s19], [sflag:$0x3] =	stream.linear.gather [hbm4b:s25+s3], $0x190, $0x38;
	[tilespmem:$0x4330] =	vst v63  }
0x4e: {  	_ =	swait.ge [sflag:s18], $0x190  }
0x4f: {  	[sflag:s18] =	ssyncset.done $0x0  }
0x50: {  	[sflag:s18] =	ssyncadd.s32 $0xFFFFFE70  }
0x51: {  	[spmem:s1] =	stream.indirect.scatter.add.f32 [tilespmem:s17], [sflag:$0x2], $0x10, s19, s19, $0xb8;
	[tilespmem:$0x4330] =	vst v63  }
0x52: {  	_ =	swait.ge [sflag:s20], $0x1900  }
0x53: {  	[sflag:s20] =	ssyncset.done $0x0  }
0x54: {  	[sflag:s20] =	ssyncadd.s32 $0xFFFFE700  }
0x55: {  	[tilespmem:s3], [sflag:$0x3] =	stream.linear.gather [hbm4b:s8+s3], $0x190, $0x38;
	[tilespmem:$0x4330] =	vst v63  }
0x56: {  	_ =	swait.ge [sflag:s18], $0x190  }
0x57: {  	[sflag:s18] =	ssyncset.done $0x0  }
0x58: {  	[sflag:s18] =	ssyncadd.s32 $0xFFFFFE70  }
0x59: {  	[spmem:s1] =	stream.indirect.scatter.add.f32 [tilespmem:s17], [sflag:$0x1], $0x10, s3, s19, $0xb8;
	[tilespmem:$0x4330] =	vst v63  }
0x5a: {  	_ =	swait.ge [sflag:s21], $0x1900  }
0x5b: {  	[sflag:s21] =	ssyncset.done $0x0  }
0x5c: {  	[sflag:s21] =	ssyncadd.s32 $0xFFFFE700  }
0x5d: {  	_ =	swait.ge [sflag:s20], $0x1900  }
0x5e: {  	[sflag:s20] =	ssyncset.done $0x0  }
0x5f: {  	[sflag:s20] =	ssyncadd.s32 $0xFFFFE700  }
0x60: {  	s24 =	simm.s32 @p0 $0x1FC3;
	[bflag:$0x0] =	sbarrier.arrive $0xFFFF  }
0x61: {  	[hbm:s10], [sflag:s24] =	dma.local @p0 [spmem:s14], $0x410  }
0x62: {  	s24 =	simm.s32 @p0 $0x3  }
0x63: {  	s23 =	sadd.s32 $0x1, s23;
	_ =	swait.ge @p0 [sflag:s24], $0x410  }
0x64: {  	p1 =	sne.s32 s23, s11;
	[sflag:s24] =	ssyncset.done @p0 $0x0  }
.Ltmp1:
0x65: {  	[sflag:s24] =	ssyncadd.s32 @p0 $0xFFFFFBF0;
	s24 =	simm.s32 @!p0 $0x3;
	(pc) =	sbr.rel @p1 .LBB2_1-.Ltmp1, $4  }
0x66: {  	[hbm:s9], [sflag:s15] =	dma.local @!p0 [spmem:s22], $0x4F0  }
0x67: {  	_ =	swait.ge @!p0 [sflag:s24], $0x4F0  }
0x68: {  	[sflag:s24] =	ssyncset.done @!p0 $0x0  }
0x69: {  	[sflag:s24] =	ssyncadd.s32 @!p0 $0xFFFFFB10  }
0x6a: {  	_ =	sfence.sel $0x180000  }
0x6b: {  	[bflag:$0x0] =	sbarrier.arrive $0xFFFF  }
0x6c: {  	p0 =	sne.s32 s2, $0x0;
	_ =	strace $0x90000047  }
0x6d: {  	s0 =	sadd.s32 @!p0 $0x100000, s0;
	[bflag:$0x2] =	sbarrier.arrive $0xFFFF  }
0x6e: {  	[sflag:s0] =	ssyncadd.tile.s32 @!p0 $0x1;
	_ =	shalt  }
.Lfunc_end2:
_tile_overlayer_lowered:
.L_overlay_start_2:
0x6f: {  	(tag) =	ssettag $0x2  }
0x70: {  	s0 =	rddreg [dreg:$0x0];
	s2 =	stileid.u32  }
0x71: {  	s1 =	rddreg [dreg:$0x1];
	p0 =	sne.s32 s2, $0x0  }
0x72: {  	s3 =	rddreg [dreg:$0x2];
	[bflag:$0x3] =	sbarrier.arrive $0xFFFF;
	s2 =	simm.s32 @!p0 $0x1C03  }
0x73: {  	[timem:s3], [sflag:s2] =	dma.local @!p0 [hbm:s0], s1  }
0x74: {  	s0 =	simm.s32 @!p0 $0x3  }
0x75: {  	_ =	swait.ge @!p0 [sflag:s0], s1  }
0x76: {  	s1 =	ssub.s32 @!p0 $0x0, s1;
	[sflag:s0] =	ssyncset.done @!p0 $0x0  }
0x77: {  	[sflag:s0] =	ssyncadd.s32 @!p0 s1  }
0x78: {  	[bflag:$0x3] =	sbarrier.arrive $0xFFFF  }
0x79: {  	_ =	shalt  }

</sc_bundles>
